<compile_context>
chip_gen: v7x
topology: tpu7x:2x2x1
jax: 0.10.2.dev20260603
libtpu: 0.0.44.dev20260713+nightly
codegen_flags: <defaults>
</compile_context>

<pallas_src>
import jax
import jax.numpy as jnp
from jax import lax
from jax.experimental import pallas as pl
from jax.experimental.pallas import tpu as pltpu
from jax.experimental.pallas import tpu_sc as plsc

D = 128
L = 16
P = 128
NW = 32
NBUF = 2


def _body(w_in, w_out, b_in, b_out, i_idx, j_idx, out,
          i_v0, i_v1, j_v0, j_v1, wi0, wi1, wj0, wj1,
          bi0, bi1, bj0, bj1, ob, accs, semr0, semr1, semi0, semi1):
  bufs = ((i_v0, j_v0, wi0, wj0, bi0, bj0, semr0, semi0),
          (i_v1, j_v1, wi1, wj1, bi1, bj1, semr1, semi1))
  n_per_w = out.shape[0] // NW
  n_chunks = n_per_w // P
  wid = lax.axis_index("s") * 2 + lax.axis_index("c")
  base = wid * n_per_w
  iota = lax.iota(jnp.int32, L)

  def idx_copies(c, b):
    i_v, j_v, wi, wj, bi, bj, semr, semi = bufs[b]
    off = base + c * P
    return (pltpu.make_async_copy(i_idx.at[pl.ds(off, P)], i_v, semi.at[0]),
            pltpu.make_async_copy(j_idx.at[pl.ds(off, P)], j_v, semi.at[1]))

  def row_gathers(b):
    i_v, j_v, wi, wj, bi, bj, semr, semi = bufs[b]
    return (pltpu.make_async_copy(w_in.at[i_v], wi, semr.at[0]),
            pltpu.make_async_copy(w_out.at[j_v], wj, semr.at[1]),
            pltpu.make_async_copy(b_in.at[i_v], bi, semr.at[2]),
            pltpu.make_async_copy(b_out.at[j_v], bj, semr.at[3]))

  def compute(c, b):
    i_v, j_v, wi, wj, bi, bj, semr, semi = bufs[b]
    cbase = c * P

    def load_pair(p):
      return ([wi[p, pl.ds(k * L, L)] for k in range(D // L)],
              [wj[p, pl.ds(k * L, L)] for k in range(D // L)])

    def math(u, la, lb):
      prods = [a * b for a, b in zip(la, lb)]
      while len(prods) > 1:
        prods = [prods[i] + prods[i + 1] for i in range(0, len(prods), 2)]
      accs[pl.ds(u * L, L)] = prods[0]

    def group_body(g, _):
      la, lb = load_pair(g * L)
      for u in range(1, L):
        na, nb = load_pair(g * L + u)
        math(u - 1, la, lb)
        la, lb = na, nb
      math(L - 1, la, lb)
      out_v = bi[pl.ds(g * L, L)] + bj[pl.ds(g * L, L)]
      out_v += plsc.load_gather(accs, [iota * L])
      for l in range(1, L):
        out_v += plsc.load_gather(accs, [iota * L + l])
      ob[pl.ds(cbase + g * L, L)] = out_v
      return 0

    lax.fori_loop(0, P // L, group_body, 0)

  for cp in idx_copies(0, 0):
    cp.start()
  for cp in idx_copies(0, 0):
    cp.wait()
  for cp in row_gathers(0):
    cp.start()
  for cp in idx_copies(1, 1):
    cp.start()

  def super_body(t, _):
    for b in range(NBUF):
      c = NBUF * t + b

      @pl.when(c + 1 < n_chunks)
      def _():
        b2 = (b + 1) % NBUF
        for cp in idx_copies(c + 1, b2):
          cp.wait()
        for cp in row_gathers(b2):
          cp.start()

      for cp in row_gathers(b):
        cp.wait()

      @pl.when(c + 2 < n_chunks)
      def _():
        for cp in idx_copies(c + 2, b):
          cp.start()

      compute(c, b)
    return 0

  lax.fori_loop(0, n_chunks // NBUF, super_body, 0)
  pltpu.sync_copy(ob, out.at[pl.ds(base, n_per_w)])


def kernel(words, W_in, W_out, bias_in, bias_out):
  if words.ndim == 1 and words.size == 2:
    words = words[None, :]
  B = words.shape[0]
  i_idx = words[:, 0]
  j_idx = words[:, 1]

  mesh = plsc.VectorSubcoreMesh(
      core_axis_name="c", subcore_axis_name="s", num_cores=2, num_subcores=16)
  k = pl.kernel(
      _body,
      out_type=jax.ShapeDtypeStruct((B,), jnp.float32),
      mesh=mesh,
      compiler_params=pltpu.CompilerParams(needs_layout_passes=False),
      scratch_types=[
          pltpu.VMEM((P,), jnp.int32),
          pltpu.VMEM((P,), jnp.int32),
          pltpu.VMEM((P,), jnp.int32),
          pltpu.VMEM((P,), jnp.int32),
          pltpu.VMEM((P, D), jnp.float32),
          pltpu.VMEM((P, D), jnp.float32),
          pltpu.VMEM((P, D), jnp.float32),
          pltpu.VMEM((P, D), jnp.float32),
          pltpu.VMEM((P,), jnp.float32),
          pltpu.VMEM((P,), jnp.float32),
          pltpu.VMEM((P,), jnp.float32),
          pltpu.VMEM((P,), jnp.float32),
          pltpu.VMEM((B // NW,), jnp.float32),
          pltpu.VMEM((L * L,), jnp.float32),
          pltpu.SemaphoreType.DMA((4,)),
          pltpu.SemaphoreType.DMA((4,)),
          pltpu.SemaphoreType.DMA((2,)),
          pltpu.SemaphoreType.DMA((2,)),
      ],
  )
  return k(W_in, W_out, bias_in, bias_out, i_idx, j_idx)

# --- scband reference (transcript-rebuilt; emitter-appended) ---
"""Pipeline reference for scband-glo-ve-3667902070899 (READ-ONLY COPY).

The authoritative reference and input builder live on the scoring server;
editing this copy changes nothing except your own understanding.
"""

import jax, jax.numpy as jnp
import numpy as np

INPUT_SIZE = 100000
EMBEDDING_SIZE = 128
BATCH = 16384

def setup_inputs(seed: int = 0) -> dict:
    key = jax.random.key(seed)
    k_words, k_win, k_wout = jax.random.split(key, 3)
    dev = 1.0 / EMBEDDING_SIZE ** 0.5
    words = jax.random.randint(k_words, (BATCH, 2), 0, INPUT_SIZE, dtype=jnp.int64 if jax.config.jax_enable_x64 else jnp.int32).astype(jnp.int32)
    W_in = jax.random.uniform(k_win, (INPUT_SIZE, EMBEDDING_SIZE), dtype=jnp.float32, minval=-dev, maxval=dev)
    W_out = jax.random.uniform(k_wout, (INPUT_SIZE, EMBEDDING_SIZE), dtype=jnp.float32, minval=-dev, maxval=dev)
    bias_in = jnp.zeros((INPUT_SIZE,), dtype=jnp.float32)
    bias_out = jnp.zeros((INPUT_SIZE,), dtype=jnp.float32)
    return {"words": words, "W_in": W_in, "W_out": W_out, "bias_in": bias_in, "bias_out": bias_out}

def reference(words, W_in, W_out, bias_in, bias_out):
    if words.ndim == 1 and words.size == 2:
        words = words[None, :]
    i_idx = words[:, 0]
    j_idx = words[:, 1]
    wi = jnp.take(W_in, i_idx, axis=0)
    wj = jnp.take(W_out, j_idx, axis=0)
    bi = jnp.take(bias_in, i_idx, axis=0)
    bj = jnp.take(bias_out, j_idx, axis=0)
    s = jnp.sum(wi * wj, axis=-1) + bi + bj
    return s

if __name__ == "__main__":
    import jax
    _d = setup_inputs()
    print(jax.jit(kernel)(*tuple(_d.values())))

</pallas_src>

<mosaic_0001>
#map = affine_map<(d0, d1) -> (0, 0)>
#map1 = affine_map<(d0, d1) -> (0)>
module attributes {stable_mosaic.version = 14 : i64} {
  func.func @_body(%arg0: i32, %arg1: i32, %arg2: memref<100000x128xf32, #tpu.memory_space<hbm>>, %arg3: memref<100000x128xf32, #tpu.memory_space<hbm>>, %arg4: memref<100000xf32, #tpu.memory_space<hbm>>, %arg5: memref<100000xf32, #tpu.memory_space<hbm>>, %arg6: memref<16384xi32, #tpu.memory_space<hbm>>, %arg7: memref<16384xi32, #tpu.memory_space<hbm>>, %arg8: memref<16384xf32, #tpu.memory_space<hbm>>, %arg9: memref<128xi32, #tpu.memory_space<vmem>>, %arg10: memref<128xi32, #tpu.memory_space<vmem>>, %arg11: memref<128xi32, #tpu.memory_space<vmem>>, %arg12: memref<128xi32, #tpu.memory_space<vmem>>, %arg13: memref<128x128xf32, #tpu.memory_space<vmem>>, %arg14: memref<128x128xf32, #tpu.memory_space<vmem>>, %arg15: memref<128x128xf32, #tpu.memory_space<vmem>>, %arg16: memref<128x128xf32, #tpu.memory_space<vmem>>, %arg17: memref<128xf32, #tpu.memory_space<vmem>>, %arg18: memref<128xf32, #tpu.memory_space<vmem>>, %arg19: memref<128xf32, #tpu.memory_space<vmem>>, %arg20: memref<128xf32, #tpu.memory_space<vmem>>, %arg21: memref<512xf32, #tpu.memory_space<vmem>>, %arg22: memref<256xf32, #tpu.memory_space<vmem>>, %arg23: memref<4x!tpu.dma_semaphore, #tpu.memory_space<semaphore_mem>>, %arg24: memref<4x!tpu.dma_semaphore, #tpu.memory_space<semaphore_mem>>, %arg25: memref<2x!tpu.dma_semaphore, #tpu.memory_space<semaphore_mem>>, %arg26: memref<2x!tpu.dma_semaphore, #tpu.memory_space<semaphore_mem>>) attributes {dimension_semantics = [#tpu.dimension_semantics<core_parallel>, #tpu.dimension_semantics<subcore_parallel>], iteration_bounds = array<i64: 2, 16>, scalar_prefetch = 0 : i64, scratch_operands = 18 : i64, tpu.core_type = #tpu.core_type<sc_vector_subcore>, window_params = [{transform_indices = #map}, {transform_indices = #map}, {transform_indices = #map1}, {transform_indices = #map1}, {transform_indices = #map1}, {transform_indices = #map1}, {transform_indices = #map1}]} {
    %mul3A = arith.constant 2 : i32
    %mul3A_0 = arith.muli %arg1, %mul3A : i32
    %add3A = arith.addi %mul3A_0, %arg0 : i32
    %mul3A_1 = arith.constant 512 : i32
    %mul3A_2 = arith.muli %add3A, %mul3A_1 : i32
    %iota3A = tpu.iota {dimensions = array<i32: 0>} : vector<16xi32>
    %add3A_3 = arith.constant 0 : i32
    %add3A_4 = arith.addi %mul3A_2, %add3A_3 : i32
    %dma_start3A = arith.constant 0 : i32
    %dma_start3A_5 = tpu.memref_slice %arg6[%add3A_4] : memref<16384xi32, #tpu.memory_space<hbm>> -> memref<128xi32, #tpu.memory_space<hbm>>
    %dma_start3A_6 = tpu.memref_slice %arg25[%dma_start3A] : memref<2x!tpu.dma_semaphore, #tpu.memory_space<semaphore_mem>> -> memref<1x!tpu.dma_semaphore, #tpu.memory_space<semaphore_mem>>
    %dma_start3A_7 = tpu.memref_squeeze %dma_start3A_6 : memref<1x!tpu.dma_semaphore, #tpu.memory_space<semaphore_mem>> -> memref<!tpu.dma_semaphore, #tpu.memory_space<semaphore_mem>>
    %dma_start3A_8 = tpu.memref_slice %arg6[%add3A_4] : memref<16384xi32, #tpu.memory_space<hbm>> -> memref<128xi32, #tpu.memory_space<hbm>>
    tpu.enqueue_dma source(%dma_start3A_8 : memref<128xi32, #tpu.memory_space<hbm>>) target(%arg9 : memref<128xi32, #tpu.memory_space<vmem>>) target_semaphore(%dma_start3A_7 : memref<!tpu.dma_semaphore, #tpu.memory_space<semaphore_mem>>)
    %dma_start3A_9 = arith.constant 1 : i32
    %dma_start3A_10 = tpu.memref_slice %arg7[%add3A_4] : memref<16384xi32, #tpu.memory_space<hbm>> -> memref<128xi32, #tpu.memory_space<hbm>>
    %dma_start3A_11 = tpu.memref_slice %arg25[%dma_start3A_9] : memref<2x!tpu.dma_semaphore, #tpu.memory_space<semaphore_mem>> -> memref<1x!tpu.dma_semaphore, #tpu.memory_space<semaphore_mem>>
    %dma_start3A_12 = tpu.memref_squeeze %dma_start3A_11 : memref<1x!tpu.dma_semaphore, #tpu.memory_space<semaphore_mem>> -> memref<!tpu.dma_semaphore, #tpu.memory_space<semaphore_mem>>
    %dma_start3A_13 = tpu.memref_slice %arg7[%add3A_4] : memref<16384xi32, #tpu.memory_space<hbm>> -> memref<128xi32, #tpu.memory_space<hbm>>
    tpu.enqueue_dma source(%dma_start3A_13 : memref<128xi32, #tpu.memory_space<hbm>>) target(%arg11 : memref<128xi32, #tpu.memory_space<vmem>>) target_semaphore(%dma_start3A_12 : memref<!tpu.dma_semaphore, #tpu.memory_space<semaphore_mem>>)
    %add3A_14 = arith.constant 0 : i32
    %add3A_15 = arith.addi %mul3A_2, %add3A_14 : i32
    %dma_wait3A = arith.constant 0 : i32
    %dma_wait3A_16 = tpu.memref_slice %arg6[%add3A_15] : memref<16384xi32, #tpu.memory_space<hbm>> -> memref<128xi32, #tpu.memory_space<hbm>>
    %dma_wait3A_17 = tpu.memref_slice %arg25[%dma_wait3A] : memref<2x!tpu.dma_semaphore, #tpu.memory_space<semaphore_mem>> -> memref<1x!tpu.dma_semaphore, #tpu.memory_space<semaphore_mem>>
    %dma_wait3A_18 = tpu.memref_squeeze %dma_wait3A_17 : memref<1x!tpu.dma_semaphore, #tpu.memory_space<semaphore_mem>> -> memref<!tpu.dma_semaphore, #tpu.memory_space<semaphore_mem>>
    %dma_wait3A_19 = tpu.memref_slice %arg6[%add3A_15] : memref<16384xi32, #tpu.memory_space<hbm>> -> memref<128xi32, #tpu.memory_space<hbm>>
    tpu.wait_dma2 semaphore(%dma_wait3A_18 : memref<!tpu.dma_semaphore, #tpu.memory_space<semaphore_mem>>) src(%dma_wait3A_19 : memref<128xi32, #tpu.memory_space<hbm>>) dst(%arg9 : memref<128xi32, #tpu.memory_space<vmem>>)
    %dma_wait3A_20 = arith.constant 1 : i32
    %dma_wait3A_21 = tpu.memref_slice %arg7[%add3A_15] : memref<16384xi32, #tpu.memory_space<hbm>> -> memref<128xi32, #tpu.memory_space<hbm>>
    %dma_wait3A_22 = tpu.memref_slice %arg25[%dma_wait3A_20] : memref<2x!tpu.dma_semaphore, #tpu.memory_space<semaphore_mem>> -> memref<1x!tpu.dma_semaphore, #tpu.memory_space<semaphore_mem>>
    %dma_wait3A_23 = tpu.memref_squeeze %dma_wait3A_22 : memref<1x!tpu.dma_semaphore, #tpu.memory_space<semaphore_mem>> -> memref<!tpu.dma_semaphore, #tpu.memory_space<semaphore_mem>>
    %dma_wait3A_24 = tpu.memref_slice %arg7[%add3A_15] : memref<16384xi32, #tpu.memory_space<hbm>> -> memref<128xi32, #tpu.memory_space<hbm>>
    tpu.wait_dma2 semaphore(%dma_wait3A_23 : memref<!tpu.dma_semaphore, #tpu.memory_space<semaphore_mem>>) src(%dma_wait3A_24 : memref<128xi32, #tpu.memory_space<hbm>>) dst(%arg11 : memref<128xi32, #tpu.memory_space<vmem>>)
    %dma_start3A_25 = arith.constant 0 : i32
    %dma_start3A_26 = arith.constant 0 : i32
    %dma_start3A_27 = arith.constant 0 : i32
    %dma_start3A_28 = tpu.memref_slice %arg2[%dma_start3A_26, %dma_start3A_27] : memref<100000x128xf32, #tpu.memory_space<hbm>> -> memref<100000x128xf32, #tpu.memory_space<hbm>>
    %dma_start3A_29 = tpu.memref_slice %arg23[%dma_start3A_25] : memref<4x!tpu.dma_semaphore, #tpu.memory_space<semaphore_mem>> -> memref<1x!tpu.dma_semaphore, #tpu.memory_space<semaphore_mem>>
    %dma_start3A_30 = tpu.memref_squeeze %dma_start3A_29 : memref<1x!tpu.dma_semaphore, #tpu.memory_space<semaphore_mem>> -> memref<!tpu.dma_semaphore, #tpu.memory_space<semaphore_mem>>
    tpu.enqueue_indirect_dma source(%dma_start3A_28 : memref<100000x128xf32, #tpu.memory_space<hbm>>) target(%arg13 : memref<128x128xf32, #tpu.memory_space<vmem>>) offsets(%arg9 : memref<128xi32, #tpu.memory_space<vmem>>) semaphore(%dma_start3A_30 : memref<!tpu.dma_semaphore, #tpu.memory_space<semaphore_mem>>)
    %dma_start3A_31 = arith.constant 1 : i32
    %dma_start3A_32 = arith.constant 0 : i32
    %dma_start3A_33 = arith.constant 0 : i32
    %dma_start3A_34 = tpu.memref_slice %arg3[%dma_start3A_32, %dma_start3A_33] : memref<100000x128xf32, #tpu.memory_space<hbm>> -> memref<100000x128xf32, #tpu.memory_space<hbm>>
    %dma_start3A_35 = tpu.memref_slice %arg23[%dma_start3A_31] : memref<4x!tpu.dma_semaphore, #tpu.memory_space<semaphore_mem>> -> memref<1x!tpu.dma_semaphore, #tpu.memory_space<semaphore_mem>>
    %dma_start3A_36 = tpu.memref_squeeze %dma_start3A_35 : memref<1x!tpu.dma_semaphore, #tpu.memory_space<semaphore_mem>> -> memref<!tpu.dma_semaphore, #tpu.memory_space<semaphore_mem>>
    tpu.enqueue_indirect_dma source(%dma_start3A_34 : memref<100000x128xf32, #tpu.memory_space<hbm>>) target(%arg15 : memref<128x128xf32, #tpu.memory_space<vmem>>) offsets(%arg11 : memref<128xi32, #tpu.memory_space<vmem>>) semaphore(%dma_start3A_36 : memref<!tpu.dma_semaphore, #tpu.memory_space<semaphore_mem>>)
    %dma_start3A_37 = arith.constant 2 : i32
    %dma_start3A_38 = arith.constant 0 : i32
    %dma_start3A_39 = tpu.memref_slice %arg4[%dma_start3A_38] : memref<100000xf32, #tpu.memory_space<hbm>> -> memref<100000xf32, #tpu.memory_space<hbm>>
    %dma_start3A_40 = tpu.memref_slice %arg23[%dma_start3A_37] : memref<4x!tpu.dma_semaphore, #tpu.memory_space<semaphore_mem>> -> memref<1x!tpu.dma_semaphore, #tpu.memory_space<semaphore_mem>>
    %dma_start3A_41 = tpu.memref_squeeze %dma_start3A_40 : memref<1x!tpu.dma_semaphore, #tpu.memory_space<semaphore_mem>> -> memref<!tpu.dma_semaphore, #tpu.memory_space<semaphore_mem>>
    tpu.enqueue_indirect_dma source(%dma_start3A_39 : memref<100000xf32, #tpu.memory_space<hbm>>) target(%arg17 : memref<128xf32, #tpu.memory_space<vmem>>) offsets(%arg9 : memref<128xi32, #tpu.memory_space<vmem>>) semaphore(%dma_start3A_41 : memref<!tpu.dma_semaphore, #tpu.memory_space<semaphore_mem>>)
    %dma_start3A_42 = arith.constant 3 : i32
    %dma_start3A_43 = arith.constant 0 : i32
    %dma_start3A_44 = tpu.memref_slice %arg5[%dma_start3A_43] : memref<100000xf32, #tpu.memory_space<hbm>> -> memref<100000xf32, #tpu.memory_space<hbm>>
    %dma_start3A_45 = tpu.memref_slice %arg23[%dma_start3A_42] : memref<4x!tpu.dma_semaphore, #tpu.memory_space<semaphore_mem>> -> memref<1x!tpu.dma_semaphore, #tpu.memory_space<semaphore_mem>>
    %dma_start3A_46 = tpu.memref_squeeze %dma_start3A_45 : memref<1x!tpu.dma_semaphore, #tpu.memory_space<semaphore_mem>> -> memref<!tpu.dma_semaphore, #tpu.memory_space<semaphore_mem>>
    tpu.enqueue_indirect_dma source(%dma_start3A_44 : memref<100000xf32, #tpu.memory_space<hbm>>) target(%arg19 : memref<128xf32, #tpu.memory_space<vmem>>) offsets(%arg11 : memref<128xi32, #tpu.memory_space<vmem>>) semaphore(%dma_start3A_46 : memref<!tpu.dma_semaphore, #tpu.memory_space<semaphore_mem>>)
    %add3A_47 = arith.constant 128 : i32
    %add3A_48 = arith.addi %mul3A_2, %add3A_47 : i32
    %dma_start3A_49 = arith.constant 0 : i32
    %dma_start3A_50 = tpu.memref_slice %arg6[%add3A_48] : memref<16384xi32, #tpu.memory_space<hbm>> -> memref<128xi32, #tpu.memory_space<hbm>>
    %dma_start3A_51 = tpu.memref_slice %arg26[%dma_start3A_49] : memref<2x!tpu.dma_semaphore, #tpu.memory_space<semaphore_mem>> -> memref<1x!tpu.dma_semaphore, #tpu.memory_space<semaphore_mem>>
    %dma_start3A_52 = tpu.memref_squeeze %dma_start3A_51 : memref<1x!tpu.dma_semaphore, #tpu.memory_space<semaphore_mem>> -> memref<!tpu.dma_semaphore, #tpu.memory_space<semaphore_mem>>
    %dma_start3A_53 = tpu.memref_slice %arg6[%add3A_48] : memref<16384xi32, #tpu.memory_space<hbm>> -> memref<128xi32, #tpu.memory_space<hbm>>
    tpu.enqueue_dma source(%dma_start3A_53 : memref<128xi32, #tpu.memory_space<hbm>>) target(%arg10 : memref<128xi32, #tpu.memory_space<vmem>>) target_semaphore(%dma_start3A_52 : memref<!tpu.dma_semaphore, #tpu.memory_space<semaphore_mem>>)
    %dma_start3A_54 = arith.constant 1 : i32
    %dma_start3A_55 = tpu.memref_slice %arg7[%add3A_48] : memref<16384xi32, #tpu.memory_space<hbm>> -> memref<128xi32, #tpu.memory_space<hbm>>
    %dma_start3A_56 = tpu.memref_slice %arg26[%dma_start3A_54] : memref<2x!tpu.dma_semaphore, #tpu.memory_space<semaphore_mem>> -> memref<1x!tpu.dma_semaphore, #tpu.memory_space<semaphore_mem>>
    %dma_start3A_57 = tpu.memref_squeeze %dma_start3A_56 : memref<1x!tpu.dma_semaphore, #tpu.memory_space<semaphore_mem>> -> memref<!tpu.dma_semaphore, #tpu.memory_space<semaphore_mem>>
    %dma_start3A_58 = tpu.memref_slice %arg7[%add3A_48] : memref<16384xi32, #tpu.memory_space<hbm>> -> memref<128xi32, #tpu.memory_space<hbm>>
    tpu.enqueue_dma source(%dma_start3A_58 : memref<128xi32, #tpu.memory_space<hbm>>) target(%arg12 : memref<128xi32, #tpu.memory_space<vmem>>) target_semaphore(%dma_start3A_57 : memref<!tpu.dma_semaphore, #tpu.memory_space<semaphore_mem>>)
    %scan3A = arith.constant 0 : i32
    %scan3A_59 = arith.constant 0 : i32
    %scan3A_60 = arith.constant 2 : i32
    %scan3A_61 = arith.addi %scan3A_59, %scan3A_60 : i32
    %scan3A_62 = arith.constant 1 : i32
    %scan3A_63 = scf.for %scan3A_65 = %scan3A_59 to %scan3A_61 step %scan3A_62 iter_args(%scan3A_66 = %scan3A) -> (i32)  : i32 {
      %mul3A_67 = arith.constant 2 : i32
      %mul3A_68 = arith.muli %mul3A_67, %scan3A_65 : i32
      %add3A_69 = arith.constant 0 : i32
      %add3A_70 = arith.addi %mul3A_68, %add3A_69 : i32
      %add3A_71 = arith.constant 1 : i32
      %add3A_72 = arith.addi %add3A_70, %add3A_71 : i32
      %lt3A = arith.constant 4 : i32
      %lt3A_73 = arith.cmpi slt, %add3A_72, %lt3A : i32
      %convert_element_type3A = arith.extui %lt3A_73 : i1 to i32
      %cond3A = arith.constant 0 : i32
      %cond3A_74 = arith.cmpi ne, %convert_element_type3A, %cond3A : i32
      scf.if %cond3A_74 {
        %add3A_163 = arith.constant 1 : i32
        %add3A_164 = arith.addi %add3A_70, %add3A_163 : i32
        %mul3A_165 = arith.constant 128 : i32
        %mul3A_166 = arith.muli %add3A_164, %mul3A_165 : i32
        %add3A_167 = arith.addi %mul3A_2, %mul3A_166 : i32
        %dma_wait3A_168 = arith.constant 0 : i32
        %dma_wait3A_169 = tpu.memref_slice %arg6[%add3A_167] : memref<16384xi32, #tpu.memory_space<hbm>> -> memref<128xi32, #tpu.memory_space<hbm>>
        %dma_wait3A_170 = tpu.memref_slice %arg26[%dma_wait3A_168] : memref<2x!tpu.dma_semaphore, #tpu.memory_space<semaphore_mem>> -> memref<1x!tpu.dma_semaphore, #tpu.memory_space<semaphore_mem>>
        %dma_wait3A_171 = tpu.memref_squeeze %dma_wait3A_170 : memref<1x!tpu.dma_semaphore, #tpu.memory_space<semaphore_mem>> -> memref<!tpu.dma_semaphore, #tpu.memory_space<semaphore_mem>>
        %dma_wait3A_172 = tpu.memref_slice %arg6[%add3A_167] : memref<16384xi32, #tpu.memory_space<hbm>> -> memref<128xi32, #tpu.memory_space<hbm>>
        tpu.wait_dma2 semaphore(%dma_wait3A_171 : memref<!tpu.dma_semaphore, #tpu.memory_space<semaphore_mem>>) src(%dma_wait3A_172 : memref<128xi32, #tpu.memory_space<hbm>>) dst(%arg10 : memref<128xi32, #tpu.memory_space<vmem>>)
        %dma_wait3A_173 = arith.constant 1 : i32
        %dma_wait3A_174 = tpu.memref_slice %arg7[%add3A_167] : memref<16384xi32, #tpu.memory_space<hbm>> -> memref<128xi32, #tpu.memory_space<hbm>>
        %dma_wait3A_175 = tpu.memref_slice %arg26[%dma_wait3A_173] : memref<2x!tpu.dma_semaphore, #tpu.memory_space<semaphore_mem>> -> memref<1x!tpu.dma_semaphore, #tpu.memory_space<semaphore_mem>>
        %dma_wait3A_176 = tpu.memref_squeeze %dma_wait3A_175 : memref<1x!tpu.dma_semaphore, #tpu.memory_space<semaphore_mem>> -> memref<!tpu.dma_semaphore, #tpu.memory_space<semaphore_mem>>
        %dma_wait3A_177 = tpu.memref_slice %arg7[%add3A_167] : memref<16384xi32, #tpu.memory_space<hbm>> -> memref<128xi32, #tpu.memory_space<hbm>>
        tpu.wait_dma2 semaphore(%dma_wait3A_176 : memref<!tpu.dma_semaphore, #tpu.memory_space<semaphore_mem>>) src(%dma_wait3A_177 : memref<128xi32, #tpu.memory_space<hbm>>) dst(%arg12 : memref<128xi32, #tpu.memory_space<vmem>>)
        %dma_start3A_178 = arith.constant 0 : i32
        %dma_start3A_179 = arith.constant 0 : i32
        %dma_start3A_180 = arith.constant 0 : i32
        %dma_start3A_181 = tpu.memref_slice %arg2[%dma_start3A_179, %dma_start3A_180] : memref<100000x128xf32, #tpu.memory_space<hbm>> -> memref<100000x128xf32, #tpu.memory_space<hbm>>
        %dma_start3A_182 = tpu.memref_slice %arg24[%dma_start3A_178] : memref<4x!tpu.dma_semaphore, #tpu.memory_space<semaphore_mem>> -> memref<1x!tpu.dma_semaphore, #tpu.memory_space<semaphore_mem>>
        %dma_start3A_183 = tpu.memref_squeeze %dma_start3A_182 : memref<1x!tpu.dma_semaphore, #tpu.memory_space<semaphore_mem>> -> memref<!tpu.dma_semaphore, #tpu.memory_space<semaphore_mem>>
        tpu.enqueue_indirect_dma source(%dma_start3A_181 : memref<100000x128xf32, #tpu.memory_space<hbm>>) target(%arg14 : memref<128x128xf32, #tpu.memory_space<vmem>>) offsets(%arg10 : memref<128xi32, #tpu.memory_space<vmem>>) semaphore(%dma_start3A_183 : memref<!tpu.dma_semaphore, #tpu.memory_space<semaphore_mem>>)
        %dma_start3A_184 = arith.constant 1 : i32
        %dma_start3A_185 = arith.constant 0 : i32
        %dma_start3A_186 = arith.constant 0 : i32
        %dma_start3A_187 = tpu.memref_slice %arg3[%dma_start3A_185, %dma_start3A_186] : memref<100000x128xf32, #tpu.memory_space<hbm>> -> memref<100000x128xf32, #tpu.memory_space<hbm>>
        %dma_start3A_188 = tpu.memref_slice %arg24[%dma_start3A_184] : memref<4x!tpu.dma_semaphore, #tpu.memory_space<semaphore_mem>> -> memref<1x!tpu.dma_semaphore, #tpu.memory_space<semaphore_mem>>
        %dma_start3A_189 = tpu.memref_squeeze %dma_start3A_188 : memref<1x!tpu.dma_semaphore, #tpu.memory_space<semaphore_mem>> -> memref<!tpu.dma_semaphore, #tpu.memory_space<semaphore_mem>>
        tpu.enqueue_indirect_dma source(%dma_start3A_187 : memref<100000x128xf32, #tpu.memory_space<hbm>>) target(%arg16 : memref<128x128xf32, #tpu.memory_space<vmem>>) offsets(%arg12 : memref<128xi32, #tpu.memory_space<vmem>>) semaphore(%dma_start3A_189 : memref<!tpu.dma_semaphore, #tpu.memory_space<semaphore_mem>>)
        %dma_start3A_190 = arith.constant 2 : i32
        %dma_start3A_191 = arith.constant 0 : i32
        %dma_start3A_192 = tpu.memref_slice %arg4[%dma_start3A_191] : memref<100000xf32, #tpu.memory_space<hbm>> -> memref<100000xf32, #tpu.memory_space<hbm>>
        %dma_start3A_193 = tpu.memref_slice %arg24[%dma_start3A_190] : memref<4x!tpu.dma_semaphore, #tpu.memory_space<semaphore_mem>> -> memref<1x!tpu.dma_semaphore, #tpu.memory_space<semaphore_mem>>
        %dma_start3A_194 = tpu.memref_squeeze %dma_start3A_193 : memref<1x!tpu.dma_semaphore, #tpu.memory_space<semaphore_mem>> -> memref<!tpu.dma_semaphore, #tpu.memory_space<semaphore_mem>>
        tpu.enqueue_indirect_dma source(%dma_start3A_192 : memref<100000xf32, #tpu.memory_space<hbm>>) target(%arg18 : memref<128xf32, #tpu.memory_space<vmem>>) offsets(%arg10 : memref<128xi32, #tpu.memory_space<vmem>>) semaphore(%dma_start3A_194 : memref<!tpu.dma_semaphore, #tpu.memory_space<semaphore_mem>>)
        %dma_start3A_195 = arith.constant 3 : i32
        %dma_start3A_196 = arith.constant 0 : i32
        %dma_start3A_197 = tpu.memref_slice %arg5[%dma_start3A_196] : memref<100000xf32, #tpu.memory_space<hbm>> -> memref<100000xf32, #tpu.memory_space<hbm>>
        %dma_start3A_198 = tpu.memref_slice %arg24[%dma_start3A_195] : memref<4x!tpu.dma_semaphore, #tpu.memory_space<semaphore_mem>> -> memref<1x!tpu.dma_semaphore, #tpu.memory_space<semaphore_mem>>
        %dma_start3A_199 = tpu.memref_squeeze %dma_start3A_198 : memref<1x!tpu.dma_semaphore, #tpu.memory_space<semaphore_mem>> -> memref<!tpu.dma_semaphore, #tpu.memory_space<semaphore_mem>>
        tpu.enqueue_indirect_dma source(%dma_start3A_197 : memref<100000xf32, #tpu.memory_space<hbm>>) target(%arg20 : memref<128xf32, #tpu.memory_space<vmem>>) offsets(%arg12 : memref<128xi32, #tpu.memory_space<vmem>>) semaphore(%dma_start3A_199 : memref<!tpu.dma_semaphore, #tpu.memory_space<semaphore_mem>>)
      } else {
      }
      %dma_wait3A_75 = arith.constant 0 : i32
      %dma_wait3A_76 = arith.constant 0 : i32
      %dma_wait3A_77 = arith.constant 0 : i32
      %dma_wait3A_78 = tpu.memref_slice %arg2[%dma_wait3A_76, %dma_wait3A_77] : memref<100000x128xf32, #tpu.memory_space<hbm>> -> memref<100000x128xf32, #tpu.memory_space<hbm>>
      %dma_wait3A_79 = tpu.memref_slice %arg23[%dma_wait3A_75] : memref<4x!tpu.dma_semaphore, #tpu.memory_space<semaphore_mem>> -> memref<1x!tpu.dma_semaphore, #tpu.memory_space<semaphore_mem>>
      %dma_wait3A_80 = tpu.memref_squeeze %dma_wait3A_79 : memref<1x!tpu.dma_semaphore, #tpu.memory_space<semaphore_mem>> -> memref<!tpu.dma_semaphore, #tpu.memory_space<semaphore_mem>>
      tpu.wait_indirect_dma semaphore(%dma_wait3A_80 : memref<!tpu.dma_semaphore, #tpu.memory_space<semaphore_mem>>) src(%dma_wait3A_78 : memref<100000x128xf32, #tpu.memory_space<hbm>>) dst(%arg13 : memref<128x128xf32, #tpu.memory_space<vmem>>)
      %dma_wait3A_81 = arith.constant 1 : i32
      %dma_wait3A_82 = arith.constant 0 : i32
      %dma_wait3A_83 = arith.constant 0 : i32
      %dma_wait3A_84 = tpu.memref_slice %arg3[%dma_wait3A_82, %dma_wait3A_83] : memref<100000x128xf32, #tpu.memory_space<hbm>> -> memref<100000x128xf32, #tpu.memory_space<hbm>>
      %dma_wait3A_85 = tpu.memref_slice %arg23[%dma_wait3A_81] : memref<4x!tpu.dma_semaphore, #tpu.memory_space<semaphore_mem>> -> memref<1x!tpu.dma_semaphore, #tpu.memory_space<semaphore_mem>>
      %dma_wait3A_86 = tpu.memref_squeeze %dma_wait3A_85 : memref<1x!tpu.dma_semaphore, #tpu.memory_space<semaphore_mem>> -> memref<!tpu.dma_semaphore, #tpu.memory_space<semaphore_mem>>
      tpu.wait_indirect_dma semaphore(%dma_wait3A_86 : memref<!tpu.dma_semaphore, #tpu.memory_space<semaphore_mem>>) src(%dma_wait3A_84 : memref<100000x128xf32, #tpu.memory_space<hbm>>) dst(%arg15 : memref<128x128xf32, #tpu.memory_space<vmem>>)
      %dma_wait3A_87 = arith.constant 2 : i32
      %dma_wait3A_88 = arith.constant 0 : i32
      %dma_wait3A_89 = tpu.memref_slice %arg4[%dma_wait3A_88] : memref<100000xf32, #tpu.memory_space<hbm>> -> memref<100000xf32, #tpu.memory_space<hbm>>
      %dma_wait3A_90 = tpu.memref_slice %arg23[%dma_wait3A_87] : memref<4x!tpu.dma_semaphore, #tpu.memory_space<semaphore_mem>> -> memref<1x!tpu.dma_semaphore, #tpu.memory_space<semaphore_mem>>
      %dma_wait3A_91 = tpu.memref_squeeze %dma_wait3A_90 : memref<1x!tpu.dma_semaphore, #tpu.memory_space<semaphore_mem>> -> memref<!tpu.dma_semaphore, #tpu.memory_space<semaphore_mem>>
      tpu.wait_indirect_dma semaphore(%dma_wait3A_91 : memref<!tpu.dma_semaphore, #tpu.memory_space<semaphore_mem>>) src(%dma_wait3A_89 : memref<100000xf32, #tpu.memory_space<hbm>>) dst(%arg17 : memref<128xf32, #tpu.memory_space<vmem>>)
      %dma_wait3A_92 = arith.constant 3 : i32
      %dma_wait3A_93 = arith.constant 0 : i32
      %dma_wait3A_94 = tpu.memref_slice %arg5[%dma_wait3A_93] : memref<100000xf32, #tpu.memory_space<hbm>> -> memref<100000xf32, #tpu.memory_space<hbm>>
      %dma_wait3A_95 = tpu.memref_slice %arg23[%dma_wait3A_92] : memref<4x!tpu.dma_semaphore, #tpu.memory_space<semaphore_mem>> -> memref<1x!tpu.dma_semaphore, #tpu.memory_space<semaphore_mem>>
      %dma_wait3A_96 = tpu.memref_squeeze %dma_wait3A_95 : memref<1x!tpu.dma_semaphore, #tpu.memory_space<semaphore_mem>> -> memref<!tpu.dma_semaphore, #tpu.memory_space<semaphore_mem>>
      tpu.wait_indirect_dma semaphore(%dma_wait3A_96 : memref<!tpu.dma_semaphore, #tpu.memory_space<semaphore_mem>>) src(%dma_wait3A_94 : memref<100000xf32, #tpu.memory_space<hbm>>) dst(%arg19 : memref<128xf32, #tpu.memory_space<vmem>>)
      %add3A_97 = arith.constant 2 : i32
      %add3A_98 = arith.addi %add3A_70, %add3A_97 : i32
      %lt3A_99 = arith.constant 4 : i32
      %lt3A_100 = arith.cmpi slt, %add3A_98, %lt3A_99 : i32
      %convert_element_type3A_101 = arith.extui %lt3A_100 : i1 to i32
      %cond3A_102 = arith.constant 0 : i32
      %cond3A_103 = arith.cmpi ne, %convert_element_type3A_101, %cond3A_102 : i32
      scf.if %cond3A_103 {
        %add3A_163 = arith.constant 2 : i32
        %add3A_164 = arith.addi %add3A_70, %add3A_163 : i32
        %mul3A_165 = arith.constant 128 : i32
        %mul3A_166 = arith.muli %add3A_164, %mul3A_165 : i32
        %add3A_167 = arith.addi %mul3A_2, %mul3A_166 : i32
        %dma_start3A_168 = arith.constant 0 : i32
        %dma_start3A_169 = tpu.memref_slice %arg6[%add3A_167] : memref<16384xi32, #tpu.memory_space<hbm>> -> memref<128xi32, #tpu.memory_space<hbm>>
        %dma_start3A_170 = tpu.memref_slice %arg25[%dma_start3A_168] : memref<2x!tpu.dma_semaphore, #tpu.memory_space<semaphore_mem>> -> memref<1x!tpu.dma_semaphore, #tpu.memory_space<semaphore_mem>>
        %dma_start3A_171 = tpu.memref_squeeze %dma_start3A_170 : memref<1x!tpu.dma_semaphore, #tpu.memory_space<semaphore_mem>> -> memref<!tpu.dma_semaphore, #tpu.memory_space<semaphore_mem>>
        %dma_start3A_172 = tpu.memref_slice %arg6[%add3A_167] : memref<16384xi32, #tpu.memory_space<hbm>> -> memref<128xi32, #tpu.memory_space<hbm>>
        tpu.enqueue_dma source(%dma_start3A_172 : memref<128xi32, #tpu.memory_space<hbm>>) target(%arg9 : memref<128xi32, #tpu.memory_space<vmem>>) target_semaphore(%dma_start3A_171 : memref<!tpu.dma_semaphore, #tpu.memory_space<semaphore_mem>>)
        %dma_start3A_173 = arith.constant 1 : i32
        %dma_start3A_174 = tpu.memref_slice %arg7[%add3A_167] : memref<16384xi32, #tpu.memory_space<hbm>> -> memref<128xi32, #tpu.memory_space<hbm>>
        %dma_start3A_175 = tpu.memref_slice %arg25[%dma_start3A_173] : memref<2x!tpu.dma_semaphore, #tpu.memory_space<semaphore_mem>> -> memref<1x!tpu.dma_semaphore, #tpu.memory_space<semaphore_mem>>
        %dma_start3A_176 = tpu.memref_squeeze %dma_start3A_175 : memref<1x!tpu.dma_semaphore, #tpu.memory_space<semaphore_mem>> -> memref<!tpu.dma_semaphore, #tpu.memory_space<semaphore_mem>>
        %dma_start3A_177 = tpu.memref_slice %arg7[%add3A_167] : memref<16384xi32, #tpu.memory_space<hbm>> -> memref<128xi32, #tpu.memory_space<hbm>>
        tpu.enqueue_dma source(%dma_start3A_177 : memref<128xi32, #tpu.memory_space<hbm>>) target(%arg11 : memref<128xi32, #tpu.memory_space<vmem>>) target_semaphore(%dma_start3A_176 : memref<!tpu.dma_semaphore, #tpu.memory_space<semaphore_mem>>)
      } else {
      }
      %mul3A_104 = arith.constant 128 : i32
      %mul3A_105 = arith.muli %add3A_70, %mul3A_104 : i32
      %scan3A_106 = arith.constant 0 : i32
      %scan3A_107 = arith.constant 0 : i32
      %scan3A_108 = arith.constant 8 : i32
      %scan3A_109 = arith.addi %scan3A_107, %scan3A_108 : i32
      %scan3A_110 = arith.constant 1 : i32
      %scan3A_111 = scf.for %scan3A_163 = %scan3A_107 to %scan3A_109 step %scan3A_110 iter_args(%scan3A_164 = %scan3A_106) -> (i32)  : i32 {
        %mul3A_165 = arith.constant 16 : i32
        %mul3A_166 = arith.muli %scan3A_163, %mul3A_165 : i32
        %get3A = arith.index_cast %mul3A_166 : i32 to index
        %get3A_167 = arith.constant 0 : index
        %get3A_168 = tpu.vector_load %arg13[%get3A, %get3A_167] {strides = array<i32>} : memref<128x128xf32, #tpu.memory_space<vmem>>, vector<16xf32>,
        %get3A_169 = arith.index_cast %mul3A_166 : i32 to index
        %get3A_170 = arith.constant 16 : index
        %get3A_171 = tpu.vector_load %arg13[%get3A_169, %get3A_170] {strides = array<i32>} : memref<128x128xf32, #tpu.memory_space<vmem>>, vector<16xf32>,
        %get3A_172 = arith.index_cast %mul3A_166 : i32 to index
        %get3A_173 = arith.constant 32 : index
        %get3A_174 = tpu.vector_load %arg13[%get3A_172, %get3A_173] {strides = array<i32>} : memref<128x128xf32, #tpu.memory_space<vmem>>, vector<16xf32>,
        %get3A_175 = arith.index_cast %mul3A_166 : i32 to index
        %get3A_176 = arith.constant 48 : index
        %get3A_177 = tpu.vector_load %arg13[%get3A_175, %get3A_176] {strides = array<i32>} : memref<128x128xf32, #tpu.memory_space<vmem>>, vector<16xf32>,
        %get3A_178 = arith.index_cast %mul3A_166 : i32 to index
        %get3A_179 = arith.constant 64 : index
        %get3A_180 = tpu.vector_load %arg13[%get3A_178, %get3A_179] {strides = array<i32>} : memref<128x128xf32, #tpu.memory_space<vmem>>, vector<16xf32>,
        %get3A_181 = arith.index_cast %mul3A_166 : i32 to index
        %get3A_182 = arith.constant 80 : index
        %get3A_183 = tpu.vector_load %arg13[%get3A_181, %get3A_182] {strides = array<i32>} : memref<128x128xf32, #tpu.memory_space<vmem>>, vector<16xf32>,
        %get3A_184 = arith.index_cast %mul3A_166 : i32 to index
        %get3A_185 = arith.constant 96 : index
        %get3A_186 = tpu.vector_load %arg13[%get3A_184, %get3A_185] {strides = array<i32>} : memref<128x128xf32, #tpu.memory_space<vmem>>, vector<16xf32>,
        %get3A_187 = arith.index_cast %mul3A_166 : i32 to index
        %get3A_188 = arith.constant 112 : index
        %get3A_189 = tpu.vector_load %arg13[%get3A_187, %get3A_188] {strides = array<i32>} : memref<128x128xf32, #tpu.memory_space<vmem>>, vector<16xf32>,
        %get3A_190 = arith.index_cast %mul3A_166 : i32 to index
        %get3A_191 = arith.constant 0 : index
        %get3A_192 = tpu.vector_load %arg15[%get3A_190, %get3A_191] {strides = array<i32>} : memref<128x128xf32, #tpu.memory_space<vmem>>, vector<16xf32>,
        %get3A_193 = arith.index_cast %mul3A_166 : i32 to index
        %get3A_194 = arith.constant 16 : index
        %get3A_195 = tpu.vector_load %arg15[%get3A_193, %get3A_194] {strides = array<i32>} : memref<128x128xf32, #tpu.memory_space<vmem>>, vector<16xf32>,
        %get3A_196 = arith.index_cast %mul3A_166 : i32 to index
        %get3A_197 = arith.constant 32 : index
        %get3A_198 = tpu.vector_load %arg15[%get3A_196, %get3A_197] {strides = array<i32>} : memref<128x128xf32, #tpu.memory_space<vmem>>, vector<16xf32>,
        %get3A_199 = arith.index_cast %mul3A_166 : i32 to index
        %get3A_200 = arith.constant 48 : index
        %get3A_201 = tpu.vector_load %arg15[%get3A_199, %get3A_200] {strides = array<i32>} : memref<128x128xf32, #tpu.memory_space<vmem>>, vector<16xf32>,
        %get3A_202 = arith.index_cast %mul3A_166 : i32 to index
        %get3A_203 = arith.constant 64 : index
        %get3A_204 = tpu.vector_load %arg15[%get3A_202, %get3A_203] {strides = array<i32>} : memref<128x128xf32, #tpu.memory_space<vmem>>, vector<16xf32>,
        %get3A_205 = arith.index_cast %mul3A_166 : i32 to index
        %get3A_206 = arith.constant 80 : index
        %get3A_207 = tpu.vector_load %arg15[%get3A_205, %get3A_206] {strides = array<i32>} : memref<128x128xf32, #tpu.memory_space<vmem>>, vector<16xf32>,
        %get3A_208 = arith.index_cast %mul3A_166 : i32 to index
        %get3A_209 = arith.constant 96 : index
        %get3A_210 = tpu.vector_load %arg15[%get3A_208, %get3A_209] {strides = array<i32>} : memref<128x128xf32, #tpu.memory_space<vmem>>, vector<16xf32>,
        %get3A_211 = arith.index_cast %mul3A_166 : i32 to index
        %get3A_212 = arith.constant 112 : index
        %get3A_213 = tpu.vector_load %arg15[%get3A_211, %get3A_212] {strides = array<i32>} : memref<128x128xf32, #tpu.memory_space<vmem>>, vector<16xf32>,
        %mul3A_214 = arith.constant 16 : i32
        %mul3A_215 = arith.muli %scan3A_163, %mul3A_214 : i32
        %add3A_216 = arith.constant 1 : i32
        %add3A_217 = arith.addi %mul3A_215, %add3A_216 : i32
        %get3A_218 = arith.index_cast %add3A_217 : i32 to index
        %get3A_219 = arith.constant 0 : index
        %get3A_220 = tpu.vector_load %arg13[%get3A_218, %get3A_219] {strides = array<i32>} : memref<128x128xf32, #tpu.memory_space<vmem>>, vector<16xf32>,
        %get3A_221 = arith.index_cast %add3A_217 : i32 to index
        %get3A_222 = arith.constant 16 : index
        %get3A_223 = tpu.vector_load %arg13[%get3A_221, %get3A_222] {strides = array<i32>} : memref<128x128xf32, #tpu.memory_space<vmem>>, vector<16xf32>,
        %get3A_224 = arith.index_cast %add3A_217 : i32 to index
        %get3A_225 = arith.constant 32 : index
        %get3A_226 = tpu.vector_load %arg13[%get3A_224, %get3A_225] {strides = array<i32>} : memref<128x128xf32, #tpu.memory_space<vmem>>, vector<16xf32>,
        %get3A_227 = arith.index_cast %add3A_217 : i32 to index
        %get3A_228 = arith.constant 48 : index
        %get3A_229 = tpu.vector_load %arg13[%get3A_227, %get3A_228] {strides = array<i32>} : memref<128x128xf32, #tpu.memory_space<vmem>>, vector<16xf32>,
        %get3A_230 = arith.index_cast %add3A_217 : i32 to index
        %get3A_231 = arith.constant 64 : index
        %get3A_232 = tpu.vector_load %arg13[%get3A_230, %get3A_231] {strides = array<i32>} : memref<128x128xf32, #tpu.memory_space<vmem>>, vector<16xf32>,
        %get3A_233 = arith.index_cast %add3A_217 : i32 to index
        %get3A_234 = arith.constant 80 : index
        %get3A_235 = tpu.vector_load %arg13[%get3A_233, %get3A_234] {strides = array<i32>} : memref<128x128xf32, #tpu.memory_space<vmem>>, vector<16xf32>,
        %get3A_236 = arith.index_cast %add3A_217 : i32 to index
        %get3A_237 = arith.constant 96 : index
        %get3A_238 = tpu.vector_load %arg13[%get3A_236, %get3A_237] {strides = array<i32>} : memref<128x128xf32, #tpu.memory_space<vmem>>, vector<16xf32>,
        %get3A_239 = arith.index_cast %add3A_217 : i32 to index
        %get3A_240 = arith.constant 112 : index
        %get3A_241 = tpu.vector_load %arg13[%get3A_239, %get3A_240] {strides = array<i32>} : memref<128x128xf32, #tpu.memory_space<vmem>>, vector<16xf32>,
        %get3A_242 = arith.index_cast %add3A_217 : i32 to index
        %get3A_243 = arith.constant 0 : index
        %get3A_244 = tpu.vector_load %arg15[%get3A_242, %get3A_243] {strides = array<i32>} : memref<128x128xf32, #tpu.memory_space<vmem>>, vector<16xf32>,
        %get3A_245 = arith.index_cast %add3A_217 : i32 to index
        %get3A_246 = arith.constant 16 : index
        %get3A_247 = tpu.vector_load %arg15[%get3A_245, %get3A_246] {strides = array<i32>} : memref<128x128xf32, #tpu.memory_space<vmem>>, vector<16xf32>,
        %get3A_248 = arith.index_cast %add3A_217 : i32 to index
        %get3A_249 = arith.constant 32 : index
        %get3A_250 = tpu.vector_load %arg15[%get3A_248, %get3A_249] {strides = array<i32>} : memref<128x128xf32, #tpu.memory_space<vmem>>, vector<16xf32>,
        %get3A_251 = arith.index_cast %add3A_217 : i32 to index
        %get3A_252 = arith.constant 48 : index
        %get3A_253 = tpu.vector_load %arg15[%get3A_251, %get3A_252] {strides = array<i32>} : memref<128x128xf32, #tpu.memory_space<vmem>>, vector<16xf32>,
        %get3A_254 = arith.index_cast %add3A_217 : i32 to index
        %get3A_255 = arith.constant 64 : index
        %get3A_256 = tpu.vector_load %arg15[%get3A_254, %get3A_255] {strides = array<i32>} : memref<128x128xf32, #tpu.memory_space<vmem>>, vector<16xf32>,
        %get3A_257 = arith.index_cast %add3A_217 : i32 to index
        %get3A_258 = arith.constant 80 : index
        %get3A_259 = tpu.vector_load %arg15[%get3A_257, %get3A_258] {strides = array<i32>} : memref<128x128xf32, #tpu.memory_space<vmem>>, vector<16xf32>,
        %get3A_260 = arith.index_cast %add3A_217 : i32 to index
        %get3A_261 = arith.constant 96 : index
        %get3A_262 = tpu.vector_load %arg15[%get3A_260, %get3A_261] {strides = array<i32>} : memref<128x128xf32, #tpu.memory_space<vmem>>, vector<16xf32>,
        %get3A_263 = arith.index_cast %add3A_217 : i32 to index
        %get3A_264 = arith.constant 112 : index
        %get3A_265 = tpu.vector_load %arg15[%get3A_263, %get3A_264] {strides = array<i32>} : memref<128x128xf32, #tpu.memory_space<vmem>>, vector<16xf32>,
        %mul3A_266 = arith.mulf %get3A_168, %get3A_192 : vector<16xf32>
        %mul3A_267 = arith.mulf %get3A_171, %get3A_195 : vector<16xf32>
        %mul3A_268 = arith.mulf %get3A_174, %get3A_198 : vector<16xf32>
        %mul3A_269 = arith.mulf %get3A_177, %get3A_201 : vector<16xf32>
        %mul3A_270 = arith.mulf %get3A_180, %get3A_204 : vector<16xf32>
        %mul3A_271 = arith.mulf %get3A_183, %get3A_207 : vector<16xf32>
        %mul3A_272 = arith.mulf %get3A_186, %get3A_210 : vector<16xf32>
        %mul3A_273 = arith.mulf %get3A_189, %get3A_213 : vector<16xf32>
        %add3A_274 = arith.addf %mul3A_266, %mul3A_267 : vector<16xf32>
        %add3A_275 = arith.addf %mul3A_268, %mul3A_269 : vector<16xf32>
        %add3A_276 = arith.addf %mul3A_270, %mul3A_271 : vector<16xf32>
        %add3A_277 = arith.addf %mul3A_272, %mul3A_273 : vector<16xf32>
        %add3A_278 = arith.addf %add3A_274, %add3A_275 : vector<16xf32>
        %add3A_279 = arith.addf %add3A_276, %add3A_277 : vector<16xf32>
        %add3A_280 = arith.addf %add3A_278, %add3A_279 : vector<16xf32>
        %swap3A = arith.constant 0 : index
        %swap3A_281 = tpu.vector_load %arg22[%swap3A] {strides = array<i32>} : memref<256xf32, #tpu.memory_space<vmem>>, vector<16xf32>,
        tpu.vector_store %arg22[%swap3A], %add3A_280 {strides = array<i32>} : memref<256xf32, #tpu.memory_space<vmem>>, vector<16xf32>,
        %mul3A_282 = arith.constant 16 : i32
        %mul3A_283 = arith.muli %scan3A_163, %mul3A_282 : i32
        %add3A_284 = arith.constant 2 : i32
        %add3A_285 = arith.addi %mul3A_283, %add3A_284 : i32
        %get3A_286 = arith.index_cast %add3A_285 : i32 to index
        %get3A_287 = arith.constant 0 : index
        %get3A_288 = tpu.vector_load %arg13[%get3A_286, %get3A_287] {strides = array<i32>} : memref<128x128xf32, #tpu.memory_space<vmem>>, vector<16xf32>,
        %get3A_289 = arith.index_cast %add3A_285 : i32 to index
        %get3A_290 = arith.constant 16 : index
        %get3A_291 = tpu.vector_load %arg13[%get3A_289, %get3A_290] {strides = array<i32>} : memref<128x128xf32, #tpu.memory_space<vmem>>, vector<16xf32>,
        %get3A_292 = arith.index_cast %add3A_285 : i32 to index
        %get3A_293 = arith.constant 32 : index
        %get3A_294 = tpu.vector_load %arg13[%get3A_292, %get3A_293] {strides = array<i32>} : memref<128x128xf32, #tpu.memory_space<vmem>>, vector<16xf32>,
        %get3A_295 = arith.index_cast %add3A_285 : i32 to index
        %get3A_296 = arith.constant 48 : index
        %get3A_297 = tpu.vector_load %arg13[%get3A_295, %get3A_296] {strides = array<i32>} : memref<128x128xf32, #tpu.memory_space<vmem>>, vector<16xf32>,
        %get3A_298 = arith.index_cast %add3A_285 : i32 to index
        %get3A_299 = arith.constant 64 : index
        %get3A_300 = tpu.vector_load %arg13[%get3A_298, %get3A_299] {strides = array<i32>} : memref<128x128xf32, #tpu.memory_space<vmem>>, vector<16xf32>,
        %get3A_301 = arith.index_cast %add3A_285 : i32 to index
        %get3A_302 = arith.constant 80 : index
        %get3A_303 = tpu.vector_load %arg13[%get3A_301, %get3A_302] {strides = array<i32>} : memref<128x128xf32, #tpu.memory_space<vmem>>, vector<16xf32>,
        %get3A_304 = arith.index_cast %add3A_285 : i32 to index
        %get3A_305 = arith.constant 96 : index
        %get3A_306 = tpu.vector_load %arg13[%get3A_304, %get3A_305] {strides = array<i32>} : memref<128x128xf32, #tpu.memory_space<vmem>>, vector<16xf32>,
        %get3A_307 = arith.index_cast %add3A_285 : i32 to index
        %get3A_308 = arith.constant 112 : index
        %get3A_309 = tpu.vector_load %arg13[%get3A_307, %get3A_308] {strides = array<i32>} : memref<128x128xf32, #tpu.memory_space<vmem>>, vector<16xf32>,
        %get3A_310 = arith.index_cast %add3A_285 : i32 to index
        %get3A_311 = arith.constant 0 : index
        %get3A_312 = tpu.vector_load %arg15[%get3A_310, %get3A_311] {strides = array<i32>} : memref<128x128xf32, #tpu.memory_space<vmem>>, vector<16xf32>,
        %get3A_313 = arith.index_cast %add3A_285 : i32 to index
        %get3A_314 = arith.constant 16 : index
        %get3A_315 = tpu.vector_load %arg15[%get3A_313, %get3A_314] {strides = array<i32>} : memref<128x128xf32, #tpu.memory_space<vmem>>, vector<16xf32>,
        %get3A_316 = arith.index_cast %add3A_285 : i32 to index
        %get3A_317 = arith.constant 32 : index
        %get3A_318 = tpu.vector_load %arg15[%get3A_316, %get3A_317] {strides = array<i32>} : memref<128x128xf32, #tpu.memory_space<vmem>>, vector<16xf32>,
        %get3A_319 = arith.index_cast %add3A_285 : i32 to index
        %get3A_320 = arith.constant 48 : index
        %get3A_321 = tpu.vector_load %arg15[%get3A_319, %get3A_320] {strides = array<i32>} : memref<128x128xf32, #tpu.memory_space<vmem>>, vector<16xf32>,
        %get3A_322 = arith.index_cast %add3A_285 : i32 to index
        %get3A_323 = arith.constant 64 : index
        %get3A_324 = tpu.vector_load %arg15[%get3A_322, %get3A_323] {strides = array<i32>} : memref<128x128xf32, #tpu.memory_space<vmem>>, vector<16xf32>,
        %get3A_325 = arith.index_cast %add3A_285 : i32 to index
        %get3A_326 = arith.constant 80 : index
        %get3A_327 = tpu.vector_load %arg15[%get3A_325, %get3A_326] {strides = array<i32>} : memref<128x128xf32, #tpu.memory_space<vmem>>, vector<16xf32>,
        %get3A_328 = arith.index_cast %add3A_285 : i32 to index
        %get3A_329 = arith.constant 96 : index
        %get3A_330 = tpu.vector_load %arg15[%get3A_328, %get3A_329] {strides = array<i32>} : memref<128x128xf32, #tpu.memory_space<vmem>>, vector<16xf32>,
        %get3A_331 = arith.index_cast %add3A_285 : i32 to index
        %get3A_332 = arith.constant 112 : index
        %get3A_333 = tpu.vector_load %arg15[%get3A_331, %get3A_332] {strides = array<i32>} : memref<128x128xf32, #tpu.memory_space<vmem>>, vector<16xf32>,
        %mul3A_334 = arith.mulf %get3A_220, %get3A_244 : vector<16xf32>
        %mul3A_335 = arith.mulf %get3A_223, %get3A_247 : vector<16xf32>
        %mul3A_336 = arith.mulf %get3A_226, %get3A_250 : vector<16xf32>
        %mul3A_337 = arith.mulf %get3A_229, %get3A_253 : vector<16xf32>
        %mul3A_338 = arith.mulf %get3A_232, %get3A_256 : vector<16xf32>
        %mul3A_339 = arith.mulf %get3A_235, %get3A_259 : vector<16xf32>
        %mul3A_340 = arith.mulf %get3A_238, %get3A_262 : vector<16xf32>
        %mul3A_341 = arith.mulf %get3A_241, %get3A_265 : vector<16xf32>
        %add3A_342 = arith.addf %mul3A_334, %mul3A_335 : vector<16xf32>
        %add3A_343 = arith.addf %mul3A_336, %mul3A_337 : vector<16xf32>
        %add3A_344 = arith.addf %mul3A_338, %mul3A_339 : vector<16xf32>
        %add3A_345 = arith.addf %mul3A_340, %mul3A_341 : vector<16xf32>
        %add3A_346 = arith.addf %add3A_342, %add3A_343 : vector<16xf32>
        %add3A_347 = arith.addf %add3A_344, %add3A_345 : vector<16xf32>
        %add3A_348 = arith.addf %add3A_346, %add3A_347 : vector<16xf32>
        %swap3A_349 = arith.constant 16 : index
        %swap3A_350 = tpu.vector_load %arg22[%swap3A_349] {strides = array<i32>} : memref<256xf32, #tpu.memory_space<vmem>>, vector<16xf32>,
        tpu.vector_store %arg22[%swap3A_349], %add3A_348 {strides = array<i32>} : memref<256xf32, #tpu.memory_space<vmem>>, vector<16xf32>,
        %mul3A_351 = arith.constant 16 : i32
        %mul3A_352 = arith.muli %scan3A_163, %mul3A_351 : i32
        %add3A_353 = arith.constant 3 : i32
        %add3A_354 = arith.addi %mul3A_352, %add3A_353 : i32
        %get3A_355 = arith.index_cast %add3A_354 : i32 to index
        %get3A_356 = arith.constant 0 : index
        %get3A_357 = tpu.vector_load %arg13[%get3A_355, %get3A_356] {strides = array<i32>} : memref<128x128xf32, #tpu.memory_space<vmem>>, vector<16xf32>,
        %get3A_358 = arith.index_cast %add3A_354 : i32 to index
        %get3A_359 = arith.constant 16 : index
        %get3A_360 = tpu.vector_load %arg13[%get3A_358, %get3A_359] {strides = array<i32>} : memref<128x128xf32, #tpu.memory_space<vmem>>, vector<16xf32>,
        %get3A_361 = arith.index_cast %add3A_354 : i32 to index
        %get3A_362 = arith.constant 32 : index
        %get3A_363 = tpu.vector_load %arg13[%get3A_361, %get3A_362] {strides = array<i32>} : memref<128x128xf32, #tpu.memory_space<vmem>>, vector<16xf32>,
        %get3A_364 = arith.index_cast %add3A_354 : i32 to index
        %get3A_365 = arith.constant 48 : index
        %get3A_366 = tpu.vector_load %arg13[%get3A_364, %get3A_365] {strides = array<i32>} : memref<128x128xf32, #tpu.memory_space<vmem>>, vector<16xf32>,
        %get3A_367 = arith.index_cast %add3A_354 : i32 to index
        %get3A_368 = arith.constant 64 : index
        %get3A_369 = tpu.vector_load %arg13[%get3A_367, %get3A_368] {strides = array<i32>} : memref<128x128xf32, #tpu.memory_space<vmem>>, vector<16xf32>,
        %get3A_370 = arith.index_cast %add3A_354 : i32 to index
        %get3A_371 = arith.constant 80 : index
        %get3A_372 = tpu.vector_load %arg13[%get3A_370, %get3A_371] {strides = array<i32>} : memref<128x128xf32, #tpu.memory_space<vmem>>, vector<16xf32>,
        %get3A_373 = arith.index_cast %add3A_354 : i32 to index
        %get3A_374 = arith.constant 96 : index
        %get3A_375 = tpu.vector_load %arg13[%get3A_373, %get3A_374] {strides = array<i32>} : memref<128x128xf32, #tpu.memory_space<vmem>>, vector<16xf32>,
        %get3A_376 = arith.index_cast %add3A_354 : i32 to index
        %get3A_377 = arith.constant 112 : index
        %get3A_378 = tpu.vector_load %arg13[%get3A_376, %get3A_377] {strides = array<i32>} : memref<128x128xf32, #tpu.memory_space<vmem>>, vector<16xf32>,
        %get3A_379 = arith.index_cast %add3A_354 : i32 to index
        %get3A_380 = arith.constant 0 : index
        %get3A_381 = tpu.vector_load %arg15[%get3A_379, %get3A_380] {strides = array<i32>} : memref<128x128xf32, #tpu.memory_space<vmem>>, vector<16xf32>,
        %get3A_382 = arith.index_cast %add3A_354 : i32 to index
        %get3A_383 = arith.constant 16 : index
        %get3A_384 = tpu.vector_load %arg15[%get3A_382, %get3A_383] {strides = array<i32>} : memref<128x128xf32, #tpu.memory_space<vmem>>, vector<16xf32>,
        %get3A_385 = arith.index_cast %add3A_354 : i32 to index
        %get3A_386 = arith.constant 32 : index
        %get3A_387 = tpu.vector_load %arg15[%get3A_385, %get3A_386] {strides = array<i32>} : memref<128x128xf32, #tpu.memory_space<vmem>>, vector<16xf32>,
        %get3A_388 = arith.index_cast %add3A_354 : i32 to index
        %get3A_389 = arith.constant 48 : index
        %get3A_390 = tpu.vector_load %arg15[%get3A_388, %get3A_389] {strides = array<i32>} : memref<128x128xf32, #tpu.memory_space<vmem>>, vector<16xf32>,
        %get3A_391 = arith.index_cast %add3A_354 : i32 to index
        %get3A_392 = arith.constant 64 : index
        %get3A_393 = tpu.vector_load %arg15[%get3A_391, %get3A_392] {strides = array<i32>} : memref<128x128xf32, #tpu.memory_space<vmem>>, vector<16xf32>,
        %get3A_394 = arith.index_cast %add3A_354 : i32 to index
        %get3A_395 = arith.constant 80 : index
        %get3A_396 = tpu.vector_load %arg15[%get3A_394, %get3A_395] {strides = array<i32>} : memref<128x128xf32, #tpu.memory_space<vmem>>, vector<16xf32>,
        %get3A_397 = arith.index_cast %add3A_354 : i32 to index
        %get3A_398 = arith.constant 96 : index
        %get3A_399 = tpu.vector_load %arg15[%get3A_397, %get3A_398] {strides = array<i32>} : memref<128x128xf32, #tpu.memory_space<vmem>>, vector<16xf32>,
        %get3A_400 = arith.index_cast %add3A_354 : i32 to index
        %get3A_401 = arith.constant 112 : index
        %get3A_402 = tpu.vector_load %arg15[%get3A_400, %get3A_401] {strides = array<i32>} : memref<128x128xf32, #tpu.memory_space<vmem>>, vector<16xf32>,
        %mul3A_403 = arith.mulf %get3A_288, %get3A_312 : vector<16xf32>
        %mul3A_404 = arith.mulf %get3A_291, %get3A_315 : vector<16xf32>
        %mul3A_405 = arith.mulf %get3A_294, %get3A_318 : vector<16xf32>
        %mul3A_406 = arith.mulf %get3A_297, %get3A_321 : vector<16xf32>
        %mul3A_407 = arith.mulf %get3A_300, %get3A_324 : vector<16xf32>
        %mul3A_408 = arith.mulf %get3A_303, %get3A_327 : vector<16xf32>
        %mul3A_409 = arith.mulf %get3A_306, %get3A_330 : vector<16xf32>
        %mul3A_410 = arith.mulf %get3A_309, %get3A_333 : vector<16xf32>
        %add3A_411 = arith.addf %mul3A_403, %mul3A_404 : vector<16xf32>
        %add3A_412 = arith.addf %mul3A_405, %mul3A_406 : vector<16xf32>
        %add3A_413 = arith.addf %mul3A_407, %mul3A_408 : vector<16xf32>
        %add3A_414 = arith.addf %mul3A_409, %mul3A_410 : vector<16xf32>
        %add3A_415 = arith.addf %add3A_411, %add3A_412 : vector<16xf32>
        %add3A_416 = arith.addf %add3A_413, %add3A_414 : vector<16xf32>
        %add3A_417 = arith.addf %add3A_415, %add3A_416 : vector<16xf32>
        %swap3A_418 = arith.constant 32 : index
        %swap3A_419 = tpu.vector_load %arg22[%swap3A_418] {strides = array<i32>} : memref<256xf32, #tpu.memory_space<vmem>>, vector<16xf32>,
        tpu.vector_store %arg22[%swap3A_418], %add3A_417 {strides = array<i32>} : memref<256xf32, #tpu.memory_space<vmem>>, vector<16xf32>,
        %mul3A_420 = arith.constant 16 : i32
        %mul3A_421 = arith.muli %scan3A_163, %mul3A_420 : i32
        %add3A_422 = arith.constant 4 : i32
        %add3A_423 = arith.addi %mul3A_421, %add3A_422 : i32
        %get3A_424 = arith.index_cast %add3A_423 : i32 to index
        %get3A_425 = arith.constant 0 : index
        %get3A_426 = tpu.vector_load %arg13[%get3A_424, %get3A_425] {strides = array<i32>} : memref<128x128xf32, #tpu.memory_space<vmem>>, vector<16xf32>,
        %get3A_427 = arith.index_cast %add3A_423 : i32 to index
        %get3A_428 = arith.constant 16 : index
        %get3A_429 = tpu.vector_load %arg13[%get3A_427, %get3A_428] {strides = array<i32>} : memref<128x128xf32, #tpu.memory_space<vmem>>, vector<16xf32>,
        %get3A_430 = arith.index_cast %add3A_423 : i32 to index
        %get3A_431 = arith.constant 32 : index
        %get3A_432 = tpu.vector_load %arg13[%get3A_430, %get3A_431] {strides = array<i32>} : memref<128x128xf32, #tpu.memory_space<vmem>>, vector<16xf32>,
        %get3A_433 = arith.index_cast %add3A_423 : i32 to index
        %get3A_434 = arith.constant 48 : index
        %get3A_435 = tpu.vector_load %arg13[%get3A_433, %get3A_434] {strides = array<i32>} : memref<128x128xf32, #tpu.memory_space<vmem>>, vector<16xf32>,
        %get3A_436 = arith.index_cast %add3A_423 : i32 to index
        %get3A_437 = arith.constant 64 : index
        %get3A_438 = tpu.vector_load %arg13[%get3A_436, %get3A_437] {strides = array<i32>} : memref<128x128xf32, #tpu.memory_space<vmem>>, vector<16xf32>,
        %get3A_439 = arith.index_cast %add3A_423 : i32 to index
        %get3A_440 = arith.constant 80 : index
        %get3A_441 = tpu.vector_load %arg13[%get3A_439, %get3A_440] {strides = array<i32>} : memref<128x128xf32, #tpu.memory_space<vmem>>, vector<16xf32>,
        %get3A_442 = arith.index_cast %add3A_423 : i32 to index
        %get3A_443 = arith.constant 96 : index
        %get3A_444 = tpu.vector_load %arg13[%get3A_442, %get3A_443] {strides = array<i32>} : memref<128x128xf32, #tpu.memory_space<vmem>>, vector<16xf32>,
        %get3A_445 = arith.index_cast %add3A_423 : i32 to index
        %get3A_446 = arith.constant 112 : index
        %get3A_447 = tpu.vector_load %arg13[%get3A_445, %get3A_446] {strides = array<i32>} : memref<128x128xf32, #tpu.memory_space<vmem>>, vector<16xf32>,
        %get3A_448 = arith.index_cast %add3A_423 : i32 to index
        %get3A_449 = arith.constant 0 : index
        %get3A_450 = tpu.vector_load %arg15[%get3A_448, %get3A_449] {strides = array<i32>} : memref<128x128xf32, #tpu.memory_space<vmem>>, vector<16xf32>,
        %get3A_451 = arith.index_cast %add3A_423 : i32 to index
        %get3A_452 = arith.constant 16 : index
        %get3A_453 = tpu.vector_load %arg15[%get3A_451, %get3A_452] {strides = array<i32>} : memref<128x128xf32, #tpu.memory_space<vmem>>, vector<16xf32>,
        %get3A_454 = arith.index_cast %add3A_423 : i32 to index
        %get3A_455 = arith.constant 32 : index
        %get3A_456 = tpu.vector_load %arg15[%get3A_454, %get3A_455] {strides = array<i32>} : memref<128x128xf32, #tpu.memory_space<vmem>>, vector<16xf32>,
        %get3A_457 = arith.index_cast %add3A_423 : i32 to index
        %get3A_458 = arith.constant 48 : index
        %get3A_459 = tpu.vector_load %arg15[%get3A_457, %get3A_458] {strides = array<i32>} : memref<128x128xf32, #tpu.memory_space<vmem>>, vector<16xf32>,
        %get3A_460 = arith.index_cast %add3A_423 : i32 to index
        %get3A_461 = arith.constant 64 : index
        %get3A_462 = tpu.vector_load %arg15[%get3A_460, %get3A_461] {strides = array<i32>} : memref<128x128xf32, #tpu.memory_space<vmem>>, vector<16xf32>,
        %get3A_463 = arith.index_cast %add3A_423 : i32 to index
        %get3A_464 = arith.constant 80 : index
        %get3A_465 = tpu.vector_load %arg15[%get3A_463, %get3A_464] {strides = array<i32>} : memref<128x128xf32, #tpu.memory_space<vmem>>, vector<16xf32>,
        %get3A_466 = arith.index_cast %add3A_423 : i32 to index
        %get3A_467 = arith.constant 96 : index
        %get3A_468 = tpu.vector_load %arg15[%get3A_466, %get3A_467] {strides = array<i32>} : memref<128x128xf32, #tpu.memory_space<vmem>>, vector<16xf32>,
        %get3A_469 = arith.index_cast %add3A_423 : i32 to index
        %get3A_470 = arith.constant 112 : index
        %get3A_471 = tpu.vector_load %arg15[%get3A_469, %get3A_470] {strides = array<i32>} : memref<128x128xf32, #tpu.memory_space<vmem>>, vector<16xf32>,
        %mul3A_472 = arith.mulf %get3A_357, %get3A_381 : vector<16xf32>
        %mul3A_473 = arith.mulf %get3A_360, %get3A_384 : vector<16xf32>
        %mul3A_474 = arith.mulf %get3A_363, %get3A_387 : vector<16xf32>
        %mul3A_475 = arith.mulf %get3A_366, %get3A_390 : vector<16xf32>
        %mul3A_476 = arith.mulf %get3A_369, %get3A_393 : vector<16xf32>
        %mul3A_477 = arith.mulf %get3A_372, %get3A_396 : vector<16xf32>
        %mul3A_478 = arith.mulf %get3A_375, %get3A_399 : vector<16xf32>
        %mul3A_479 = arith.mulf %get3A_378, %get3A_402 : vector<16xf32>
        %add3A_480 = arith.addf %mul3A_472, %mul3A_473 : vector<16xf32>
        %add3A_481 = arith.addf %mul3A_474, %mul3A_475 : vector<16xf32>
        %add3A_482 = arith.addf %mul3A_476, %mul3A_477 : vector<16xf32>
        %add3A_483 = arith.addf %mul3A_478, %mul3A_479 : vector<16xf32>
        %add3A_484 = arith.addf %add3A_480, %add3A_481 : vector<16xf32>
        %add3A_485 = arith.addf %add3A_482, %add3A_483 : vector<16xf32>
        %add3A_486 = arith.addf %add3A_484, %add3A_485 : vector<16xf32>
        %swap3A_487 = arith.constant 48 : index
        %swap3A_488 = tpu.vector_load %arg22[%swap3A_487] {strides = array<i32>} : memref<256xf32, #tpu.memory_space<vmem>>, vector<16xf32>,
        tpu.vector_store %arg22[%swap3A_487], %add3A_486 {strides = array<i32>} : memref<256xf32, #tpu.memory_space<vmem>>, vector<16xf32>,
        %mul3A_489 = arith.constant 16 : i32
        %mul3A_490 = arith.muli %scan3A_163, %mul3A_489 : i32
        %add3A_491 = arith.constant 5 : i32
        %add3A_492 = arith.addi %mul3A_490, %add3A_491 : i32
        %get3A_493 = arith.index_cast %add3A_492 : i32 to index
        %get3A_494 = arith.constant 0 : index
        %get3A_495 = tpu.vector_load %arg13[%get3A_493, %get3A_494] {strides = array<i32>} : memref<128x128xf32, #tpu.memory_space<vmem>>, vector<16xf32>,
        %get3A_496 = arith.index_cast %add3A_492 : i32 to index
        %get3A_497 = arith.constant 16 : index
        %get3A_498 = tpu.vector_load %arg13[%get3A_496, %get3A_497] {strides = array<i32>} : memref<128x128xf32, #tpu.memory_space<vmem>>, vector<16xf32>,
        %get3A_499 = arith.index_cast %add3A_492 : i32 to index
        %get3A_500 = arith.constant 32 : index
        %get3A_501 = tpu.vector_load %arg13[%get3A_499, %get3A_500] {strides = array<i32>} : memref<128x128xf32, #tpu.memory_space<vmem>>, vector<16xf32>,
        %get3A_502 = arith.index_cast %add3A_492 : i32 to index
        %get3A_503 = arith.constant 48 : index
        %get3A_504 = tpu.vector_load %arg13[%get3A_502, %get3A_503] {strides = array<i32>} : memref<128x128xf32, #tpu.memory_space<vmem>>, vector<16xf32>,
        %get3A_505 = arith.index_cast %add3A_492 : i32 to index
        %get3A_506 = arith.constant 64 : index
        %get3A_507 = tpu.vector_load %arg13[%get3A_505, %get3A_506] {strides = array<i32>} : memref<128x128xf32, #tpu.memory_space<vmem>>, vector<16xf32>,
        %get3A_508 = arith.index_cast %add3A_492 : i32 to index
        %get3A_509 = arith.constant 80 : index
        %get3A_510 = tpu.vector_load %arg13[%get3A_508, %get3A_509] {strides = array<i32>} : memref<128x128xf32, #tpu.memory_space<vmem>>, vector<16xf32>,
        %get3A_511 = arith.index_cast %add3A_492 : i32 to index
        %get3A_512 = arith.constant 96 : index
        %get3A_513 = tpu.vector_load %arg13[%get3A_511, %get3A_512] {strides = array<i32>} : memref<128x128xf32, #tpu.memory_space<vmem>>, vector<16xf32>,
        %get3A_514 = arith.index_cast %add3A_492 : i32 to index
        %get3A_515 = arith.constant 112 : index
        %get3A_516 = tpu.vector_load %arg13[%get3A_514, %get3A_515] {strides = array<i32>} : memref<128x128xf32, #tpu.memory_space<vmem>>, vector<16xf32>,
        %get3A_517 = arith.index_cast %add3A_492 : i32 to index
        %get3A_518 = arith.constant 0 : index
        %get3A_519 = tpu.vector_load %arg15[%get3A_517, %get3A_518] {strides = array<i32>} : memref<128x128xf32, #tpu.memory_space<vmem>>, vector<16xf32>,
        %get3A_520 = arith.index_cast %add3A_492 : i32 to index
        %get3A_521 = arith.constant 16 : index
        %get3A_522 = tpu.vector_load %arg15[%get3A_520, %get3A_521] {strides = array<i32>} : memref<128x128xf32, #tpu.memory_space<vmem>>, vector<16xf32>,
        %get3A_523 = arith.index_cast %add3A_492 : i32 to index
        %get3A_524 = arith.constant 32 : index
        %get3A_525 = tpu.vector_load %arg15[%get3A_523, %get3A_524] {strides = array<i32>} : memref<128x128xf32, #tpu.memory_space<vmem>>, vector<16xf32>,
        %get3A_526 = arith.index_cast %add3A_492 : i32 to index
        %get3A_527 = arith.constant 48 : index
        %get3A_528 = tpu.vector_load %arg15[%get3A_526, %get3A_527] {strides = array<i32>} : memref<128x128xf32, #tpu.memory_space<vmem>>, vector<16xf32>,
        %get3A_529 = arith.index_cast %add3A_492 : i32 to index
        %get3A_530 = arith.constant 64 : index
        %get3A_531 = tpu.vector_load %arg15[%get3A_529, %get3A_530] {strides = array<i32>} : memref<128x128xf32, #tpu.memory_space<vmem>>, vector<16xf32>,
        %get3A_532 = arith.index_cast %add3A_492 : i32 to index
        %get3A_533 = arith.constant 80 : index
        %get3A_534 = tpu.vector_load %arg15[%get3A_532, %get3A_533] {strides = array<i32>} : memref<128x128xf32, #tpu.memory_space<vmem>>, vector<16xf32>,
        %get3A_535 = arith.index_cast %add3A_492 : i32 to index
        %get3A_536 = arith.constant 96 : index
        %get3A_537 = tpu.vector_load %arg15[%get3A_535, %get3A_536] {strides = array<i32>} : memref<128x128xf32, #tpu.memory_space<vmem>>, vector<16xf32>,
        %get3A_538 = arith.index_cast %add3A_492 : i32 to index
        %get3A_539 = arith.constant 112 : index
        %get3A_540 = tpu.vector_load %arg15[%get3A_538, %get3A_539] {strides = array<i32>} : memref<128x128xf32, #tpu.memory_space<vmem>>, vector<16xf32>,
        %mul3A_541 = arith.mulf %get3A_426, %get3A_450 : vector<16xf32>
        %mul3A_542 = arith.mulf %get3A_429, %get3A_453 : vector<16xf32>
        %mul3A_543 = arith.mulf %get3A_432, %get3A_456 : vector<16xf32>
        %mul3A_544 = arith.mulf %get3A_435, %get3A_459 : vector<16xf32>
        %mul3A_545 = arith.mulf %get3A_438, %get3A_462 : vector<16xf32>
        %mul3A_546 = arith.mulf %get3A_441, %get3A_465 : vector<16xf32>
        %mul3A_547 = arith.mulf %get3A_444, %get3A_468 : vector<16xf32>
        %mul3A_548 = arith.mulf %get3A_447, %get3A_471 : vector<16xf32>
        %add3A_549 = arith.addf %mul3A_541, %mul3A_542 : vector<16xf32>
        %add3A_550 = arith.addf %mul3A_543, %mul3A_544 : vector<16xf32>
        %add3A_551 = arith.addf %mul3A_545, %mul3A_546 : vector<16xf32>
        %add3A_552 = arith.addf %mul3A_547, %mul3A_548 : vector<16xf32>
        %add3A_553 = arith.addf %add3A_549, %add3A_550 : vector<16xf32>
        %add3A_554 = arith.addf %add3A_551, %add3A_552 : vector<16xf32>
        %add3A_555 = arith.addf %add3A_553, %add3A_554 : vector<16xf32>
        %swap3A_556 = arith.constant 64 : index
        %swap3A_557 = tpu.vector_load %arg22[%swap3A_556] {strides = array<i32>} : memref<256xf32, #tpu.memory_space<vmem>>, vector<16xf32>,
        tpu.vector_store %arg22[%swap3A_556], %add3A_555 {strides = array<i32>} : memref<256xf32, #tpu.memory_space<vmem>>, vector<16xf32>,
        %mul3A_558 = arith.constant 16 : i32
        %mul3A_559 = arith.muli %scan3A_163, %mul3A_558 : i32
        %add3A_560 = arith.constant 6 : i32
        %add3A_561 = arith.addi %mul3A_559, %add3A_560 : i32
        %get3A_562 = arith.index_cast %add3A_561 : i32 to index
        %get3A_563 = arith.constant 0 : index
        %get3A_564 = tpu.vector_load %arg13[%get3A_562, %get3A_563] {strides = array<i32>} : memref<128x128xf32, #tpu.memory_space<vmem>>, vector<16xf32>,
        %get3A_565 = arith.index_cast %add3A_561 : i32 to index
        %get3A_566 = arith.constant 16 : index
        %get3A_567 = tpu.vector_load %arg13[%get3A_565, %get3A_566] {strides = array<i32>} : memref<128x128xf32, #tpu.memory_space<vmem>>, vector<16xf32>,
        %get3A_568 = arith.index_cast %add3A_561 : i32 to index
        %get3A_569 = arith.constant 32 : index
        %get3A_570 = tpu.vector_load %arg13[%get3A_568, %get3A_569] {strides = array<i32>} : memref<128x128xf32, #tpu.memory_space<vmem>>, vector<16xf32>,
        %get3A_571 = arith.index_cast %add3A_561 : i32 to index
        %get3A_572 = arith.constant 48 : index
        %get3A_573 = tpu.vector_load %arg13[%get3A_571, %get3A_572] {strides = array<i32>} : memref<128x128xf32, #tpu.memory_space<vmem>>, vector<16xf32>,
        %get3A_574 = arith.index_cast %add3A_561 : i32 to index
        %get3A_575 = arith.constant 64 : index
        %get3A_576 = tpu.vector_load %arg13[%get3A_574, %get3A_575] {strides = array<i32>} : memref<128x128xf32, #tpu.memory_space<vmem>>, vector<16xf32>,
        %get3A_577 = arith.index_cast %add3A_561 : i32 to index
        %get3A_578 = arith.constant 80 : index
        %get3A_579 = tpu.vector_load %arg13[%get3A_577, %get3A_578] {strides = array<i32>} : memref<128x128xf32, #tpu.memory_space<vmem>>, vector<16xf32>,
        %get3A_580 = arith.index_cast %add3A_561 : i32 to index
        %get3A_581 = arith.constant 96 : index
        %get3A_582 = tpu.vector_load %arg13[%get3A_580, %get3A_581] {strides = array<i32>} : memref<128x128xf32, #tpu.memory_space<vmem>>, vector<16xf32>,
        %get3A_583 = arith.index_cast %add3A_561 : i32 to index
        %get3A_584 = arith.constant 112 : index
        %get3A_585 = tpu.vector_load %arg13[%get3A_583, %get3A_584] {strides = array<i32>} : memref<128x128xf32, #tpu.memory_space<vmem>>, vector<16xf32>,
        %get3A_586 = arith.index_cast %add3A_561 : i32 to index
        %get3A_587 = arith.constant 0 : index
        %get3A_588 = tpu.vector_load %arg15[%get3A_586, %get3A_587] {strides = array<i32>} : memref<128x128xf32, #tpu.memory_space<vmem>>, vector<16xf32>,
        %get3A_589 = arith.index_cast %add3A_561 : i32 to index
        %get3A_590 = arith.constant 16 : index
        %get3A_591 = tpu.vector_load %arg15[%get3A_589, %get3A_590] {strides = array<i32>} : memref<128x128xf32, #tpu.memory_space<vmem>>, vector<16xf32>,
        %get3A_592 = arith.index_cast %add3A_561 : i32 to index
        %get3A_593 = arith.constant 32 : index
        %get3A_594 = tpu.vector_load %arg15[%get3A_592, %get3A_593] {strides = array<i32>} : memref<128x128xf32, #tpu.memory_space<vmem>>, vector<16xf32>,
        %get3A_595 = arith.index_cast %add3A_561 : i32 to index
        %get3A_596 = arith.constant 48 : index
        %get3A_597 = tpu.vector_load %arg15[%get3A_595, %get3A_596] {strides = array<i32>} : memref<128x128xf32, #tpu.memory_space<vmem>>, vector<16xf32>,
        %get3A_598 = arith.index_cast %add3A_561 : i32 to index
        %get3A_599 = arith.constant 64 : index
        %get3A_600 = tpu.vector_load %arg15[%get3A_598, %get3A_599] {strides = array<i32>} : memref<128x128xf32, #tpu.memory_space<vmem>>, vector<16xf32>,
        %get3A_601 = arith.index_cast %add3A_561 : i32 to index
        %get3A_602 = arith.constant 80 : index
        %get3A_603 = tpu.vector_load %arg15[%get3A_601, %get3A_602] {strides = array<i32>} : memref<128x128xf32, #tpu.memory_space<vmem>>, vector<16xf32>,
        %get3A_604 = arith.index_cast %add3A_561 : i32 to index
        %get3A_605 = arith.constant 96 : index
        %get3A_606 = tpu.vector_load %arg15[%get3A_604, %get3A_605] {strides = array<i32>} : memref<128x128xf32, #tpu.memory_space<vmem>>, vector<16xf32>,
        %get3A_607 = arith.index_cast %add3A_561 : i32 to index
        %get3A_608 = arith.constant 112 : index
        %get3A_609 = tpu.vector_load %arg15[%get3A_607, %get3A_608] {strides = array<i32>} : memref<128x128xf32, #tpu.memory_space<vmem>>, vector<16xf32>,
        %mul3A_610 = arith.mulf %get3A_495, %get3A_519 : vector<16xf32>
        %mul3A_611 = arith.mulf %get3A_498, %get3A_522 : vector<16xf32>
        %mul3A_612 = arith.mulf %get3A_501, %get3A_525 : vector<16xf32>
        %mul3A_613 = arith.mulf %get3A_504, %get3A_528 : vector<16xf32>
        %mul3A_614 = arith.mulf %get3A_507, %get3A_531 : vector<16xf32>
        %mul3A_615 = arith.mulf %get3A_510, %get3A_534 : vector<16xf32>
        %mul3A_616 = arith.mulf %get3A_513, %get3A_537 : vector<16xf32>
        %mul3A_617 = arith.mulf %get3A_516, %get3A_540 : vector<16xf32>
        %add3A_618 = arith.addf %mul3A_610, %mul3A_611 : vector<16xf32>
        %add3A_619 = arith.addf %mul3A_612, %mul3A_613 : vector<16xf32>
        %add3A_620 = arith.addf %mul3A_614, %mul3A_615 : vector<16xf32>
        %add3A_621 = arith.addf %mul3A_616, %mul3A_617 : vector<16xf32>
        %add3A_622 = arith.addf %add3A_618, %add3A_619 : vector<16xf32>
        %add3A_623 = arith.addf %add3A_620, %add3A_621 : vector<16xf32>
        %add3A_624 = arith.addf %add3A_622, %add3A_623 : vector<16xf32>
        %swap3A_625 = arith.constant 80 : index
        %swap3A_626 = tpu.vector_load %arg22[%swap3A_625] {strides = array<i32>} : memref<256xf32, #tpu.memory_space<vmem>>, vector<16xf32>,
        tpu.vector_store %arg22[%swap3A_625], %add3A_624 {strides = array<i32>} : memref<256xf32, #tpu.memory_space<vmem>>, vector<16xf32>,
        %mul3A_627 = arith.constant 16 : i32
        %mul3A_628 = arith.muli %scan3A_163, %mul3A_627 : i32
        %add3A_629 = arith.constant 7 : i32
        %add3A_630 = arith.addi %mul3A_628, %add3A_629 : i32
        %get3A_631 = arith.index_cast %add3A_630 : i32 to index
        %get3A_632 = arith.constant 0 : index
        %get3A_633 = tpu.vector_load %arg13[%get3A_631, %get3A_632] {strides = array<i32>} : memref<128x128xf32, #tpu.memory_space<vmem>>, vector<16xf32>,
        %get3A_634 = arith.index_cast %add3A_630 : i32 to index
        %get3A_635 = arith.constant 16 : index
        %get3A_636 = tpu.vector_load %arg13[%get3A_634, %get3A_635] {strides = array<i32>} : memref<128x128xf32, #tpu.memory_space<vmem>>, vector<16xf32>,
        %get3A_637 = arith.index_cast %add3A_630 : i32 to index
        %get3A_638 = arith.constant 32 : index
        %get3A_639 = tpu.vector_load %arg13[%get3A_637, %get3A_638] {strides = array<i32>} : memref<128x128xf32, #tpu.memory_space<vmem>>, vector<16xf32>,
        %get3A_640 = arith.index_cast %add3A_630 : i32 to index
        %get3A_641 = arith.constant 48 : index
        %get3A_642 = tpu.vector_load %arg13[%get3A_640, %get3A_641] {strides = array<i32>} : memref<128x128xf32, #tpu.memory_space<vmem>>, vector<16xf32>,
        %get3A_643 = arith.index_cast %add3A_630 : i32 to index
        %get3A_644 = arith.constant 64 : index
        %get3A_645 = tpu.vector_load %arg13[%get3A_643, %get3A_644] {strides = array<i32>} : memref<128x128xf32, #tpu.memory_space<vmem>>, vector<16xf32>,
        %get3A_646 = arith.index_cast %add3A_630 : i32 to index
        %get3A_647 = arith.constant 80 : index
        %get3A_648 = tpu.vector_load %arg13[%get3A_646, %get3A_647] {strides = array<i32>} : memref<128x128xf32, #tpu.memory_space<vmem>>, vector<16xf32>,
        %get3A_649 = arith.index_cast %add3A_630 : i32 to index
        %get3A_650 = arith.constant 96 : index
        %get3A_651 = tpu.vector_load %arg13[%get3A_649, %get3A_650] {strides = array<i32>} : memref<128x128xf32, #tpu.memory_space<vmem>>, vector<16xf32>,
        %get3A_652 = arith.index_cast %add3A_630 : i32 to index
        %get3A_653 = arith.constant 112 : index
        %get3A_654 = tpu.vector_load %arg13[%get3A_652, %get3A_653] {strides = array<i32>} : memref<128x128xf32, #tpu.memory_space<vmem>>, vector<16xf32>,
        %get3A_655 = arith.index_cast %add3A_630 : i32 to index
        %get3A_656 = arith.constant 0 : index
        %get3A_657 = tpu.vector_load %arg15[%get3A_655, %get3A_656] {strides = array<i32>} : memref<128x128xf32, #tpu.memory_space<vmem>>, vector<16xf32>,
        %get3A_658 = arith.index_cast %add3A_630 : i32 to index
        %get3A_659 = arith.constant 16 : index
        %get3A_660 = tpu.vector_load %arg15[%get3A_658, %get3A_659] {strides = array<i32>} : memref<128x128xf32, #tpu.memory_space<vmem>>, vector<16xf32>,
        %get3A_661 = arith.index_cast %add3A_630 : i32 to index
        %get3A_662 = arith.constant 32 : index
        %get3A_663 = tpu.vector_load %arg15[%get3A_661, %get3A_662] {strides = array<i32>} : memref<128x128xf32, #tpu.memory_space<vmem>>, vector<16xf32>,
        %get3A_664 = arith.index_cast %add3A_630 : i32 to index
        %get3A_665 = arith.constant 48 : index
        %get3A_666 = tpu.vector_load %arg15[%get3A_664, %get3A_665] {strides = array<i32>} : memref<128x128xf32, #tpu.memory_space<vmem>>, vector<16xf32>,
        %get3A_667 = arith.index_cast %add3A_630 : i32 to index
        %get3A_668 = arith.constant 64 : index
        %get3A_669 = tpu.vector_load %arg15[%get3A_667, %get3A_668] {strides = array<i32>} : memref<128x128xf32, #tpu.memory_space<vmem>>, vector<16xf32>,
        %get3A_670 = arith.index_cast %add3A_630 : i32 to index
        %get3A_671 = arith.constant 80 : index
        %get3A_672 = tpu.vector_load %arg15[%get3A_670, %get3A_671] {strides = array<i32>} : memref<128x128xf32, #tpu.memory_space<vmem>>, vector<16xf32>,
        %get3A_673 = arith.index_cast %add3A_630 : i32 to index
        %get3A_674 = arith.constant 96 : index
        %get3A_675 = tpu.vector_load %arg15[%get3A_673, %get3A_674] {strides = array<i32>} : memref<128x128xf32, #tpu.memory_space<vmem>>, vector<16xf32>,
        %get3A_676 = arith.index_cast %add3A_630 : i32 to index
        %get3A_677 = arith.constant 112 : index
        %get3A_678 = tpu.vector_load %arg15[%get3A_676, %get3A_677] {strides = array<i32>} : memref<128x128xf32, #tpu.memory_space<vmem>>, vector<16xf32>,
        %mul3A_679 = arith.mulf %get3A_564, %get3A_588 : vector<16xf32>
        %mul3A_680 = arith.mulf %get3A_567, %get3A_591 : vector<16xf32>
        %mul3A_681 = arith.mulf %get3A_570, %get3A_594 : vector<16xf32>
        %mul3A_682 = arith.mulf %get3A_573, %get3A_597 : vector<16xf32>
        %mul3A_683 = arith.mulf %get3A_576, %get3A_600 : vector<16xf32>
        %mul3A_684 = arith.mulf %get3A_579, %get3A_603 : vector<16xf32>
        %mul3A_685 = arith.mulf %get3A_582, %get3A_606 : vector<16xf32>
        %mul3A_686 = arith.mulf %get3A_585, %get3A_609 : vector<16xf32>
        %add3A_687 = arith.addf %mul3A_679, %mul3A_680 : vector<16xf32>
        %add3A_688 = arith.addf %mul3A_681, %mul3A_682 : vector<16xf32>
        %add3A_689 = arith.addf %mul3A_683, %mul3A_684 : vector<16xf32>
        %add3A_690 = arith.addf %mul3A_685, %mul3A_686 : vector<16xf32>
        %add3A_691 = arith.addf %add3A_687, %add3A_688 : vector<16xf32>
        %add3A_692 = arith.addf %add3A_689, %add3A_690 : vector<16xf32>
        %add3A_693 = arith.addf %add3A_691, %add3A_692 : vector<16xf32>
        %swap3A_694 = arith.constant 96 : index
        %swap3A_695 = tpu.vector_load %arg22[%swap3A_694] {strides = array<i32>} : memref<256xf32, #tpu.memory_space<vmem>>, vector<16xf32>,
        tpu.vector_store %arg22[%swap3A_694], %add3A_693 {strides = array<i32>} : memref<256xf32, #tpu.memory_space<vmem>>, vector<16xf32>,
        %mul3A_696 = arith.constant 16 : i32
        %mul3A_697 = arith.muli %scan3A_163, %mul3A_696 : i32
        %add3A_698 = arith.constant 8 : i32
        %add3A_699 = arith.addi %mul3A_697, %add3A_698 : i32
        %get3A_700 = arith.index_cast %add3A_699 : i32 to index
        %get3A_701 = arith.constant 0 : index
        %get3A_702 = tpu.vector_load %arg13[%get3A_700, %get3A_701] {strides = array<i32>} : memref<128x128xf32, #tpu.memory_space<vmem>>, vector<16xf32>,
        %get3A_703 = arith.index_cast %add3A_699 : i32 to index
        %get3A_704 = arith.constant 16 : index
        %get3A_705 = tpu.vector_load %arg13[%get3A_703, %get3A_704] {strides = array<i32>} : memref<128x128xf32, #tpu.memory_space<vmem>>, vector<16xf32>,
        %get3A_706 = arith.index_cast %add3A_699 : i32 to index
        %get3A_707 = arith.constant 32 : index
        %get3A_708 = tpu.vector_load %arg13[%get3A_706, %get3A_707] {strides = array<i32>} : memref<128x128xf32, #tpu.memory_space<vmem>>, vector<16xf32>,
        %get3A_709 = arith.index_cast %add3A_699 : i32 to index
        %get3A_710 = arith.constant 48 : index
        %get3A_711 = tpu.vector_load %arg13[%get3A_709, %get3A_710] {strides = array<i32>} : memref<128x128xf32, #tpu.memory_space<vmem>>, vector<16xf32>,
        %get3A_712 = arith.index_cast %add3A_699 : i32 to index
        %get3A_713 = arith.constant 64 : index
        %get3A_714 = tpu.vector_load %arg13[%get3A_712, %get3A_713] {strides = array<i32>} : memref<128x128xf32, #tpu.memory_space<vmem>>, vector<16xf32>,
        %get3A_715 = arith.index_cast %add3A_699 : i32 to index
        %get3A_716 = arith.constant 80 : index
        %get3A_717 = tpu.vector_load %arg13[%get3A_715, %get3A_716] {strides = array<i32>} : memref<128x128xf32, #tpu.memory_space<vmem>>, vector<16xf32>,
        %get3A_718 = arith.index_cast %add3A_699 : i32 to index
        %get3A_719 = arith.constant 96 : index
        %get3A_720 = tpu.vector_load %arg13[%get3A_718, %get3A_719] {strides = array<i32>} : memref<128x128xf32, #tpu.memory_space<vmem>>, vector<16xf32>,
        %get3A_721 = arith.index_cast %add3A_699 : i32 to index
        %get3A_722 = arith.constant 112 : index
        %get3A_723 = tpu.vector_load %arg13[%get3A_721, %get3A_722] {strides = array<i32>} : memref<128x128xf32, #tpu.memory_space<vmem>>, vector<16xf32>,
        %get3A_724 = arith.index_cast %add3A_699 : i32 to index
        %get3A_725 = arith.constant 0 : index
        %get3A_726 = tpu.vector_load %arg15[%get3A_724, %get3A_725] {strides = array<i32>} : memref<128x128xf32, #tpu.memory_space<vmem>>, vector<16xf32>,
        %get3A_727 = arith.index_cast %add3A_699 : i32 to index
        %get3A_728 = arith.constant 16 : index
        %get3A_729 = tpu.vector_load %arg15[%get3A_727, %get3A_728] {strides = array<i32>} : memref<128x128xf32, #tpu.memory_space<vmem>>, vector<16xf32>,
        %get3A_730 = arith.index_cast %add3A_699 : i32 to index
        %get3A_731 = arith.constant 32 : index
        %get3A_732 = tpu.vector_load %arg15[%get3A_730, %get3A_731] {strides = array<i32>} : memref<128x128xf32, #tpu.memory_space<vmem>>, vector<16xf32>,
        %get3A_733 = arith.index_cast %add3A_699 : i32 to index
        %get3A_734 = arith.constant 48 : index
        %get3A_735 = tpu.vector_load %arg15[%get3A_733, %get3A_734] {strides = array<i32>} : memref<128x128xf32, #tpu.memory_space<vmem>>, vector<16xf32>,
        %get3A_736 = arith.index_cast %add3A_699 : i32 to index
        %get3A_737 = arith.constant 64 : index
        %get3A_738 = tpu.vector_load %arg15[%get3A_736, %get3A_737] {strides = array<i32>} : memref<128x128xf32, #tpu.memory_space<vmem>>, vector<16xf32>,
        %get3A_739 = arith.index_cast %add3A_699 : i32 to index
        %get3A_740 = arith.constant 80 : index
        %get3A_741 = tpu.vector_load %arg15[%get3A_739, %get3A_740] {strides = array<i32>} : memref<128x128xf32, #tpu.memory_space<vmem>>, vector<16xf32>,
        %get3A_742 = arith.index_cast %add3A_699 : i32 to index
        %get3A_743 = arith.constant 96 : index
        %get3A_744 = tpu.vector_load %arg15[%get3A_742, %get3A_743] {strides = array<i32>} : memref<128x128xf32, #tpu.memory_space<vmem>>, vector<16xf32>,
        %get3A_745 = arith.index_cast %add3A_699 : i32 to index
        %get3A_746 = arith.constant 112 : index
        %get3A_747 = tpu.vector_load %arg15[%get3A_745, %get3A_746] {strides = array<i32>} : memref<128x128xf32, #tpu.memory_space<vmem>>, vector<16xf32>,
        %mul3A_748 = arith.mulf %get3A_633, %get3A_657 : vector<16xf32>
        %mul3A_749 = arith.mulf %get3A_636, %get3A_660 : vector<16xf32>
        %mul3A_750 = arith.mulf %get3A_639, %get3A_663 : vector<16xf32>
        %mul3A_751 = arith.mulf %get3A_642, %get3A_666 : vector<16xf32>
        %mul3A_752 = arith.mulf %get3A_645, %get3A_669 : vector<16xf32>
        %mul3A_753 = arith.mulf %get3A_648, %get3A_672 : vector<16xf32>
        %mul3A_754 = arith.mulf %get3A_651, %get3A_675 : vector<16xf32>
        %mul3A_755 = arith.mulf %get3A_654, %get3A_678 : vector<16xf32>
        %add3A_756 = arith.addf %mul3A_748, %mul3A_749 : vector<16xf32>
        %add3A_757 = arith.addf %mul3A_750, %mul3A_751 : vector<16xf32>
        %add3A_758 = arith.addf %mul3A_752, %mul3A_753 : vector<16xf32>
        %add3A_759 = arith.addf %mul3A_754, %mul3A_755 : vector<16xf32>
        %add3A_760 = arith.addf %add3A_756, %add3A_757 : vector<16xf32>
        %add3A_761 = arith.addf %add3A_758, %add3A_759 : vector<16xf32>
        %add3A_762 = arith.addf %add3A_760, %add3A_761 : vector<16xf32>
        %swap3A_763 = arith.constant 112 : index
        %swap3A_764 = tpu.vector_load %arg22[%swap3A_763] {strides = array<i32>} : memref<256xf32, #tpu.memory_space<vmem>>, vector<16xf32>,
        tpu.vector_store %arg22[%swap3A_763], %add3A_762 {strides = array<i32>} : memref<256xf32, #tpu.memory_space<vmem>>, vector<16xf32>,
        %mul3A_765 = arith.constant 16 : i32
        %mul3A_766 = arith.muli %scan3A_163, %mul3A_765 : i32
        %add3A_767 = arith.constant 9 : i32
        %add3A_768 = arith.addi %mul3A_766, %add3A_767 : i32
        %get3A_769 = arith.index_cast %add3A_768 : i32 to index
        %get3A_770 = arith.constant 0 : index
        %get3A_771 = tpu.vector_load %arg13[%get3A_769, %get3A_770] {strides = array<i32>} : memref<128x128xf32, #tpu.memory_space<vmem>>, vector<16xf32>,
        %get3A_772 = arith.index_cast %add3A_768 : i32 to index
        %get3A_773 = arith.constant 16 : index
        %get3A_774 = tpu.vector_load %arg13[%get3A_772, %get3A_773] {strides = array<i32>} : memref<128x128xf32, #tpu.memory_space<vmem>>, vector<16xf32>,
        %get3A_775 = arith.index_cast %add3A_768 : i32 to index
        %get3A_776 = arith.constant 32 : index
        %get3A_777 = tpu.vector_load %arg13[%get3A_775, %get3A_776] {strides = array<i32>} : memref<128x128xf32, #tpu.memory_space<vmem>>, vector<16xf32>,
        %get3A_778 = arith.index_cast %add3A_768 : i32 to index
        %get3A_779 = arith.constant 48 : index
        %get3A_780 = tpu.vector_load %arg13[%get3A_778, %get3A_779] {strides = array<i32>} : memref<128x128xf32, #tpu.memory_space<vmem>>, vector<16xf32>,
        %get3A_781 = arith.index_cast %add3A_768 : i32 to index
        %get3A_782 = arith.constant 64 : index
        %get3A_783 = tpu.vector_load %arg13[%get3A_781, %get3A_782] {strides = array<i32>} : memref<128x128xf32, #tpu.memory_space<vmem>>, vector<16xf32>,
        %get3A_784 = arith.index_cast %add3A_768 : i32 to index
        %get3A_785 = arith.constant 80 : index
        %get3A_786 = tpu.vector_load %arg13[%get3A_784, %get3A_785] {strides = array<i32>} : memref<128x128xf32, #tpu.memory_space<vmem>>, vector<16xf32>,
        %get3A_787 = arith.index_cast %add3A_768 : i32 to index
        %get3A_788 = arith.constant 96 : index
        %get3A_789 = tpu.vector_load %arg13[%get3A_787, %get3A_788] {strides = array<i32>} : memref<128x128xf32, #tpu.memory_space<vmem>>, vector<16xf32>,
        %get3A_790 = arith.index_cast %add3A_768 : i32 to index
        %get3A_791 = arith.constant 112 : index
        %get3A_792 = tpu.vector_load %arg13[%get3A_790, %get3A_791] {strides = array<i32>} : memref<128x128xf32, #tpu.memory_space<vmem>>, vector<16xf32>,
        %get3A_793 = arith.index_cast %add3A_768 : i32 to index
        %get3A_794 = arith.constant 0 : index
        %get3A_795 = tpu.vector_load %arg15[%get3A_793, %get3A_794] {strides = array<i32>} : memref<128x128xf32, #tpu.memory_space<vmem>>, vector<16xf32>,
        %get3A_796 = arith.index_cast %add3A_768 : i32 to index
        %get3A_797 = arith.constant 16 : index
        %get3A_798 = tpu.vector_load %arg15[%get3A_796, %get3A_797] {strides = array<i32>} : memref<128x128xf32, #tpu.memory_space<vmem>>, vector<16xf32>,
        %get3A_799 = arith.index_cast %add3A_768 : i32 to index
        %get3A_800 = arith.constant 32 : index
        %get3A_801 = tpu.vector_load %arg15[%get3A_799, %get3A_800] {strides = array<i32>} : memref<128x128xf32, #tpu.memory_space<vmem>>, vector<16xf32>,
        %get3A_802 = arith.index_cast %add3A_768 : i32 to index
        %get3A_803 = arith.constant 48 : index
        %get3A_804 = tpu.vector_load %arg15[%get3A_802, %get3A_803] {strides = array<i32>} : memref<128x128xf32, #tpu.memory_space<vmem>>, vector<16xf32>,
        %get3A_805 = arith.index_cast %add3A_768 : i32 to index
        %get3A_806 = arith.constant 64 : index
        %get3A_807 = tpu.vector_load %arg15[%get3A_805, %get3A_806] {strides = array<i32>} : memref<128x128xf32, #tpu.memory_space<vmem>>, vector<16xf32>,
        %get3A_808 = arith.index_cast %add3A_768 : i32 to index
        %get3A_809 = arith.constant 80 : index
        %get3A_810 = tpu.vector_load %arg15[%get3A_808, %get3A_809] {strides = array<i32>} : memref<128x128xf32, #tpu.memory_space<vmem>>, vector<16xf32>,
        %get3A_811 = arith.index_cast %add3A_768 : i32 to index
        %get3A_812 = arith.constant 96 : index
        %get3A_813 = tpu.vector_load %arg15[%get3A_811, %get3A_812] {strides = array<i32>} : memref<128x128xf32, #tpu.memory_space<vmem>>, vector<16xf32>,
        %get3A_814 = arith.index_cast %add3A_768 : i32 to index
        %get3A_815 = arith.constant 112 : index
        %get3A_816 = tpu.vector_load %arg15[%get3A_814, %get3A_815] {strides = array<i32>} : memref<128x128xf32, #tpu.memory_space<vmem>>, vector<16xf32>,
        %mul3A_817 = arith.mulf %get3A_702, %get3A_726 : vector<16xf32>
        %mul3A_818 = arith.mulf %get3A_705, %get3A_729 : vector<16xf32>
        %mul3A_819 = arith.mulf %get3A_708, %get3A_732 : vector<16xf32>
        %mul3A_820 = arith.mulf %get3A_711, %get3A_735 : vector<16xf32>
        %mul3A_821 = arith.mulf %get3A_714, %get3A_738 : vector<16xf32>
        %mul3A_822 = arith.mulf %get3A_717, %get3A_741 : vector<16xf32>
        %mul3A_823 = arith.mulf %get3A_720, %get3A_744 : vector<16xf32>
        %mul3A_824 = arith.mulf %get3A_723, %get3A_747 : vector<16xf32>
        %add3A_825 = arith.addf %mul3A_817, %mul3A_818 : vector<16xf32>
        %add3A_826 = arith.addf %mul3A_819, %mul3A_820 : vector<16xf32>
        %add3A_827 = arith.addf %mul3A_821, %mul3A_822 : vector<16xf32>
        %add3A_828 = arith.addf %mul3A_823, %mul3A_824 : vector<16xf32>
        %add3A_829 = arith.addf %add3A_825, %add3A_826 : vector<16xf32>
        %add3A_830 = arith.addf %add3A_827, %add3A_828 : vector<16xf32>
        %add3A_831 = arith.addf %add3A_829, %add3A_830 : vector<16xf32>
        %swap3A_832 = arith.constant 128 : index
        %swap3A_833 = tpu.vector_load %arg22[%swap3A_832] {strides = array<i32>} : memref<256xf32, #tpu.memory_space<vmem>>, vector<16xf32>,
        tpu.vector_store %arg22[%swap3A_832], %add3A_831 {strides = array<i32>} : memref<256xf32, #tpu.memory_space<vmem>>, vector<16xf32>,
        %mul3A_834 = arith.constant 16 : i32
        %mul3A_835 = arith.muli %scan3A_163, %mul3A_834 : i32
        %add3A_836 = arith.constant 10 : i32
        %add3A_837 = arith.addi %mul3A_835, %add3A_836 : i32
        %get3A_838 = arith.index_cast %add3A_837 : i32 to index
        %get3A_839 = arith.constant 0 : index
        %get3A_840 = tpu.vector_load %arg13[%get3A_838, %get3A_839] {strides = array<i32>} : memref<128x128xf32, #tpu.memory_space<vmem>>, vector<16xf32>,
        %get3A_841 = arith.index_cast %add3A_837 : i32 to index
        %get3A_842 = arith.constant 16 : index
        %get3A_843 = tpu.vector_load %arg13[%get3A_841, %get3A_842] {strides = array<i32>} : memref<128x128xf32, #tpu.memory_space<vmem>>, vector<16xf32>,
        %get3A_844 = arith.index_cast %add3A_837 : i32 to index
        %get3A_845 = arith.constant 32 : index
        %get3A_846 = tpu.vector_load %arg13[%get3A_844, %get3A_845] {strides = array<i32>} : memref<128x128xf32, #tpu.memory_space<vmem>>, vector<16xf32>,
        %get3A_847 = arith.index_cast %add3A_837 : i32 to index
        %get3A_848 = arith.constant 48 : index
        %get3A_849 = tpu.vector_load %arg13[%get3A_847, %get3A_848] {strides = array<i32>} : memref<128x128xf32, #tpu.memory_space<vmem>>, vector<16xf32>,
        %get3A_850 = arith.index_cast %add3A_837 : i32 to index
        %get3A_851 = arith.constant 64 : index
        %get3A_852 = tpu.vector_load %arg13[%get3A_850, %get3A_851] {strides = array<i32>} : memref<128x128xf32, #tpu.memory_space<vmem>>, vector<16xf32>,
        %get3A_853 = arith.index_cast %add3A_837 : i32 to index
        %get3A_854 = arith.constant 80 : index
        %get3A_855 = tpu.vector_load %arg13[%get3A_853, %get3A_854] {strides = array<i32>} : memref<128x128xf32, #tpu.memory_space<vmem>>, vector<16xf32>,
        %get3A_856 = arith.index_cast %add3A_837 : i32 to index
        %get3A_857 = arith.constant 96 : index
        %get3A_858 = tpu.vector_load %arg13[%get3A_856, %get3A_857] {strides = array<i32>} : memref<128x128xf32, #tpu.memory_space<vmem>>, vector<16xf32>,
        %get3A_859 = arith.index_cast %add3A_837 : i32 to index
        %get3A_860 = arith.constant 112 : index
        %get3A_861 = tpu.vector_load %arg13[%get3A_859, %get3A_860] {strides = array<i32>} : memref<128x128xf32, #tpu.memory_space<vmem>>, vector<16xf32>,
        %get3A_862 = arith.index_cast %add3A_837 : i32 to index
        %get3A_863 = arith.constant 0 : index
        %get3A_864 = tpu.vector_load %arg15[%get3A_862, %get3A_863] {strides = array<i32>} : memref<128x128xf32, #tpu.memory_space<vmem>>, vector<16xf32>,
        %get3A_865 = arith.index_cast %add3A_837 : i32 to index
        %get3A_866 = arith.constant 16 : index
        %get3A_867 = tpu.vector_load %arg15[%get3A_865, %get3A_866] {strides = array<i32>} : memref<128x128xf32, #tpu.memory_space<vmem>>, vector<16xf32>,
        %get3A_868 = arith.index_cast %add3A_837 : i32 to index
        %get3A_869 = arith.constant 32 : index
        %get3A_870 = tpu.vector_load %arg15[%get3A_868, %get3A_869] {strides = array<i32>} : memref<128x128xf32, #tpu.memory_space<vmem>>, vector<16xf32>,
        %get3A_871 = arith.index_cast %add3A_837 : i32 to index
        %get3A_872 = arith.constant 48 : index
        %get3A_873 = tpu.vector_load %arg15[%get3A_871, %get3A_872] {strides = array<i32>} : memref<128x128xf32, #tpu.memory_space<vmem>>, vector<16xf32>,
        %get3A_874 = arith.index_cast %add3A_837 : i32 to index
        %get3A_875 = arith.constant 64 : index
        %get3A_876 = tpu.vector_load %arg15[%get3A_874, %get3A_875] {strides = array<i32>} : memref<128x128xf32, #tpu.memory_space<vmem>>, vector<16xf32>,
        %get3A_877 = arith.index_cast %add3A_837 : i32 to index
        %get3A_878 = arith.constant 80 : index
        %get3A_879 = tpu.vector_load %arg15[%get3A_877, %get3A_878] {strides = array<i32>} : memref<128x128xf32, #tpu.memory_space<vmem>>, vector<16xf32>,
        %get3A_880 = arith.index_cast %add3A_837 : i32 to index
        %get3A_881 = arith.constant 96 : index
        %get3A_882 = tpu.vector_load %arg15[%get3A_880, %get3A_881] {strides = array<i32>} : memref<128x128xf32, #tpu.memory_space<vmem>>, vector<16xf32>,
        %get3A_883 = arith.index_cast %add3A_837 : i32 to index
        %get3A_884 = arith.constant 112 : index
        %get3A_885 = tpu.vector_load %arg15[%get3A_883, %get3A_884] {strides = array<i32>} : memref<128x128xf32, #tpu.memory_space<vmem>>, vector<16xf32>,
        %mul3A_886 = arith.mulf %get3A_771, %get3A_795 : vector<16xf32>
        %mul3A_887 = arith.mulf %get3A_774, %get3A_798 : vector<16xf32>
        %mul3A_888 = arith.mulf %get3A_777, %get3A_801 : vector<16xf32>
        %mul3A_889 = arith.mulf %get3A_780, %get3A_804 : vector<16xf32>
        %mul3A_890 = arith.mulf %get3A_783, %get3A_807 : vector<16xf32>
        %mul3A_891 = arith.mulf %get3A_786, %get3A_810 : vector<16xf32>
        %mul3A_892 = arith.mulf %get3A_789, %get3A_813 : vector<16xf32>
        %mul3A_893 = arith.mulf %get3A_792, %get3A_816 : vector<16xf32>
        %add3A_894 = arith.addf %mul3A_886, %mul3A_887 : vector<16xf32>
        %add3A_895 = arith.addf %mul3A_888, %mul3A_889 : vector<16xf32>
        %add3A_896 = arith.addf %mul3A_890, %mul3A_891 : vector<16xf32>
        %add3A_897 = arith.addf %mul3A_892, %mul3A_893 : vector<16xf32>
        %add3A_898 = arith.addf %add3A_894, %add3A_895 : vector<16xf32>
        %add3A_899 = arith.addf %add3A_896, %add3A_897 : vector<16xf32>
        %add3A_900 = arith.addf %add3A_898, %add3A_899 : vector<16xf32>
        %swap3A_901 = arith.constant 144 : index
        %swap3A_902 = tpu.vector_load %arg22[%swap3A_901] {strides = array<i32>} : memref<256xf32, #tpu.memory_space<vmem>>, vector<16xf32>,
        tpu.vector_store %arg22[%swap3A_901], %add3A_900 {strides = array<i32>} : memref<256xf32, #tpu.memory_space<vmem>>, vector<16xf32>,
        %mul3A_903 = arith.constant 16 : i32
        %mul3A_904 = arith.muli %scan3A_163, %mul3A_903 : i32
        %add3A_905 = arith.constant 11 : i32
        %add3A_906 = arith.addi %mul3A_904, %add3A_905 : i32
        %get3A_907 = arith.index_cast %add3A_906 : i32 to index
        %get3A_908 = arith.constant 0 : index
        %get3A_909 = tpu.vector_load %arg13[%get3A_907, %get3A_908] {strides = array<i32>} : memref<128x128xf32, #tpu.memory_space<vmem>>, vector<16xf32>,
        %get3A_910 = arith.index_cast %add3A_906 : i32 to index
        %get3A_911 = arith.constant 16 : index
        %get3A_912 = tpu.vector_load %arg13[%get3A_910, %get3A_911] {strides = array<i32>} : memref<128x128xf32, #tpu.memory_space<vmem>>, vector<16xf32>,
        %get3A_913 = arith.index_cast %add3A_906 : i32 to index
        %get3A_914 = arith.constant 32 : index
        %get3A_915 = tpu.vector_load %arg13[%get3A_913, %get3A_914] {strides = array<i32>} : memref<128x128xf32, #tpu.memory_space<vmem>>, vector<16xf32>,
        %get3A_916 = arith.index_cast %add3A_906 : i32 to index
        %get3A_917 = arith.constant 48 : index
        %get3A_918 = tpu.vector_load %arg13[%get3A_916, %get3A_917] {strides = array<i32>} : memref<128x128xf32, #tpu.memory_space<vmem>>, vector<16xf32>,
        %get3A_919 = arith.index_cast %add3A_906 : i32 to index
        %get3A_920 = arith.constant 64 : index
        %get3A_921 = tpu.vector_load %arg13[%get3A_919, %get3A_920] {strides = array<i32>} : memref<128x128xf32, #tpu.memory_space<vmem>>, vector<16xf32>,
        %get3A_922 = arith.index_cast %add3A_906 : i32 to index
        %get3A_923 = arith.constant 80 : index
        %get3A_924 = tpu.vector_load %arg13[%get3A_922, %get3A_923] {strides = array<i32>} : memref<128x128xf32, #tpu.memory_space<vmem>>, vector<16xf32>,
        %get3A_925 = arith.index_cast %add3A_906 : i32 to index
        %get3A_926 = arith.constant 96 : index
        %get3A_927 = tpu.vector_load %arg13[%get3A_925, %get3A_926] {strides = array<i32>} : memref<128x128xf32, #tpu.memory_space<vmem>>, vector<16xf32>,
        %get3A_928 = arith.index_cast %add3A_906 : i32 to index
        %get3A_929 = arith.constant 112 : index
        %get3A_930 = tpu.vector_load %arg13[%get3A_928, %get3A_929] {strides = array<i32>} : memref<128x128xf32, #tpu.memory_space<vmem>>, vector<16xf32>,
        %get3A_931 = arith.index_cast %add3A_906 : i32 to index
        %get3A_932 = arith.constant 0 : index
        %get3A_933 = tpu.vector_load %arg15[%get3A_931, %get3A_932] {strides = array<i32>} : memref<128x128xf32, #tpu.memory_space<vmem>>, vector<16xf32>,
        %get3A_934 = arith.index_cast %add3A_906 : i32 to index
        %get3A_935 = arith.constant 16 : index
        %get3A_936 = tpu.vector_load %arg15[%get3A_934, %get3A_935] {strides = array<i32>} : memref<128x128xf32, #tpu.memory_space<vmem>>, vector<16xf32>,
        %get3A_937 = arith.index_cast %add3A_906 : i32 to index
        %get3A_938 = arith.constant 32 : index
        %get3A_939 = tpu.vector_load %arg15[%get3A_937, %get3A_938] {strides = array<i32>} : memref<128x128xf32, #tpu.memory_space<vmem>>, vector<16xf32>,
        %get3A_940 = arith.index_cast %add3A_906 : i32 to index
        %get3A_941 = arith.constant 48 : index
        %get3A_942 = tpu.vector_load %arg15[%get3A_940, %get3A_941] {strides = array<i32>} : memref<128x128xf32, #tpu.memory_space<vmem>>, vector<16xf32>,
        %get3A_943 = arith.index_cast %add3A_906 : i32 to index
        %get3A_944 = arith.constant 64 : index
        %get3A_945 = tpu.vector_load %arg15[%get3A_943, %get3A_944] {strides = array<i32>} : memref<128x128xf32, #tpu.memory_space<vmem>>, vector<16xf32>,
        %get3A_946 = arith.index_cast %add3A_906 : i32 to index
        %get3A_947 = arith.constant 80 : index
        %get3A_948 = tpu.vector_load %arg15[%get3A_946, %get3A_947] {strides = array<i32>} : memref<128x128xf32, #tpu.memory_space<vmem>>, vector<16xf32>,
        %get3A_949 = arith.index_cast %add3A_906 : i32 to index
        %get3A_950 = arith.constant 96 : index
        %get3A_951 = tpu.vector_load %arg15[%get3A_949, %get3A_950] {strides = array<i32>} : memref<128x128xf32, #tpu.memory_space<vmem>>, vector<16xf32>,
        %get3A_952 = arith.index_cast %add3A_906 : i32 to index
        %get3A_953 = arith.constant 112 : index
        %get3A_954 = tpu.vector_load %arg15[%get3A_952, %get3A_953] {strides = array<i32>} : memref<128x128xf32, #tpu.memory_space<vmem>>, vector<16xf32>,
        %mul3A_955 = arith.mulf %get3A_840, %get3A_864 : vector<16xf32>
        %mul3A_956 = arith.mulf %get3A_843, %get3A_867 : vector<16xf32>
        %mul3A_957 = arith.mulf %get3A_846, %get3A_870 : vector<16xf32>
        %mul3A_958 = arith.mulf %get3A_849, %get3A_873 : vector<16xf32>
        %mul3A_959 = arith.mulf %get3A_852, %get3A_876 : vector<16xf32>
        %mul3A_960 = arith.mulf %get3A_855, %get3A_879 : vector<16xf32>
        %mul3A_961 = arith.mulf %get3A_858, %get3A_882 : vector<16xf32>
        %mul3A_962 = arith.mulf %get3A_861, %get3A_885 : vector<16xf32>
        %add3A_963 = arith.addf %mul3A_955, %mul3A_956 : vector<16xf32>
        %add3A_964 = arith.addf %mul3A_957, %mul3A_958 : vector<16xf32>
        %add3A_965 = arith.addf %mul3A_959, %mul3A_960 : vector<16xf32>
        %add3A_966 = arith.addf %mul3A_961, %mul3A_962 : vector<16xf32>
        %add3A_967 = arith.addf %add3A_963, %add3A_964 : vector<16xf32>
        %add3A_968 = arith.addf %add3A_965, %add3A_966 : vector<16xf32>
        %add3A_969 = arith.addf %add3A_967, %add3A_968 : vector<16xf32>
        %swap3A_970 = arith.constant 160 : index
        %swap3A_971 = tpu.vector_load %arg22[%swap3A_970] {strides = array<i32>} : memref<256xf32, #tpu.memory_space<vmem>>, vector<16xf32>,
        tpu.vector_store %arg22[%swap3A_970], %add3A_969 {strides = array<i32>} : memref<256xf32, #tpu.memory_space<vmem>>, vector<16xf32>,
        %mul3A_972 = arith.constant 16 : i32
        %mul3A_973 = arith.muli %scan3A_163, %mul3A_972 : i32
        %add3A_974 = arith.constant 12 : i32
        %add3A_975 = arith.addi %mul3A_973, %add3A_974 : i32
        %get3A_976 = arith.index_cast %add3A_975 : i32 to index
        %get3A_977 = arith.constant 0 : index
        %get3A_978 = tpu.vector_load %arg13[%get3A_976, %get3A_977] {strides = array<i32>} : memref<128x128xf32, #tpu.memory_space<vmem>>, vector<16xf32>,
        %get3A_979 = arith.index_cast %add3A_975 : i32 to index
        %get3A_980 = arith.constant 16 : index
        %get3A_981 = tpu.vector_load %arg13[%get3A_979, %get3A_980] {strides = array<i32>} : memref<128x128xf32, #tpu.memory_space<vmem>>, vector<16xf32>,
        %get3A_982 = arith.index_cast %add3A_975 : i32 to index
        %get3A_983 = arith.constant 32 : index
        %get3A_984 = tpu.vector_load %arg13[%get3A_982, %get3A_983] {strides = array<i32>} : memref<128x128xf32, #tpu.memory_space<vmem>>, vector<16xf32>,
        %get3A_985 = arith.index_cast %add3A_975 : i32 to index
        %get3A_986 = arith.constant 48 : index
        %get3A_987 = tpu.vector_load %arg13[%get3A_985, %get3A_986] {strides = array<i32>} : memref<128x128xf32, #tpu.memory_space<vmem>>, vector<16xf32>,
        %get3A_988 = arith.index_cast %add3A_975 : i32 to index
        %get3A_989 = arith.constant 64 : index
        %get3A_990 = tpu.vector_load %arg13[%get3A_988, %get3A_989] {strides = array<i32>} : memref<128x128xf32, #tpu.memory_space<vmem>>, vector<16xf32>,
        %get3A_991 = arith.index_cast %add3A_975 : i32 to index
        %get3A_992 = arith.constant 80 : index
        %get3A_993 = tpu.vector_load %arg13[%get3A_991, %get3A_992] {strides = array<i32>} : memref<128x128xf32, #tpu.memory_space<vmem>>, vector<16xf32>,
        %get3A_994 = arith.index_cast %add3A_975 : i32 to index
        %get3A_995 = arith.constant 96 : index
        %get3A_996 = tpu.vector_load %arg13[%get3A_994, %get3A_995] {strides = array<i32>} : memref<128x128xf32, #tpu.memory_space<vmem>>, vector<16xf32>,
        %get3A_997 = arith.index_cast %add3A_975 : i32 to index
        %get3A_998 = arith.constant 112 : index
        %get3A_999 = tpu.vector_load %arg13[%get3A_997, %get3A_998] {strides = array<i32>} : memref<128x128xf32, #tpu.memory_space<vmem>>, vector<16xf32>,
        %get3A_1000 = arith.index_cast %add3A_975 : i32 to index
        %get3A_1001 = arith.constant 0 : index
        %get3A_1002 = tpu.vector_load %arg15[%get3A_1000, %get3A_1001] {strides = array<i32>} : memref<128x128xf32, #tpu.memory_space<vmem>>, vector<16xf32>,
        %get3A_1003 = arith.index_cast %add3A_975 : i32 to index
        %get3A_1004 = arith.constant 16 : index
        %get3A_1005 = tpu.vector_load %arg15[%get3A_1003, %get3A_1004] {strides = array<i32>} : memref<128x128xf32, #tpu.memory_space<vmem>>, vector<16xf32>,
        %get3A_1006 = arith.index_cast %add3A_975 : i32 to index
        %get3A_1007 = arith.constant 32 : index
        %get3A_1008 = tpu.vector_load %arg15[%get3A_1006, %get3A_1007] {strides = array<i32>} : memref<128x128xf32, #tpu.memory_space<vmem>>, vector<16xf32>,
        %get3A_1009 = arith.index_cast %add3A_975 : i32 to index
        %get3A_1010 = arith.constant 48 : index
        %get3A_1011 = tpu.vector_load %arg15[%get3A_1009, %get3A_1010] {strides = array<i32>} : memref<128x128xf32, #tpu.memory_space<vmem>>, vector<16xf32>,
        %get3A_1012 = arith.index_cast %add3A_975 : i32 to index
        %get3A_1013 = arith.constant 64 : index
        %get3A_1014 = tpu.vector_load %arg15[%get3A_1012, %get3A_1013] {strides = array<i32>} : memref<128x128xf32, #tpu.memory_space<vmem>>, vector<16xf32>,
        %get3A_1015 = arith.index_cast %add3A_975 : i32 to index
        %get3A_1016 = arith.constant 80 : index
        %get3A_1017 = tpu.vector_load %arg15[%get3A_1015, %get3A_1016] {strides = array<i32>} : memref<128x128xf32, #tpu.memory_space<vmem>>, vector<16xf32>,
        %get3A_1018 = arith.index_cast %add3A_975 : i32 to index
        %get3A_1019 = arith.constant 96 : index
        %get3A_1020 = tpu.vector_load %arg15[%get3A_1018, %get3A_1019] {strides = array<i32>} : memref<128x128xf32, #tpu.memory_space<vmem>>, vector<16xf32>,
        %get3A_1021 = arith.index_cast %add3A_975 : i32 to index
        %get3A_1022 = arith.constant 112 : index
        %get3A_1023 = tpu.vector_load %arg15[%get3A_1021, %get3A_1022] {strides = array<i32>} : memref<128x128xf32, #tpu.memory_space<vmem>>, vector<16xf32>,
        %mul3A_1024 = arith.mulf %get3A_909, %get3A_933 : vector<16xf32>
        %mul3A_1025 = arith.mulf %get3A_912, %get3A_936 : vector<16xf32>
        %mul3A_1026 = arith.mulf %get3A_915, %get3A_939 : vector<16xf32>
        %mul3A_1027 = arith.mulf %get3A_918, %get3A_942 : vector<16xf32>
        %mul3A_1028 = arith.mulf %get3A_921, %get3A_945 : vector<16xf32>
        %mul3A_1029 = arith.mulf %get3A_924, %get3A_948 : vector<16xf32>
        %mul3A_1030 = arith.mulf %get3A_927, %get3A_951 : vector<16xf32>
        %mul3A_1031 = arith.mulf %get3A_930, %get3A_954 : vector<16xf32>
        %add3A_1032 = arith.addf %mul3A_1024, %mul3A_1025 : vector<16xf32>
        %add3A_1033 = arith.addf %mul3A_1026, %mul3A_1027 : vector<16xf32>
        %add3A_1034 = arith.addf %mul3A_1028, %mul3A_1029 : vector<16xf32>
        %add3A_1035 = arith.addf %mul3A_1030, %mul3A_1031 : vector<16xf32>
        %add3A_1036 = arith.addf %add3A_1032, %add3A_1033 : vector<16xf32>
        %add3A_1037 = arith.addf %add3A_1034, %add3A_1035 : vector<16xf32>
        %add3A_1038 = arith.addf %add3A_1036, %add3A_1037 : vector<16xf32>
        %swap3A_1039 = arith.constant 176 : index
        %swap3A_1040 = tpu.vector_load %arg22[%swap3A_1039] {strides = array<i32>} : memref<256xf32, #tpu.memory_space<vmem>>, vector<16xf32>,
        tpu.vector_store %arg22[%swap3A_1039], %add3A_1038 {strides = array<i32>} : memref<256xf32, #tpu.memory_space<vmem>>, vector<16xf32>,
        %mul3A_1041 = arith.constant 16 : i32
        %mul3A_1042 = arith.muli %scan3A_163, %mul3A_1041 : i32
        %add3A_1043 = arith.constant 13 : i32
        %add3A_1044 = arith.addi %mul3A_1042, %add3A_1043 : i32
        %get3A_1045 = arith.index_cast %add3A_1044 : i32 to index
        %get3A_1046 = arith.constant 0 : index
        %get3A_1047 = tpu.vector_load %arg13[%get3A_1045, %get3A_1046] {strides = array<i32>} : memref<128x128xf32, #tpu.memory_space<vmem>>, vector<16xf32>,
        %get3A_1048 = arith.index_cast %add3A_1044 : i32 to index
        %get3A_1049 = arith.constant 16 : index
        %get3A_1050 = tpu.vector_load %arg13[%get3A_1048, %get3A_1049] {strides = array<i32>} : memref<128x128xf32, #tpu.memory_space<vmem>>, vector<16xf32>,
        %get3A_1051 = arith.index_cast %add3A_1044 : i32 to index
        %get3A_1052 = arith.constant 32 : index
        %get3A_1053 = tpu.vector_load %arg13[%get3A_1051, %get3A_1052] {strides = array<i32>} : memref<128x128xf32, #tpu.memory_space<vmem>>, vector<16xf32>,
        %get3A_1054 = arith.index_cast %add3A_1044 : i32 to index
        %get3A_1055 = arith.constant 48 : index
        %get3A_1056 = tpu.vector_load %arg13[%get3A_1054, %get3A_1055] {strides = array<i32>} : memref<128x128xf32, #tpu.memory_space<vmem>>, vector<16xf32>,
        %get3A_1057 = arith.index_cast %add3A_1044 : i32 to index
        %get3A_1058 = arith.constant 64 : index
        %get3A_1059 = tpu.vector_load %arg13[%get3A_1057, %get3A_1058] {strides = array<i32>} : memref<128x128xf32, #tpu.memory_space<vmem>>, vector<16xf32>,
        %get3A_1060 = arith.index_cast %add3A_1044 : i32 to index
        %get3A_1061 = arith.constant 80 : index
        %get3A_1062 = tpu.vector_load %arg13[%get3A_1060, %get3A_1061] {strides = array<i32>} : memref<128x128xf32, #tpu.memory_space<vmem>>, vector<16xf32>,
        %get3A_1063 = arith.index_cast %add3A_1044 : i32 to index
        %get3A_1064 = arith.constant 96 : index
        %get3A_1065 = tpu.vector_load %arg13[%get3A_1063, %get3A_1064] {strides = array<i32>} : memref<128x128xf32, #tpu.memory_space<vmem>>, vector<16xf32>,
        %get3A_1066 = arith.index_cast %add3A_1044 : i32 to index
        %get3A_1067 = arith.constant 112 : index
        %get3A_1068 = tpu.vector_load %arg13[%get3A_1066, %get3A_1067] {strides = array<i32>} : memref<128x128xf32, #tpu.memory_space<vmem>>, vector<16xf32>,
        %get3A_1069 = arith.index_cast %add3A_1044 : i32 to index
        %get3A_1070 = arith.constant 0 : index
        %get3A_1071 = tpu.vector_load %arg15[%get3A_1069, %get3A_1070] {strides = array<i32>} : memref<128x128xf32, #tpu.memory_space<vmem>>, vector<16xf32>,
        %get3A_1072 = arith.index_cast %add3A_1044 : i32 to index
        %get3A_1073 = arith.constant 16 : index
        %get3A_1074 = tpu.vector_load %arg15[%get3A_1072, %get3A_1073] {strides = array<i32>} : memref<128x128xf32, #tpu.memory_space<vmem>>, vector<16xf32>,
        %get3A_1075 = arith.index_cast %add3A_1044 : i32 to index
        %get3A_1076 = arith.constant 32 : index
        %get3A_1077 = tpu.vector_load %arg15[%get3A_1075, %get3A_1076] {strides = array<i32>} : memref<128x128xf32, #tpu.memory_space<vmem>>, vector<16xf32>,
        %get3A_1078 = arith.index_cast %add3A_1044 : i32 to index
        %get3A_1079 = arith.constant 48 : index
        %get3A_1080 = tpu.vector_load %arg15[%get3A_1078, %get3A_1079] {strides = array<i32>} : memref<128x128xf32, #tpu.memory_space<vmem>>, vector<16xf32>,
        %get3A_1081 = arith.index_cast %add3A_1044 : i32 to index
        %get3A_1082 = arith.constant 64 : index
        %get3A_1083 = tpu.vector_load %arg15[%get3A_1081, %get3A_1082] {strides = array<i32>} : memref<128x128xf32, #tpu.memory_space<vmem>>, vector<16xf32>,
        %get3A_1084 = arith.index_cast %add3A_1044 : i32 to index
        %get3A_1085 = arith.constant 80 : index
        %get3A_1086 = tpu.vector_load %arg15[%get3A_1084, %get3A_1085] {strides = array<i32>} : memref<128x128xf32, #tpu.memory_space<vmem>>, vector<16xf32>,
        %get3A_1087 = arith.index_cast %add3A_1044 : i32 to index
        %get3A_1088 = arith.constant 96 : index
        %get3A_1089 = tpu.vector_load %arg15[%get3A_1087, %get3A_1088] {strides = array<i32>} : memref<128x128xf32, #tpu.memory_space<vmem>>, vector<16xf32>,
        %get3A_1090 = arith.index_cast %add3A_1044 : i32 to index
        %get3A_1091 = arith.constant 112 : index
        %get3A_1092 = tpu.vector_load %arg15[%get3A_1090, %get3A_1091] {strides = array<i32>} : memref<128x128xf32, #tpu.memory_space<vmem>>, vector<16xf32>,
        %mul3A_1093 = arith.mulf %get3A_978, %get3A_1002 : vector<16xf32>
        %mul3A_1094 = arith.mulf %get3A_981, %get3A_1005 : vector<16xf32>
        %mul3A_1095 = arith.mulf %get3A_984, %get3A_1008 : vector<16xf32>
        %mul3A_1096 = arith.mulf %get3A_987, %get3A_1011 : vector<16xf32>
        %mul3A_1097 = arith.mulf %get3A_990, %get3A_1014 : vector<16xf32>
        %mul3A_1098 = arith.mulf %get3A_993, %get3A_1017 : vector<16xf32>
        %mul3A_1099 = arith.mulf %get3A_996, %get3A_1020 : vector<16xf32>
        %mul3A_1100 = arith.mulf %get3A_999, %get3A_1023 : vector<16xf32>
        %add3A_1101 = arith.addf %mul3A_1093, %mul3A_1094 : vector<16xf32>
        %add3A_1102 = arith.addf %mul3A_1095, %mul3A_1096 : vector<16xf32>
        %add3A_1103 = arith.addf %mul3A_1097, %mul3A_1098 : vector<16xf32>
        %add3A_1104 = arith.addf %mul3A_1099, %mul3A_1100 : vector<16xf32>
        %add3A_1105 = arith.addf %add3A_1101, %add3A_1102 : vector<16xf32>
        %add3A_1106 = arith.addf %add3A_1103, %add3A_1104 : vector<16xf32>
        %add3A_1107 = arith.addf %add3A_1105, %add3A_1106 : vector<16xf32>
        %swap3A_1108 = arith.constant 192 : index
        %swap3A_1109 = tpu.vector_load %arg22[%swap3A_1108] {strides = array<i32>} : memref<256xf32, #tpu.memory_space<vmem>>, vector<16xf32>,
        tpu.vector_store %arg22[%swap3A_1108], %add3A_1107 {strides = array<i32>} : memref<256xf32, #tpu.memory_space<vmem>>, vector<16xf32>,
        %mul3A_1110 = arith.constant 16 : i32
        %mul3A_1111 = arith.muli %scan3A_163, %mul3A_1110 : i32
        %add3A_1112 = arith.constant 14 : i32
        %add3A_1113 = arith.addi %mul3A_1111, %add3A_1112 : i32
        %get3A_1114 = arith.index_cast %add3A_1113 : i32 to index
        %get3A_1115 = arith.constant 0 : index
        %get3A_1116 = tpu.vector_load %arg13[%get3A_1114, %get3A_1115] {strides = array<i32>} : memref<128x128xf32, #tpu.memory_space<vmem>>, vector<16xf32>,
        %get3A_1117 = arith.index_cast %add3A_1113 : i32 to index
        %get3A_1118 = arith.constant 16 : index
        %get3A_1119 = tpu.vector_load %arg13[%get3A_1117, %get3A_1118] {strides = array<i32>} : memref<128x128xf32, #tpu.memory_space<vmem>>, vector<16xf32>,
        %get3A_1120 = arith.index_cast %add3A_1113 : i32 to index
        %get3A_1121 = arith.constant 32 : index
        %get3A_1122 = tpu.vector_load %arg13[%get3A_1120, %get3A_1121] {strides = array<i32>} : memref<128x128xf32, #tpu.memory_space<vmem>>, vector<16xf32>,
        %get3A_1123 = arith.index_cast %add3A_1113 : i32 to index
        %get3A_1124 = arith.constant 48 : index
        %get3A_1125 = tpu.vector_load %arg13[%get3A_1123, %get3A_1124] {strides = array<i32>} : memref<128x128xf32, #tpu.memory_space<vmem>>, vector<16xf32>,
        %get3A_1126 = arith.index_cast %add3A_1113 : i32 to index
        %get3A_1127 = arith.constant 64 : index
        %get3A_1128 = tpu.vector_load %arg13[%get3A_1126, %get3A_1127] {strides = array<i32>} : memref<128x128xf32, #tpu.memory_space<vmem>>, vector<16xf32>,
        %get3A_1129 = arith.index_cast %add3A_1113 : i32 to index
        %get3A_1130 = arith.constant 80 : index
        %get3A_1131 = tpu.vector_load %arg13[%get3A_1129, %get3A_1130] {strides = array<i32>} : memref<128x128xf32, #tpu.memory_space<vmem>>, vector<16xf32>,
        %get3A_1132 = arith.index_cast %add3A_1113 : i32 to index
        %get3A_1133 = arith.constant 96 : index
        %get3A_1134 = tpu.vector_load %arg13[%get3A_1132, %get3A_1133] {strides = array<i32>} : memref<128x128xf32, #tpu.memory_space<vmem>>, vector<16xf32>,
        %get3A_1135 = arith.index_cast %add3A_1113 : i32 to index
        %get3A_1136 = arith.constant 112 : index
        %get3A_1137 = tpu.vector_load %arg13[%get3A_1135, %get3A_1136] {strides = array<i32>} : memref<128x128xf32, #tpu.memory_space<vmem>>, vector<16xf32>,
        %get3A_1138 = arith.index_cast %add3A_1113 : i32 to index
        %get3A_1139 = arith.constant 0 : index
        %get3A_1140 = tpu.vector_load %arg15[%get3A_1138, %get3A_1139] {strides = array<i32>} : memref<128x128xf32, #tpu.memory_space<vmem>>, vector<16xf32>,
        %get3A_1141 = arith.index_cast %add3A_1113 : i32 to index
        %get3A_1142 = arith.constant 16 : index
        %get3A_1143 = tpu.vector_load %arg15[%get3A_1141, %get3A_1142] {strides = array<i32>} : memref<128x128xf32, #tpu.memory_space<vmem>>, vector<16xf32>,
        %get3A_1144 = arith.index_cast %add3A_1113 : i32 to index
        %get3A_1145 = arith.constant 32 : index
        %get3A_1146 = tpu.vector_load %arg15[%get3A_1144, %get3A_1145] {strides = array<i32>} : memref<128x128xf32, #tpu.memory_space<vmem>>, vector<16xf32>,
        %get3A_1147 = arith.index_cast %add3A_1113 : i32 to index
        %get3A_1148 = arith.constant 48 : index
        %get3A_1149 = tpu.vector_load %arg15[%get3A_1147, %get3A_1148] {strides = array<i32>} : memref<128x128xf32, #tpu.memory_space<vmem>>, vector<16xf32>,
        %get3A_1150 = arith.index_cast %add3A_1113 : i32 to index
        %get3A_1151 = arith.constant 64 : index
        %get3A_1152 = tpu.vector_load %arg15[%get3A_1150, %get3A_1151] {strides = array<i32>} : memref<128x128xf32, #tpu.memory_space<vmem>>, vector<16xf32>,
        %get3A_1153 = arith.index_cast %add3A_1113 : i32 to index
        %get3A_1154 = arith.constant 80 : index
        %get3A_1155 = tpu.vector_load %arg15[%get3A_1153, %get3A_1154] {strides = array<i32>} : memref<128x128xf32, #tpu.memory_space<vmem>>, vector<16xf32>,
        %get3A_1156 = arith.index_cast %add3A_1113 : i32 to index
        %get3A_1157 = arith.constant 96 : index
        %get3A_1158 = tpu.vector_load %arg15[%get3A_1156, %get3A_1157] {strides = array<i32>} : memref<128x128xf32, #tpu.memory_space<vmem>>, vector<16xf32>,
        %get3A_1159 = arith.index_cast %add3A_1113 : i32 to index
        %get3A_1160 = arith.constant 112 : index
        %get3A_1161 = tpu.vector_load %arg15[%get3A_1159, %get3A_1160] {strides = array<i32>} : memref<128x128xf32, #tpu.memory_space<vmem>>, vector<16xf32>,
        %mul3A_1162 = arith.mulf %get3A_1047, %get3A_1071 : vector<16xf32>
        %mul3A_1163 = arith.mulf %get3A_1050, %get3A_1074 : vector<16xf32>
        %mul3A_1164 = arith.mulf %get3A_1053, %get3A_1077 : vector<16xf32>
        %mul3A_1165 = arith.mulf %get3A_1056, %get3A_1080 : vector<16xf32>
        %mul3A_1166 = arith.mulf %get3A_1059, %get3A_1083 : vector<16xf32>
        %mul3A_1167 = arith.mulf %get3A_1062, %get3A_1086 : vector<16xf32>
        %mul3A_1168 = arith.mulf %get3A_1065, %get3A_1089 : vector<16xf32>
        %mul3A_1169 = arith.mulf %get3A_1068, %get3A_1092 : vector<16xf32>
        %add3A_1170 = arith.addf %mul3A_1162, %mul3A_1163 : vector<16xf32>
        %add3A_1171 = arith.addf %mul3A_1164, %mul3A_1165 : vector<16xf32>
        %add3A_1172 = arith.addf %mul3A_1166, %mul3A_1167 : vector<16xf32>
        %add3A_1173 = arith.addf %mul3A_1168, %mul3A_1169 : vector<16xf32>
        %add3A_1174 = arith.addf %add3A_1170, %add3A_1171 : vector<16xf32>
        %add3A_1175 = arith.addf %add3A_1172, %add3A_1173 : vector<16xf32>
        %add3A_1176 = arith.addf %add3A_1174, %add3A_1175 : vector<16xf32>
        %swap3A_1177 = arith.constant 208 : index
        %swap3A_1178 = tpu.vector_load %arg22[%swap3A_1177] {strides = array<i32>} : memref<256xf32, #tpu.memory_space<vmem>>, vector<16xf32>,
        tpu.vector_store %arg22[%swap3A_1177], %add3A_1176 {strides = array<i32>} : memref<256xf32, #tpu.memory_space<vmem>>, vector<16xf32>,
        %mul3A_1179 = arith.constant 16 : i32
        %mul3A_1180 = arith.muli %scan3A_163, %mul3A_1179 : i32
        %add3A_1181 = arith.constant 15 : i32
        %add3A_1182 = arith.addi %mul3A_1180, %add3A_1181 : i32
        %get3A_1183 = arith.index_cast %add3A_1182 : i32 to index
        %get3A_1184 = arith.constant 0 : index
        %get3A_1185 = tpu.vector_load %arg13[%get3A_1183, %get3A_1184] {strides = array<i32>} : memref<128x128xf32, #tpu.memory_space<vmem>>, vector<16xf32>,
        %get3A_1186 = arith.index_cast %add3A_1182 : i32 to index
        %get3A_1187 = arith.constant 16 : index
        %get3A_1188 = tpu.vector_load %arg13[%get3A_1186, %get3A_1187] {strides = array<i32>} : memref<128x128xf32, #tpu.memory_space<vmem>>, vector<16xf32>,
        %get3A_1189 = arith.index_cast %add3A_1182 : i32 to index
        %get3A_1190 = arith.constant 32 : index
        %get3A_1191 = tpu.vector_load %arg13[%get3A_1189, %get3A_1190] {strides = array<i32>} : memref<128x128xf32, #tpu.memory_space<vmem>>, vector<16xf32>,
        %get3A_1192 = arith.index_cast %add3A_1182 : i32 to index
        %get3A_1193 = arith.constant 48 : index
        %get3A_1194 = tpu.vector_load %arg13[%get3A_1192, %get3A_1193] {strides = array<i32>} : memref<128x128xf32, #tpu.memory_space<vmem>>, vector<16xf32>,
        %get3A_1195 = arith.index_cast %add3A_1182 : i32 to index
        %get3A_1196 = arith.constant 64 : index
        %get3A_1197 = tpu.vector_load %arg13[%get3A_1195, %get3A_1196] {strides = array<i32>} : memref<128x128xf32, #tpu.memory_space<vmem>>, vector<16xf32>,
        %get3A_1198 = arith.index_cast %add3A_1182 : i32 to index
        %get3A_1199 = arith.constant 80 : index
        %get3A_1200 = tpu.vector_load %arg13[%get3A_1198, %get3A_1199] {strides = array<i32>} : memref<128x128xf32, #tpu.memory_space<vmem>>, vector<16xf32>,
        %get3A_1201 = arith.index_cast %add3A_1182 : i32 to index
        %get3A_1202 = arith.constant 96 : index
        %get3A_1203 = tpu.vector_load %arg13[%get3A_1201, %get3A_1202] {strides = array<i32>} : memref<128x128xf32, #tpu.memory_space<vmem>>, vector<16xf32>,
        %get3A_1204 = arith.index_cast %add3A_1182 : i32 to index
        %get3A_1205 = arith.constant 112 : index
        %get3A_1206 = tpu.vector_load %arg13[%get3A_1204, %get3A_1205] {strides = array<i32>} : memref<128x128xf32, #tpu.memory_space<vmem>>, vector<16xf32>,
        %get3A_1207 = arith.index_cast %add3A_1182 : i32 to index
        %get3A_1208 = arith.constant 0 : index
        %get3A_1209 = tpu.vector_load %arg15[%get3A_1207, %get3A_1208] {strides = array<i32>} : memref<128x128xf32, #tpu.memory_space<vmem>>, vector<16xf32>,
        %get3A_1210 = arith.index_cast %add3A_1182 : i32 to index
        %get3A_1211 = arith.constant 16 : index
        %get3A_1212 = tpu.vector_load %arg15[%get3A_1210, %get3A_1211] {strides = array<i32>} : memref<128x128xf32, #tpu.memory_space<vmem>>, vector<16xf32>,
        %get3A_1213 = arith.index_cast %add3A_1182 : i32 to index
        %get3A_1214 = arith.constant 32 : index
        %get3A_1215 = tpu.vector_load %arg15[%get3A_1213, %get3A_1214] {strides = array<i32>} : memref<128x128xf32, #tpu.memory_space<vmem>>, vector<16xf32>,
        %get3A_1216 = arith.index_cast %add3A_1182 : i32 to index
        %get3A_1217 = arith.constant 48 : index
        %get3A_1218 = tpu.vector_load %arg15[%get3A_1216, %get3A_1217] {strides = array<i32>} : memref<128x128xf32, #tpu.memory_space<vmem>>, vector<16xf32>,
        %get3A_1219 = arith.index_cast %add3A_1182 : i32 to index
        %get3A_1220 = arith.constant 64 : index
        %get3A_1221 = tpu.vector_load %arg15[%get3A_1219, %get3A_1220] {strides = array<i32>} : memref<128x128xf32, #tpu.memory_space<vmem>>, vector<16xf32>,
        %get3A_1222 = arith.index_cast %add3A_1182 : i32 to index
        %get3A_1223 = arith.constant 80 : index
        %get3A_1224 = tpu.vector_load %arg15[%get3A_1222, %get3A_1223] {strides = array<i32>} : memref<128x128xf32, #tpu.memory_space<vmem>>, vector<16xf32>,
        %get3A_1225 = arith.index_cast %add3A_1182 : i32 to index
        %get3A_1226 = arith.constant 96 : index
        %get3A_1227 = tpu.vector_load %arg15[%get3A_1225, %get3A_1226] {strides = array<i32>} : memref<128x128xf32, #tpu.memory_space<vmem>>, vector<16xf32>,
        %get3A_1228 = arith.index_cast %add3A_1182 : i32 to index
        %get3A_1229 = arith.constant 112 : index
        %get3A_1230 = tpu.vector_load %arg15[%get3A_1228, %get3A_1229] {strides = array<i32>} : memref<128x128xf32, #tpu.memory_space<vmem>>, vector<16xf32>,
        %mul3A_1231 = arith.mulf %get3A_1116, %get3A_1140 : vector<16xf32>
        %mul3A_1232 = arith.mulf %get3A_1119, %get3A_1143 : vector<16xf32>
        %mul3A_1233 = arith.mulf %get3A_1122, %get3A_1146 : vector<16xf32>
        %mul3A_1234 = arith.mulf %get3A_1125, %get3A_1149 : vector<16xf32>
        %mul3A_1235 = arith.mulf %get3A_1128, %get3A_1152 : vector<16xf32>
        %mul3A_1236 = arith.mulf %get3A_1131, %get3A_1155 : vector<16xf32>
        %mul3A_1237 = arith.mulf %get3A_1134, %get3A_1158 : vector<16xf32>
        %mul3A_1238 = arith.mulf %get3A_1137, %get3A_1161 : vector<16xf32>
        %add3A_1239 = arith.addf %mul3A_1231, %mul3A_1232 : vector<16xf32>
        %add3A_1240 = arith.addf %mul3A_1233, %mul3A_1234 : vector<16xf32>
        %add3A_1241 = arith.addf %mul3A_1235, %mul3A_1236 : vector<16xf32>
        %add3A_1242 = arith.addf %mul3A_1237, %mul3A_1238 : vector<16xf32>
        %add3A_1243 = arith.addf %add3A_1239, %add3A_1240 : vector<16xf32>
        %add3A_1244 = arith.addf %add3A_1241, %add3A_1242 : vector<16xf32>
        %add3A_1245 = arith.addf %add3A_1243, %add3A_1244 : vector<16xf32>
        %swap3A_1246 = arith.constant 224 : index
        %swap3A_1247 = tpu.vector_load %arg22[%swap3A_1246] {strides = array<i32>} : memref<256xf32, #tpu.memory_space<vmem>>, vector<16xf32>,
        tpu.vector_store %arg22[%swap3A_1246], %add3A_1245 {strides = array<i32>} : memref<256xf32, #tpu.memory_space<vmem>>, vector<16xf32>,
        %mul3A_1248 = arith.mulf %get3A_1185, %get3A_1209 : vector<16xf32>
        %mul3A_1249 = arith.mulf %get3A_1188, %get3A_1212 : vector<16xf32>
        %mul3A_1250 = arith.mulf %get3A_1191, %get3A_1215 : vector<16xf32>
        %mul3A_1251 = arith.mulf %get3A_1194, %get3A_1218 : vector<16xf32>
        %mul3A_1252 = arith.mulf %get3A_1197, %get3A_1221 : vector<16xf32>
        %mul3A_1253 = arith.mulf %get3A_1200, %get3A_1224 : vector<16xf32>
        %mul3A_1254 = arith.mulf %get3A_1203, %get3A_1227 : vector<16xf32>
        %mul3A_1255 = arith.mulf %get3A_1206, %get3A_1230 : vector<16xf32>
        %add3A_1256 = arith.addf %mul3A_1248, %mul3A_1249 : vector<16xf32>
        %add3A_1257 = arith.addf %mul3A_1250, %mul3A_1251 : vector<16xf32>
        %add3A_1258 = arith.addf %mul3A_1252, %mul3A_1253 : vector<16xf32>
        %add3A_1259 = arith.addf %mul3A_1254, %mul3A_1255 : vector<16xf32>
        %add3A_1260 = arith.addf %add3A_1256, %add3A_1257 : vector<16xf32>
        %add3A_1261 = arith.addf %add3A_1258, %add3A_1259 : vector<16xf32>
        %add3A_1262 = arith.addf %add3A_1260, %add3A_1261 : vector<16xf32>
        %swap3A_1263 = arith.constant 240 : index
        %swap3A_1264 = tpu.vector_load %arg22[%swap3A_1263] {strides = array<i32>} : memref<256xf32, #tpu.memory_space<vmem>>, vector<16xf32>,
        tpu.vector_store %arg22[%swap3A_1263], %add3A_1262 {strides = array<i32>} : memref<256xf32, #tpu.memory_space<vmem>>, vector<16xf32>,
        %mul3A_1265 = arith.constant 16 : i32
        %mul3A_1266 = arith.muli %scan3A_163, %mul3A_1265 : i32
        %get3A_1267 = arith.index_cast %mul3A_1266 : i32 to index
        %get3A_1268 = tpu.vector_load %arg17[%get3A_1267] {strides = array<i32>} : memref<128xf32, #tpu.memory_space<vmem>>, vector<16xf32>,
        %mul3A_1269 = arith.constant 16 : i32
        %mul3A_1270 = arith.muli %scan3A_163, %mul3A_1269 : i32
        %get3A_1271 = arith.index_cast %mul3A_1270 : i32 to index
        %get3A_1272 = tpu.vector_load %arg19[%get3A_1271] {strides = array<i32>} : memref<128xf32, #tpu.memory_space<vmem>>, vector<16xf32>,
        %add3A_1273 = arith.addf %get3A_1268, %get3A_1272 : vector<16xf32>
        %mul3A_1274 = arith.constant 16 : i32
        %mul3A_1275 = vector.broadcast %mul3A_1274 : i32 to vector<16xi32>
        %mul3A_1276 = arith.muli %iota3A, %mul3A_1275 : vector<16xi32>
        %gather3A = tpu.vector_load_idx %arg22[%mul3A_1276] : memref<256xf32, #tpu.memory_space<vmem>>[vector<16xi32>], vector<16xf32>,
        %add3A_1277 = arith.addf %add3A_1273, %gather3A : vector<16xf32>
        %mul3A_1278 = arith.constant 16 : i32
        %mul3A_1279 = vector.broadcast %mul3A_1278 : i32 to vector<16xi32>
        %mul3A_1280 = arith.muli %iota3A, %mul3A_1279 : vector<16xi32>
        %add3A_1281 = arith.constant 1 : i32
        %add3A_1282 = vector.broadcast %add3A_1281 : i32 to vector<16xi32>
        %add3A_1283 = arith.addi %mul3A_1280, %add3A_1282 : vector<16xi32>
        %gather3A_1284 = tpu.vector_load_idx %arg22[%add3A_1283] : memref<256xf32, #tpu.memory_space<vmem>>[vector<16xi32>], vector<16xf32>,
        %add3A_1285 = arith.addf %add3A_1277, %gather3A_1284 : vector<16xf32>
        %mul3A_1286 = arith.constant 16 : i32
        %mul3A_1287 = vector.broadcast %mul3A_1286 : i32 to vector<16xi32>
        %mul3A_1288 = arith.muli %iota3A, %mul3A_1287 : vector<16xi32>
        %add3A_1289 = arith.constant 2 : i32
        %add3A_1290 = vector.broadcast %add3A_1289 : i32 to vector<16xi32>
        %add3A_1291 = arith.addi %mul3A_1288, %add3A_1290 : vector<16xi32>
        %gather3A_1292 = tpu.vector_load_idx %arg22[%add3A_1291] : memref<256xf32, #tpu.memory_space<vmem>>[vector<16xi32>], vector<16xf32>,
        %add3A_1293 = arith.addf %add3A_1285, %gather3A_1292 : vector<16xf32>
        %mul3A_1294 = arith.constant 16 : i32
        %mul3A_1295 = vector.broadcast %mul3A_1294 : i32 to vector<16xi32>
        %mul3A_1296 = arith.muli %iota3A, %mul3A_1295 : vector<16xi32>
        %add3A_1297 = arith.constant 3 : i32
        %add3A_1298 = vector.broadcast %add3A_1297 : i32 to vector<16xi32>
        %add3A_1299 = arith.addi %mul3A_1296, %add3A_1298 : vector<16xi32>
        %gather3A_1300 = tpu.vector_load_idx %arg22[%add3A_1299] : memref<256xf32, #tpu.memory_space<vmem>>[vector<16xi32>], vector<16xf32>,
        %add3A_1301 = arith.addf %add3A_1293, %gather3A_1300 : vector<16xf32>
        %mul3A_1302 = arith.constant 16 : i32
        %mul3A_1303 = vector.broadcast %mul3A_1302 : i32 to vector<16xi32>
        %mul3A_1304 = arith.muli %iota3A, %mul3A_1303 : vector<16xi32>
        %add3A_1305 = arith.constant 4 : i32
        %add3A_1306 = vector.broadcast %add3A_1305 : i32 to vector<16xi32>
        %add3A_1307 = arith.addi %mul3A_1304, %add3A_1306 : vector<16xi32>
        %gather3A_1308 = tpu.vector_load_idx %arg22[%add3A_1307] : memref<256xf32, #tpu.memory_space<vmem>>[vector<16xi32>], vector<16xf32>,
        %add3A_1309 = arith.addf %add3A_1301, %gather3A_1308 : vector<16xf32>
        %mul3A_1310 = arith.constant 16 : i32
        %mul3A_1311 = vector.broadcast %mul3A_1310 : i32 to vector<16xi32>
        %mul3A_1312 = arith.muli %iota3A, %mul3A_1311 : vector<16xi32>
        %add3A_1313 = arith.constant 5 : i32
        %add3A_1314 = vector.broadcast %add3A_1313 : i32 to vector<16xi32>
        %add3A_1315 = arith.addi %mul3A_1312, %add3A_1314 : vector<16xi32>
        %gather3A_1316 = tpu.vector_load_idx %arg22[%add3A_1315] : memref<256xf32, #tpu.memory_space<vmem>>[vector<16xi32>], vector<16xf32>,
        %add3A_1317 = arith.addf %add3A_1309, %gather3A_1316 : vector<16xf32>
        %mul3A_1318 = arith.constant 16 : i32
        %mul3A_1319 = vector.broadcast %mul3A_1318 : i32 to vector<16xi32>
        %mul3A_1320 = arith.muli %iota3A, %mul3A_1319 : vector<16xi32>
        %add3A_1321 = arith.constant 6 : i32
        %add3A_1322 = vector.broadcast %add3A_1321 : i32 to vector<16xi32>
        %add3A_1323 = arith.addi %mul3A_1320, %add3A_1322 : vector<16xi32>
        %gather3A_1324 = tpu.vector_load_idx %arg22[%add3A_1323] : memref<256xf32, #tpu.memory_space<vmem>>[vector<16xi32>], vector<16xf32>,
        %add3A_1325 = arith.addf %add3A_1317, %gather3A_1324 : vector<16xf32>
        %mul3A_1326 = arith.constant 16 : i32
        %mul3A_1327 = vector.broadcast %mul3A_1326 : i32 to vector<16xi32>
        %mul3A_1328 = arith.muli %iota3A, %mul3A_1327 : vector<16xi32>
        %add3A_1329 = arith.constant 7 : i32
        %add3A_1330 = vector.broadcast %add3A_1329 : i32 to vector<16xi32>
        %add3A_1331 = arith.addi %mul3A_1328, %add3A_1330 : vector<16xi32>
        %gather3A_1332 = tpu.vector_load_idx %arg22[%add3A_1331] : memref<256xf32, #tpu.memory_space<vmem>>[vector<16xi32>], vector<16xf32>,
        %add3A_1333 = arith.addf %add3A_1325, %gather3A_1332 : vector<16xf32>
        %mul3A_1334 = arith.constant 16 : i32
        %mul3A_1335 = vector.broadcast %mul3A_1334 : i32 to vector<16xi32>
        %mul3A_1336 = arith.muli %iota3A, %mul3A_1335 : vector<16xi32>
        %add3A_1337 = arith.constant 8 : i32
        %add3A_1338 = vector.broadcast %add3A_1337 : i32 to vector<16xi32>
        %add3A_1339 = arith.addi %mul3A_1336, %add3A_1338 : vector<16xi32>
        %gather3A_1340 = tpu.vector_load_idx %arg22[%add3A_1339] : memref<256xf32, #tpu.memory_space<vmem>>[vector<16xi32>], vector<16xf32>,
        %add3A_1341 = arith.addf %add3A_1333, %gather3A_1340 : vector<16xf32>
        %mul3A_1342 = arith.constant 16 : i32
        %mul3A_1343 = vector.broadcast %mul3A_1342 : i32 to vector<16xi32>
        %mul3A_1344 = arith.muli %iota3A, %mul3A_1343 : vector<16xi32>
        %add3A_1345 = arith.constant 9 : i32
        %add3A_1346 = vector.broadcast %add3A_1345 : i32 to vector<16xi32>
        %add3A_1347 = arith.addi %mul3A_1344, %add3A_1346 : vector<16xi32>
        %gather3A_1348 = tpu.vector_load_idx %arg22[%add3A_1347] : memref<256xf32, #tpu.memory_space<vmem>>[vector<16xi32>], vector<16xf32>,
        %add3A_1349 = arith.addf %add3A_1341, %gather3A_1348 : vector<16xf32>
        %mul3A_1350 = arith.constant 16 : i32
        %mul3A_1351 = vector.broadcast %mul3A_1350 : i32 to vector<16xi32>
        %mul3A_1352 = arith.muli %iota3A, %mul3A_1351 : vector<16xi32>
        %add3A_1353 = arith.constant 10 : i32
        %add3A_1354 = vector.broadcast %add3A_1353 : i32 to vector<16xi32>
        %add3A_1355 = arith.addi %mul3A_1352, %add3A_1354 : vector<16xi32>
        %gather3A_1356 = tpu.vector_load_idx %arg22[%add3A_1355] : memref<256xf32, #tpu.memory_space<vmem>>[vector<16xi32>], vector<16xf32>,
        %add3A_1357 = arith.addf %add3A_1349, %gather3A_1356 : vector<16xf32>
        %mul3A_1358 = arith.constant 16 : i32
        %mul3A_1359 = vector.broadcast %mul3A_1358 : i32 to vector<16xi32>
        %mul3A_1360 = arith.muli %iota3A, %mul3A_1359 : vector<16xi32>
        %add3A_1361 = arith.constant 11 : i32
        %add3A_1362 = vector.broadcast %add3A_1361 : i32 to vector<16xi32>
        %add3A_1363 = arith.addi %mul3A_1360, %add3A_1362 : vector<16xi32>
        %gather3A_1364 = tpu.vector_load_idx %arg22[%add3A_1363] : memref<256xf32, #tpu.memory_space<vmem>>[vector<16xi32>], vector<16xf32>,
        %add3A_1365 = arith.addf %add3A_1357, %gather3A_1364 : vector<16xf32>
        %mul3A_1366 = arith.constant 16 : i32
        %mul3A_1367 = vector.broadcast %mul3A_1366 : i32 to vector<16xi32>
        %mul3A_1368 = arith.muli %iota3A, %mul3A_1367 : vector<16xi32>
        %add3A_1369 = arith.constant 12 : i32
        %add3A_1370 = vector.broadcast %add3A_1369 : i32 to vector<16xi32>
        %add3A_1371 = arith.addi %mul3A_1368, %add3A_1370 : vector<16xi32>
        %gather3A_1372 = tpu.vector_load_idx %arg22[%add3A_1371] : memref<256xf32, #tpu.memory_space<vmem>>[vector<16xi32>], vector<16xf32>,
        %add3A_1373 = arith.addf %add3A_1365, %gather3A_1372 : vector<16xf32>
        %mul3A_1374 = arith.constant 16 : i32
        %mul3A_1375 = vector.broadcast %mul3A_1374 : i32 to vector<16xi32>
        %mul3A_1376 = arith.muli %iota3A, %mul3A_1375 : vector<16xi32>
        %add3A_1377 = arith.constant 13 : i32
        %add3A_1378 = vector.broadcast %add3A_1377 : i32 to vector<16xi32>
        %add3A_1379 = arith.addi %mul3A_1376, %add3A_1378 : vector<16xi32>
        %gather3A_1380 = tpu.vector_load_idx %arg22[%add3A_1379] : memref<256xf32, #tpu.memory_space<vmem>>[vector<16xi32>], vector<16xf32>,
        %add3A_1381 = arith.addf %add3A_1373, %gather3A_1380 : vector<16xf32>
        %mul3A_1382 = arith.constant 16 : i32
        %mul3A_1383 = vector.broadcast %mul3A_1382 : i32 to vector<16xi32>
        %mul3A_1384 = arith.muli %iota3A, %mul3A_1383 : vector<16xi32>
        %add3A_1385 = arith.constant 14 : i32
        %add3A_1386 = vector.broadcast %add3A_1385 : i32 to vector<16xi32>
        %add3A_1387 = arith.addi %mul3A_1384, %add3A_1386 : vector<16xi32>
        %gather3A_1388 = tpu.vector_load_idx %arg22[%add3A_1387] : memref<256xf32, #tpu.memory_space<vmem>>[vector<16xi32>], vector<16xf32>,
        %add3A_1389 = arith.addf %add3A_1381, %gather3A_1388 : vector<16xf32>
        %mul3A_1390 = arith.constant 16 : i32
        %mul3A_1391 = vector.broadcast %mul3A_1390 : i32 to vector<16xi32>
        %mul3A_1392 = arith.muli %iota3A, %mul3A_1391 : vector<16xi32>
        %add3A_1393 = arith.constant 15 : i32
        %add3A_1394 = vector.broadcast %add3A_1393 : i32 to vector<16xi32>
        %add3A_1395 = arith.addi %mul3A_1392, %add3A_1394 : vector<16xi32>
        %gather3A_1396 = tpu.vector_load_idx %arg22[%add3A_1395] : memref<256xf32, #tpu.memory_space<vmem>>[vector<16xi32>], vector<16xf32>,
        %add3A_1397 = arith.addf %add3A_1389, %gather3A_1396 : vector<16xf32>
        %mul3A_1398 = arith.constant 16 : i32
        %mul3A_1399 = arith.muli %scan3A_163, %mul3A_1398 : i32
        %add3A_1400 = arith.addi %mul3A_105, %mul3A_1399 : i32
        %swap3A_1401 = arith.index_cast %add3A_1400 : i32 to index
        %swap3A_1402 = tpu.vector_load %arg21[%swap3A_1401] {strides = array<i32>} : memref<512xf32, #tpu.memory_space<vmem>>, vector<16xf32>,
        tpu.vector_store %arg21[%swap3A_1401], %add3A_1397 {strides = array<i32>} : memref<512xf32, #tpu.memory_space<vmem>>, vector<16xf32>,
        %scan3A_1403 = arith.constant 0 : i32
        scf.yield %scan3A_1403 : i32
      }
      %scan3A_112 = arith.constant 8 : i32
      %mul3A_113 = arith.constant 2 : i32
      %mul3A_114 = arith.muli %mul3A_113, %scan3A_65 : i32
      %add3A_115 = arith.constant 1 : i32
      %add3A_116 = arith.addi %mul3A_114, %add3A_115 : i32
      %add3A_117 = arith.constant 1 : i32
      %add3A_118 = arith.addi %add3A_116, %add3A_117 : i32
      %lt3A_119 = arith.constant 4 : i32
      %lt3A_120 = arith.cmpi slt, %add3A_118, %lt3A_119 : i32
      %convert_element_type3A_121 = arith.extui %lt3A_120 : i1 to i32
      %cond3A_122 = arith.constant 0 : i32
      %cond3A_123 = arith.cmpi ne, %convert_element_type3A_121, %cond3A_122 : i32
      scf.if %cond3A_123 {
        %add3A_163 = arith.constant 1 : i32
        %add3A_164 = arith.addi %add3A_116, %add3A_163 : i32
        %mul3A_165 = arith.constant 128 : i32
        %mul3A_166 = arith.muli %add3A_164, %mul3A_165 : i32
        %add3A_167 = arith.addi %mul3A_2, %mul3A_166 : i32
        %dma_wait3A_168 = arith.constant 0 : i32
        %dma_wait3A_169 = tpu.memref_slice %arg6[%add3A_167] : memref<16384xi32, #tpu.memory_space<hbm>> -> memref<128xi32, #tpu.memory_space<hbm>>
        %dma_wait3A_170 = tpu.memref_slice %arg25[%dma_wait3A_168] : memref<2x!tpu.dma_semaphore, #tpu.memory_space<semaphore_mem>> -> memref<1x!tpu.dma_semaphore, #tpu.memory_space<semaphore_mem>>
        %dma_wait3A_171 = tpu.memref_squeeze %dma_wait3A_170 : memref<1x!tpu.dma_semaphore, #tpu.memory_space<semaphore_mem>> -> memref<!tpu.dma_semaphore, #tpu.memory_space<semaphore_mem>>
        %dma_wait3A_172 = tpu.memref_slice %arg6[%add3A_167] : memref<16384xi32, #tpu.memory_space<hbm>> -> memref<128xi32, #tpu.memory_space<hbm>>
        tpu.wait_dma2 semaphore(%dma_wait3A_171 : memref<!tpu.dma_semaphore, #tpu.memory_space<semaphore_mem>>) src(%dma_wait3A_172 : memref<128xi32, #tpu.memory_space<hbm>>) dst(%arg9 : memref<128xi32, #tpu.memory_space<vmem>>)
        %dma_wait3A_173 = arith.constant 1 : i32
        %dma_wait3A_174 = tpu.memref_slice %arg7[%add3A_167] : memref<16384xi32, #tpu.memory_space<hbm>> -> memref<128xi32, #tpu.memory_space<hbm>>
        %dma_wait3A_175 = tpu.memref_slice %arg25[%dma_wait3A_173] : memref<2x!tpu.dma_semaphore, #tpu.memory_space<semaphore_mem>> -> memref<1x!tpu.dma_semaphore, #tpu.memory_space<semaphore_mem>>
        %dma_wait3A_176 = tpu.memref_squeeze %dma_wait3A_175 : memref<1x!tpu.dma_semaphore, #tpu.memory_space<semaphore_mem>> -> memref<!tpu.dma_semaphore, #tpu.memory_space<semaphore_mem>>
        %dma_wait3A_177 = tpu.memref_slice %arg7[%add3A_167] : memref<16384xi32, #tpu.memory_space<hbm>> -> memref<128xi32, #tpu.memory_space<hbm>>
        tpu.wait_dma2 semaphore(%dma_wait3A_176 : memref<!tpu.dma_semaphore, #tpu.memory_space<semaphore_mem>>) src(%dma_wait3A_177 : memref<128xi32, #tpu.memory_space<hbm>>) dst(%arg11 : memref<128xi32, #tpu.memory_space<vmem>>)
        %dma_start3A_178 = arith.constant 0 : i32
        %dma_start3A_179 = arith.constant 0 : i32
        %dma_start3A_180 = arith.constant 0 : i32
        %dma_start3A_181 = tpu.memref_slice %arg2[%dma_start3A_179, %dma_start3A_180] : memref<100000x128xf32, #tpu.memory_space<hbm>> -> memref<100000x128xf32, #tpu.memory_space<hbm>>
        %dma_start3A_182 = tpu.memref_slice %arg23[%dma_start3A_178] : memref<4x!tpu.dma_semaphore, #tpu.memory_space<semaphore_mem>> -> memref<1x!tpu.dma_semaphore, #tpu.memory_space<semaphore_mem>>
        %dma_start3A_183 = tpu.memref_squeeze %dma_start3A_182 : memref<1x!tpu.dma_semaphore, #tpu.memory_space<semaphore_mem>> -> memref<!tpu.dma_semaphore, #tpu.memory_space<semaphore_mem>>
        tpu.enqueue_indirect_dma source(%dma_start3A_181 : memref<100000x128xf32, #tpu.memory_space<hbm>>) target(%arg13 : memref<128x128xf32, #tpu.memory_space<vmem>>) offsets(%arg9 : memref<128xi32, #tpu.memory_space<vmem>>) semaphore(%dma_start3A_183 : memref<!tpu.dma_semaphore, #tpu.memory_space<semaphore_mem>>)
        %dma_start3A_184 = arith.constant 1 : i32
        %dma_start3A_185 = arith.constant 0 : i32
        %dma_start3A_186 = arith.constant 0 : i32
        %dma_start3A_187 = tpu.memref_slice %arg3[%dma_start3A_185, %dma_start3A_186] : memref<100000x128xf32, #tpu.memory_space<hbm>> -> memref<100000x128xf32, #tpu.memory_space<hbm>>
        %dma_start3A_188 = tpu.memref_slice %arg23[%dma_start3A_184] : memref<4x!tpu.dma_semaphore, #tpu.memory_space<semaphore_mem>> -> memref<1x!tpu.dma_semaphore, #tpu.memory_space<semaphore_mem>>
        %dma_start3A_189 = tpu.memref_squeeze %dma_start3A_188 : memref<1x!tpu.dma_semaphore, #tpu.memory_space<semaphore_mem>> -> memref<!tpu.dma_semaphore, #tpu.memory_space<semaphore_mem>>
        tpu.enqueue_indirect_dma source(%dma_start3A_187 : memref<100000x128xf32, #tpu.memory_space<hbm>>) target(%arg15 : memref<128x128xf32, #tpu.memory_space<vmem>>) offsets(%arg11 : memref<128xi32, #tpu.memory_space<vmem>>) semaphore(%dma_start3A_189 : memref<!tpu.dma_semaphore, #tpu.memory_space<semaphore_mem>>)
        %dma_start3A_190 = arith.constant 2 : i32
        %dma_start3A_191 = arith.constant 0 : i32
        %dma_start3A_192 = tpu.memref_slice %arg4[%dma_start3A_191] : memref<100000xf32, #tpu.memory_space<hbm>> -> memref<100000xf32, #tpu.memory_space<hbm>>
        %dma_start3A_193 = tpu.memref_slice %arg23[%dma_start3A_190] : memref<4x!tpu.dma_semaphore, #tpu.memory_space<semaphore_mem>> -> memref<1x!tpu.dma_semaphore, #tpu.memory_space<semaphore_mem>>
        %dma_start3A_194 = tpu.memref_squeeze %dma_start3A_193 : memref<1x!tpu.dma_semaphore, #tpu.memory_space<semaphore_mem>> -> memref<!tpu.dma_semaphore, #tpu.memory_space<semaphore_mem>>
        tpu.enqueue_indirect_dma source(%dma_start3A_192 : memref<100000xf32, #tpu.memory_space<hbm>>) target(%arg17 : memref<128xf32, #tpu.memory_space<vmem>>) offsets(%arg9 : memref<128xi32, #tpu.memory_space<vmem>>) semaphore(%dma_start3A_194 : memref<!tpu.dma_semaphore, #tpu.memory_space<semaphore_mem>>)
        %dma_start3A_195 = arith.constant 3 : i32
        %dma_start3A_196 = arith.constant 0 : i32
        %dma_start3A_197 = tpu.memref_slice %arg5[%dma_start3A_196] : memref<100000xf32, #tpu.memory_space<hbm>> -> memref<100000xf32, #tpu.memory_space<hbm>>
        %dma_start3A_198 = tpu.memref_slice %arg23[%dma_start3A_195] : memref<4x!tpu.dma_semaphore, #tpu.memory_space<semaphore_mem>> -> memref<1x!tpu.dma_semaphore, #tpu.memory_space<semaphore_mem>>
        %dma_start3A_199 = tpu.memref_squeeze %dma_start3A_198 : memref<1x!tpu.dma_semaphore, #tpu.memory_space<semaphore_mem>> -> memref<!tpu.dma_semaphore, #tpu.memory_space<semaphore_mem>>
        tpu.enqueue_indirect_dma source(%dma_start3A_197 : memref<100000xf32, #tpu.memory_space<hbm>>) target(%arg19 : memref<128xf32, #tpu.memory_space<vmem>>) offsets(%arg11 : memref<128xi32, #tpu.memory_space<vmem>>) semaphore(%dma_start3A_199 : memref<!tpu.dma_semaphore, #tpu.memory_space<semaphore_mem>>)
      } else {
      }
      %dma_wait3A_124 = arith.constant 0 : i32
      %dma_wait3A_125 = arith.constant 0 : i32
      %dma_wait3A_126 = arith.constant 0 : i32
      %dma_wait3A_127 = tpu.memref_slice %arg2[%dma_wait3A_125, %dma_wait3A_126] : memref<100000x128xf32, #tpu.memory_space<hbm>> -> memref<100000x128xf32, #tpu.memory_space<hbm>>
      %dma_wait3A_128 = tpu.memref_slice %arg24[%dma_wait3A_124] : memref<4x!tpu.dma_semaphore, #tpu.memory_space<semaphore_mem>> -> memref<1x!tpu.dma_semaphore, #tpu.memory_space<semaphore_mem>>
      %dma_wait3A_129 = tpu.memref_squeeze %dma_wait3A_128 : memref<1x!tpu.dma_semaphore, #tpu.memory_space<semaphore_mem>> -> memref<!tpu.dma_semaphore, #tpu.memory_space<semaphore_mem>>
      tpu.wait_indirect_dma semaphore(%dma_wait3A_129 : memref<!tpu.dma_semaphore, #tpu.memory_space<semaphore_mem>>) src(%dma_wait3A_127 : memref<100000x128xf32, #tpu.memory_space<hbm>>) dst(%arg14 : memref<128x128xf32, #tpu.memory_space<vmem>>)
      %dma_wait3A_130 = arith.constant 1 : i32
      %dma_wait3A_131 = arith.constant 0 : i32
      %dma_wait3A_132 = arith.constant 0 : i32
      %dma_wait3A_133 = tpu.memref_slice %arg3[%dma_wait3A_131, %dma_wait3A_132] : memref<100000x128xf32, #tpu.memory_space<hbm>> -> memref<100000x128xf32, #tpu.memory_space<hbm>>
      %dma_wait3A_134 = tpu.memref_slice %arg24[%dma_wait3A_130] : memref<4x!tpu.dma_semaphore, #tpu.memory_space<semaphore_mem>> -> memref<1x!tpu.dma_semaphore, #tpu.memory_space<semaphore_mem>>
      %dma_wait3A_135 = tpu.memref_squeeze %dma_wait3A_134 : memref<1x!tpu.dma_semaphore, #tpu.memory_space<semaphore_mem>> -> memref<!tpu.dma_semaphore, #tpu.memory_space<semaphore_mem>>
      tpu.wait_indirect_dma semaphore(%dma_wait3A_135 : memref<!tpu.dma_semaphore, #tpu.memory_space<semaphore_mem>>) src(%dma_wait3A_133 : memref<100000x128xf32, #tpu.memory_space<hbm>>) dst(%arg16 : memref<128x128xf32, #tpu.memory_space<vmem>>)
      %dma_wait3A_136 = arith.constant 2 : i32
      %dma_wait3A_137 = arith.constant 0 : i32
      %dma_wait3A_138 = tpu.memref_slice %arg4[%dma_wait3A_137] : memref<100000xf32, #tpu.memory_space<hbm>> -> memref<100000xf32, #tpu.memory_space<hbm>>
      %dma_wait3A_139 = tpu.memref_slice %arg24[%dma_wait3A_136] : memref<4x!tpu.dma_semaphore, #tpu.memory_space<semaphore_mem>> -> memref<1x!tpu.dma_semaphore, #tpu.memory_space<semaphore_mem>>
      %dma_wait3A_140 = tpu.memref_squeeze %dma_wait3A_139 : memref<1x!tpu.dma_semaphore, #tpu.memory_space<semaphore_mem>> -> memref<!tpu.dma_semaphore, #tpu.memory_space<semaphore_mem>>
      tpu.wait_indirect_dma semaphore(%dma_wait3A_140 : memref<!tpu.dma_semaphore, #tpu.memory_space<semaphore_mem>>) src(%dma_wait3A_138 : memref<100000xf32, #tpu.memory_space<hbm>>) dst(%arg18 : memref<128xf32, #tpu.memory_space<vmem>>)
      %dma_wait3A_141 = arith.constant 3 : i32
      %dma_wait3A_142 = arith.constant 0 : i32
      %dma_wait3A_143 = tpu.memref_slice %arg5[%dma_wait3A_142] : memref<100000xf32, #tpu.memory_space<hbm>> -> memref<100000xf32, #tpu.memory_space<hbm>>
      %dma_wait3A_144 = tpu.memref_slice %arg24[%dma_wait3A_141] : memref<4x!tpu.dma_semaphore, #tpu.memory_space<semaphore_mem>> -> memref<1x!tpu.dma_semaphore, #tpu.memory_space<semaphore_mem>>
      %dma_wait3A_145 = tpu.memref_squeeze %dma_wait3A_144 : memref<1x!tpu.dma_semaphore, #tpu.memory_space<semaphore_mem>> -> memref<!tpu.dma_semaphore, #tpu.memory_space<semaphore_mem>>
      tpu.wait_indirect_dma semaphore(%dma_wait3A_145 : memref<!tpu.dma_semaphore, #tpu.memory_space<semaphore_mem>>) src(%dma_wait3A_143 : memref<100000xf32, #tpu.memory_space<hbm>>) dst(%arg20 : memref<128xf32, #tpu.memory_space<vmem>>)
      %add3A_146 = arith.constant 2 : i32
      %add3A_147 = arith.addi %add3A_116, %add3A_146 : i32
      %lt3A_148 = arith.constant 4 : i32
      %lt3A_149 = arith.cmpi slt, %add3A_147, %lt3A_148 : i32
      %convert_element_type3A_150 = arith.extui %lt3A_149 : i1 to i32
      %cond3A_151 = arith.constant 0 : i32
      %cond3A_152 = arith.cmpi ne, %convert_element_type3A_150, %cond3A_151 : i32
      scf.if %cond3A_152 {
        %add3A_163 = arith.constant 2 : i32
        %add3A_164 = arith.addi %add3A_116, %add3A_163 : i32
        %mul3A_165 = arith.constant 128 : i32
        %mul3A_166 = arith.muli %add3A_164, %mul3A_165 : i32
        %add3A_167 = arith.addi %mul3A_2, %mul3A_166 : i32
        %dma_start3A_168 = arith.constant 0 : i32
        %dma_start3A_169 = tpu.memref_slice %arg6[%add3A_167] : memref<16384xi32, #tpu.memory_space<hbm>> -> memref<128xi32, #tpu.memory_space<hbm>>
        %dma_start3A_170 = tpu.memref_slice %arg26[%dma_start3A_168] : memref<2x!tpu.dma_semaphore, #tpu.memory_space<semaphore_mem>> -> memref<1x!tpu.dma_semaphore, #tpu.memory_space<semaphore_mem>>
        %dma_start3A_171 = tpu.memref_squeeze %dma_start3A_170 : memref<1x!tpu.dma_semaphore, #tpu.memory_space<semaphore_mem>> -> memref<!tpu.dma_semaphore, #tpu.memory_space<semaphore_mem>>
        %dma_start3A_172 = tpu.memref_slice %arg6[%add3A_167] : memref<16384xi32, #tpu.memory_space<hbm>> -> memref<128xi32, #tpu.memory_space<hbm>>
        tpu.enqueue_dma source(%dma_start3A_172 : memref<128xi32, #tpu.memory_space<hbm>>) target(%arg10 : memref<128xi32, #tpu.memory_space<vmem>>) target_semaphore(%dma_start3A_171 : memref<!tpu.dma_semaphore, #tpu.memory_space<semaphore_mem>>)
        %dma_start3A_173 = arith.constant 1 : i32
        %dma_start3A_174 = tpu.memref_slice %arg7[%add3A_167] : memref<16384xi32, #tpu.memory_space<hbm>> -> memref<128xi32, #tpu.memory_space<hbm>>
        %dma_start3A_175 = tpu.memref_slice %arg26[%dma_start3A_173] : memref<2x!tpu.dma_semaphore, #tpu.memory_space<semaphore_mem>> -> memref<1x!tpu.dma_semaphore, #tpu.memory_space<semaphore_mem>>
        %dma_start3A_176 = tpu.memref_squeeze %dma_start3A_175 : memref<1x!tpu.dma_semaphore, #tpu.memory_space<semaphore_mem>> -> memref<!tpu.dma_semaphore, #tpu.memory_space<semaphore_mem>>
        %dma_start3A_177 = tpu.memref_slice %arg7[%add3A_167] : memref<16384xi32, #tpu.memory_space<hbm>> -> memref<128xi32, #tpu.memory_space<hbm>>
        tpu.enqueue_dma source(%dma_start3A_177 : memref<128xi32, #tpu.memory_space<hbm>>) target(%arg12 : memref<128xi32, #tpu.memory_space<vmem>>) target_semaphore(%dma_start3A_176 : memref<!tpu.dma_semaphore, #tpu.memory_space<semaphore_mem>>)
      } else {
      }
      %mul3A_153 = arith.constant 128 : i32
      %mul3A_154 = arith.muli %add3A_116, %mul3A_153 : i32
      %scan3A_155 = arith.constant 0 : i32
      %scan3A_156 = arith.constant 0 : i32
      %scan3A_157 = arith.constant 8 : i32
      %scan3A_158 = arith.addi %scan3A_156, %scan3A_157 : i32
      %scan3A_159 = arith.constant 1 : i32
      %scan3A_160 = scf.for %scan3A_163 = %scan3A_156 to %scan3A_158 step %scan3A_159 iter_args(%scan3A_164 = %scan3A_155) -> (i32)  : i32 {
        %mul3A_165 = arith.constant 16 : i32
        %mul3A_166 = arith.muli %scan3A_163, %mul3A_165 : i32
        %get3A = arith.index_cast %mul3A_166 : i32 to index
        %get3A_167 = arith.constant 0 : index
        %get3A_168 = tpu.vector_load %arg14[%get3A, %get3A_167] {strides = array<i32>} : memref<128x128xf32, #tpu.memory_space<vmem>>, vector<16xf32>,
        %get3A_169 = arith.index_cast %mul3A_166 : i32 to index
        %get3A_170 = arith.constant 16 : index
        %get3A_171 = tpu.vector_load %arg14[%get3A_169, %get3A_170] {strides = array<i32>} : memref<128x128xf32, #tpu.memory_space<vmem>>, vector<16xf32>,
        %get3A_172 = arith.index_cast %mul3A_166 : i32 to index
        %get3A_173 = arith.constant 32 : index
        %get3A_174 = tpu.vector_load %arg14[%get3A_172, %get3A_173] {strides = array<i32>} : memref<128x128xf32, #tpu.memory_space<vmem>>, vector<16xf32>,
        %get3A_175 = arith.index_cast %mul3A_166 : i32 to index
        %get3A_176 = arith.constant 48 : index
        %get3A_177 = tpu.vector_load %arg14[%get3A_175, %get3A_176] {strides = array<i32>} : memref<128x128xf32, #tpu.memory_space<vmem>>, vector<16xf32>,
        %get3A_178 = arith.index_cast %mul3A_166 : i32 to index
        %get3A_179 = arith.constant 64 : index
        %get3A_180 = tpu.vector_load %arg14[%get3A_178, %get3A_179] {strides = array<i32>} : memref<128x128xf32, #tpu.memory_space<vmem>>, vector<16xf32>,
        %get3A_181 = arith.index_cast %mul3A_166 : i32 to index
        %get3A_182 = arith.constant 80 : index
        %get3A_183 = tpu.vector_load %arg14[%get3A_181, %get3A_182] {strides = array<i32>} : memref<128x128xf32, #tpu.memory_space<vmem>>, vector<16xf32>,
        %get3A_184 = arith.index_cast %mul3A_166 : i32 to index
        %get3A_185 = arith.constant 96 : index
        %get3A_186 = tpu.vector_load %arg14[%get3A_184, %get3A_185] {strides = array<i32>} : memref<128x128xf32, #tpu.memory_space<vmem>>, vector<16xf32>,
        %get3A_187 = arith.index_cast %mul3A_166 : i32 to index
        %get3A_188 = arith.constant 112 : index
        %get3A_189 = tpu.vector_load %arg14[%get3A_187, %get3A_188] {strides = array<i32>} : memref<128x128xf32, #tpu.memory_space<vmem>>, vector<16xf32>,
        %get3A_190 = arith.index_cast %mul3A_166 : i32 to index
        %get3A_191 = arith.constant 0 : index
        %get3A_192 = tpu.vector_load %arg16[%get3A_190, %get3A_191] {strides = array<i32>} : memref<128x128xf32, #tpu.memory_space<vmem>>, vector<16xf32>,
        %get3A_193 = arith.index_cast %mul3A_166 : i32 to index
        %get3A_194 = arith.constant 16 : index
        %get3A_195 = tpu.vector_load %arg16[%get3A_193, %get3A_194] {strides = array<i32>} : memref<128x128xf32, #tpu.memory_space<vmem>>, vector<16xf32>,
        %get3A_196 = arith.index_cast %mul3A_166 : i32 to index
        %get3A_197 = arith.constant 32 : index
        %get3A_198 = tpu.vector_load %arg16[%get3A_196, %get3A_197] {strides = array<i32>} : memref<128x128xf32, #tpu.memory_space<vmem>>, vector<16xf32>,
        %get3A_199 = arith.index_cast %mul3A_166 : i32 to index
        %get3A_200 = arith.constant 48 : index
        %get3A_201 = tpu.vector_load %arg16[%get3A_199, %get3A_200] {strides = array<i32>} : memref<128x128xf32, #tpu.memory_space<vmem>>, vector<16xf32>,
        %get3A_202 = arith.index_cast %mul3A_166 : i32 to index
        %get3A_203 = arith.constant 64 : index
        %get3A_204 = tpu.vector_load %arg16[%get3A_202, %get3A_203] {strides = array<i32>} : memref<128x128xf32, #tpu.memory_space<vmem>>, vector<16xf32>,
        %get3A_205 = arith.index_cast %mul3A_166 : i32 to index
        %get3A_206 = arith.constant 80 : index
        %get3A_207 = tpu.vector_load %arg16[%get3A_205, %get3A_206] {strides = array<i32>} : memref<128x128xf32, #tpu.memory_space<vmem>>, vector<16xf32>,
        %get3A_208 = arith.index_cast %mul3A_166 : i32 to index
        %get3A_209 = arith.constant 96 : index
        %get3A_210 = tpu.vector_load %arg16[%get3A_208, %get3A_209] {strides = array<i32>} : memref<128x128xf32, #tpu.memory_space<vmem>>, vector<16xf32>,
        %get3A_211 = arith.index_cast %mul3A_166 : i32 to index
        %get3A_212 = arith.constant 112 : index
        %get3A_213 = tpu.vector_load %arg16[%get3A_211, %get3A_212] {strides = array<i32>} : memref<128x128xf32, #tpu.memory_space<vmem>>, vector<16xf32>,
        %mul3A_214 = arith.constant 16 : i32
        %mul3A_215 = arith.muli %scan3A_163, %mul3A_214 : i32
        %add3A_216 = arith.constant 1 : i32
        %add3A_217 = arith.addi %mul3A_215, %add3A_216 : i32
        %get3A_218 = arith.index_cast %add3A_217 : i32 to index
        %get3A_219 = arith.constant 0 : index
        %get3A_220 = tpu.vector_load %arg14[%get3A_218, %get3A_219] {strides = array<i32>} : memref<128x128xf32, #tpu.memory_space<vmem>>, vector<16xf32>,
        %get3A_221 = arith.index_cast %add3A_217 : i32 to index
        %get3A_222 = arith.constant 16 : index
        %get3A_223 = tpu.vector_load %arg14[%get3A_221, %get3A_222] {strides = array<i32>} : memref<128x128xf32, #tpu.memory_space<vmem>>, vector<16xf32>,
        %get3A_224 = arith.index_cast %add3A_217 : i32 to index
        %get3A_225 = arith.constant 32 : index
        %get3A_226 = tpu.vector_load %arg14[%get3A_224, %get3A_225] {strides = array<i32>} : memref<128x128xf32, #tpu.memory_space<vmem>>, vector<16xf32>,
        %get3A_227 = arith.index_cast %add3A_217 : i32 to index
        %get3A_228 = arith.constant 48 : index
        %get3A_229 = tpu.vector_load %arg14[%get3A_227, %get3A_228] {strides = array<i32>} : memref<128x128xf32, #tpu.memory_space<vmem>>, vector<16xf32>,
        %get3A_230 = arith.index_cast %add3A_217 : i32 to index
        %get3A_231 = arith.constant 64 : index
        %get3A_232 = tpu.vector_load %arg14[%get3A_230, %get3A_231] {strides = array<i32>} : memref<128x128xf32, #tpu.memory_space<vmem>>, vector<16xf32>,
        %get3A_233 = arith.index_cast %add3A_217 : i32 to index
        %get3A_234 = arith.constant 80 : index
        %get3A_235 = tpu.vector_load %arg14[%get3A_233, %get3A_234] {strides = array<i32>} : memref<128x128xf32, #tpu.memory_space<vmem>>, vector<16xf32>,
        %get3A_236 = arith.index_cast %add3A_217 : i32 to index
        %get3A_237 = arith.constant 96 : index
        %get3A_238 = tpu.vector_load %arg14[%get3A_236, %get3A_237] {strides = array<i32>} : memref<128x128xf32, #tpu.memory_space<vmem>>, vector<16xf32>,
        %get3A_239 = arith.index_cast %add3A_217 : i32 to index
        %get3A_240 = arith.constant 112 : index
        %get3A_241 = tpu.vector_load %arg14[%get3A_239, %get3A_240] {strides = array<i32>} : memref<128x128xf32, #tpu.memory_space<vmem>>, vector<16xf32>,
        %get3A_242 = arith.index_cast %add3A_217 : i32 to index
        %get3A_243 = arith.constant 0 : index
        %get3A_244 = tpu.vector_load %arg16[%get3A_242, %get3A_243] {strides = array<i32>} : memref<128x128xf32, #tpu.memory_space<vmem>>, vector<16xf32>,
        %get3A_245 = arith.index_cast %add3A_217 : i32 to index
        %get3A_246 = arith.constant 16 : index
        %get3A_247 = tpu.vector_load %arg16[%get3A_245, %get3A_246] {strides = array<i32>} : memref<128x128xf32, #tpu.memory_space<vmem>>, vector<16xf32>,
        %get3A_248 = arith.index_cast %add3A_217 : i32 to index
        %get3A_249 = arith.constant 32 : index
        %get3A_250 = tpu.vector_load %arg16[%get3A_248, %get3A_249] {strides = array<i32>} : memref<128x128xf32, #tpu.memory_space<vmem>>, vector<16xf32>,
        %get3A_251 = arith.index_cast %add3A_217 : i32 to index
        %get3A_252 = arith.constant 48 : index
        %get3A_253 = tpu.vector_load %arg16[%get3A_251, %get3A_252] {strides = array<i32>} : memref<128x128xf32, #tpu.memory_space<vmem>>, vector<16xf32>,
        %get3A_254 = arith.index_cast %add3A_217 : i32 to index
        %get3A_255 = arith.constant 64 : index
        %get3A_256 = tpu.vector_load %arg16[%get3A_254, %get3A_255] {strides = array<i32>} : memref<128x128xf32, #tpu.memory_space<vmem>>, vector<16xf32>,
        %get3A_257 = arith.index_cast %add3A_217 : i32 to index
        %get3A_258 = arith.constant 80 : index
        %get3A_259 = tpu.vector_load %arg16[%get3A_257, %get3A_258] {strides = array<i32>} : memref<128x128xf32, #tpu.memory_space<vmem>>, vector<16xf32>,
        %get3A_260 = arith.index_cast %add3A_217 : i32 to index
        %get3A_261 = arith.constant 96 : index
        %get3A_262 = tpu.vector_load %arg16[%get3A_260, %get3A_261] {strides = array<i32>} : memref<128x128xf32, #tpu.memory_space<vmem>>, vector<16xf32>,
        %get3A_263 = arith.index_cast %add3A_217 : i32 to index
        %get3A_264 = arith.constant 112 : index
        %get3A_265 = tpu.vector_load %arg16[%get3A_263, %get3A_264] {strides = array<i32>} : memref<128x128xf32, #tpu.memory_space<vmem>>, vector<16xf32>,
        %mul3A_266 = arith.mulf %get3A_168, %get3A_192 : vector<16xf32>
        %mul3A_267 = arith.mulf %get3A_171, %get3A_195 : vector<16xf32>
        %mul3A_268 = arith.mulf %get3A_174, %get3A_198 : vector<16xf32>
        %mul3A_269 = arith.mulf %get3A_177, %get3A_201 : vector<16xf32>
        %mul3A_270 = arith.mulf %get3A_180, %get3A_204 : vector<16xf32>
        %mul3A_271 = arith.mulf %get3A_183, %get3A_207 : vector<16xf32>
        %mul3A_272 = arith.mulf %get3A_186, %get3A_210 : vector<16xf32>
        %mul3A_273 = arith.mulf %get3A_189, %get3A_213 : vector<16xf32>
        %add3A_274 = arith.addf %mul3A_266, %mul3A_267 : vector<16xf32>
        %add3A_275 = arith.addf %mul3A_268, %mul3A_269 : vector<16xf32>
        %add3A_276 = arith.addf %mul3A_270, %mul3A_271 : vector<16xf32>
        %add3A_277 = arith.addf %mul3A_272, %mul3A_273 : vector<16xf32>
        %add3A_278 = arith.addf %add3A_274, %add3A_275 : vector<16xf32>
        %add3A_279 = arith.addf %add3A_276, %add3A_277 : vector<16xf32>
        %add3A_280 = arith.addf %add3A_278, %add3A_279 : vector<16xf32>
        %swap3A = arith.constant 0 : index
        %swap3A_281 = tpu.vector_load %arg22[%swap3A] {strides = array<i32>} : memref<256xf32, #tpu.memory_space<vmem>>, vector<16xf32>,
        tpu.vector_store %arg22[%swap3A], %add3A_280 {strides = array<i32>} : memref<256xf32, #tpu.memory_space<vmem>>, vector<16xf32>,
        %mul3A_282 = arith.constant 16 : i32
        %mul3A_283 = arith.muli %scan3A_163, %mul3A_282 : i32
        %add3A_284 = arith.constant 2 : i32
        %add3A_285 = arith.addi %mul3A_283, %add3A_284 : i32
        %get3A_286 = arith.index_cast %add3A_285 : i32 to index
        %get3A_287 = arith.constant 0 : index
        %get3A_288 = tpu.vector_load %arg14[%get3A_286, %get3A_287] {strides = array<i32>} : memref<128x128xf32, #tpu.memory_space<vmem>>, vector<16xf32>,
        %get3A_289 = arith.index_cast %add3A_285 : i32 to index
        %get3A_290 = arith.constant 16 : index
        %get3A_291 = tpu.vector_load %arg14[%get3A_289, %get3A_290] {strides = array<i32>} : memref<128x128xf32, #tpu.memory_space<vmem>>, vector<16xf32>,
        %get3A_292 = arith.index_cast %add3A_285 : i32 to index
        %get3A_293 = arith.constant 32 : index
        %get3A_294 = tpu.vector_load %arg14[%get3A_292, %get3A_293] {strides = array<i32>} : memref<128x128xf32, #tpu.memory_space<vmem>>, vector<16xf32>,
        %get3A_295 = arith.index_cast %add3A_285 : i32 to index
        %get3A_296 = arith.constant 48 : index
        %get3A_297 = tpu.vector_load %arg14[%get3A_295, %get3A_296] {strides = array<i32>} : memref<128x128xf32, #tpu.memory_space<vmem>>, vector<16xf32>,
        %get3A_298 = arith.index_cast %add3A_285 : i32 to index
        %get3A_299 = arith.constant 64 : index
        %get3A_300 = tpu.vector_load %arg14[%get3A_298, %get3A_299] {strides = array<i32>} : memref<128x128xf32, #tpu.memory_space<vmem>>, vector<16xf32>,
        %get3A_301 = arith.index_cast %add3A_285 : i32 to index
        %get3A_302 = arith.constant 80 : index
        %get3A_303 = tpu.vector_load %arg14[%get3A_301, %get3A_302] {strides = array<i32>} : memref<128x128xf32, #tpu.memory_space<vmem>>, vector<16xf32>,
        %get3A_304 = arith.index_cast %add3A_285 : i32 to index
        %get3A_305 = arith.constant 96 : index
        %get3A_306 = tpu.vector_load %arg14[%get3A_304, %get3A_305] {strides = array<i32>} : memref<128x128xf32, #tpu.memory_space<vmem>>, vector<16xf32>,
        %get3A_307 = arith.index_cast %add3A_285 : i32 to index
        %get3A_308 = arith.constant 112 : index
        %get3A_309 = tpu.vector_load %arg14[%get3A_307, %get3A_308] {strides = array<i32>} : memref<128x128xf32, #tpu.memory_space<vmem>>, vector<16xf32>,
        %get3A_310 = arith.index_cast %add3A_285 : i32 to index
        %get3A_311 = arith.constant 0 : index
        %get3A_312 = tpu.vector_load %arg16[%get3A_310, %get3A_311] {strides = array<i32>} : memref<128x128xf32, #tpu.memory_space<vmem>>, vector<16xf32>,
        %get3A_313 = arith.index_cast %add3A_285 : i32 to index
        %get3A_314 = arith.constant 16 : index
        %get3A_315 = tpu.vector_load %arg16[%get3A_313, %get3A_314] {strides = array<i32>} : memref<128x128xf32, #tpu.memory_space<vmem>>, vector<16xf32>,
        %get3A_316 = arith.index_cast %add3A_285 : i32 to index
        %get3A_317 = arith.constant 32 : index
        %get3A_318 = tpu.vector_load %arg16[%get3A_316, %get3A_317] {strides = array<i32>} : memref<128x128xf32, #tpu.memory_space<vmem>>, vector<16xf32>,
        %get3A_319 = arith.index_cast %add3A_285 : i32 to index
        %get3A_320 = arith.constant 48 : index
        %get3A_321 = tpu.vector_load %arg16[%get3A_319, %get3A_320] {strides = array<i32>} : memref<128x128xf32, #tpu.memory_space<vmem>>, vector<16xf32>,
        %get3A_322 = arith.index_cast %add3A_285 : i32 to index
        %get3A_323 = arith.constant 64 : index
        %get3A_324 = tpu.vector_load %arg16[%get3A_322, %get3A_323] {strides = array<i32>} : memref<128x128xf32, #tpu.memory_space<vmem>>, vector<16xf32>,
        %get3A_325 = arith.index_cast %add3A_285 : i32 to index
        %get3A_326 = arith.constant 80 : index
        %get3A_327 = tpu.vector_load %arg16[%get3A_325, %get3A_326] {strides = array<i32>} : memref<128x128xf32, #tpu.memory_space<vmem>>, vector<16xf32>,
        %get3A_328 = arith.index_cast %add3A_285 : i32 to index
        %get3A_329 = arith.constant 96 : index
        %get3A_330 = tpu.vector_load %arg16[%get3A_328, %get3A_329] {strides = array<i32>} : memref<128x128xf32, #tpu.memory_space<vmem>>, vector<16xf32>,
        %get3A_331 = arith.index_cast %add3A_285 : i32 to index
        %get3A_332 = arith.constant 112 : index
        %get3A_333 = tpu.vector_load %arg16[%get3A_331, %get3A_332] {strides = array<i32>} : memref<128x128xf32, #tpu.memory_space<vmem>>, vector<16xf32>,
        %mul3A_334 = arith.mulf %get3A_220, %get3A_244 : vector<16xf32>
        %mul3A_335 = arith.mulf %get3A_223, %get3A_247 : vector<16xf32>
        %mul3A_336 = arith.mulf %get3A_226, %get3A_250 : vector<16xf32>
        %mul3A_337 = arith.mulf %get3A_229, %get3A_253 : vector<16xf32>
        %mul3A_338 = arith.mulf %get3A_232, %get3A_256 : vector<16xf32>
        %mul3A_339 = arith.mulf %get3A_235, %get3A_259 : vector<16xf32>
        %mul3A_340 = arith.mulf %get3A_238, %get3A_262 : vector<16xf32>
        %mul3A_341 = arith.mulf %get3A_241, %get3A_265 : vector<16xf32>
        %add3A_342 = arith.addf %mul3A_334, %mul3A_335 : vector<16xf32>
        %add3A_343 = arith.addf %mul3A_336, %mul3A_337 : vector<16xf32>
        %add3A_344 = arith.addf %mul3A_338, %mul3A_339 : vector<16xf32>
        %add3A_345 = arith.addf %mul3A_340, %mul3A_341 : vector<16xf32>
        %add3A_346 = arith.addf %add3A_342, %add3A_343 : vector<16xf32>
        %add3A_347 = arith.addf %add3A_344, %add3A_345 : vector<16xf32>
        %add3A_348 = arith.addf %add3A_346, %add3A_347 : vector<16xf32>
        %swap3A_349 = arith.constant 16 : index
        %swap3A_350 = tpu.vector_load %arg22[%swap3A_349] {strides = array<i32>} : memref<256xf32, #tpu.memory_space<vmem>>, vector<16xf32>,
        tpu.vector_store %arg22[%swap3A_349], %add3A_348 {strides = array<i32>} : memref<256xf32, #tpu.memory_space<vmem>>, vector<16xf32>,
        %mul3A_351 = arith.constant 16 : i32
        %mul3A_352 = arith.muli %scan3A_163, %mul3A_351 : i32
        %add3A_353 = arith.constant 3 : i32
        %add3A_354 = arith.addi %mul3A_352, %add3A_353 : i32
        %get3A_355 = arith.index_cast %add3A_354 : i32 to index
        %get3A_356 = arith.constant 0 : index
        %get3A_357 = tpu.vector_load %arg14[%get3A_355, %get3A_356] {strides = array<i32>} : memref<128x128xf32, #tpu.memory_space<vmem>>, vector<16xf32>,
        %get3A_358 = arith.index_cast %add3A_354 : i32 to index
        %get3A_359 = arith.constant 16 : index
        %get3A_360 = tpu.vector_load %arg14[%get3A_358, %get3A_359] {strides = array<i32>} : memref<128x128xf32, #tpu.memory_space<vmem>>, vector<16xf32>,
        %get3A_361 = arith.index_cast %add3A_354 : i32 to index
        %get3A_362 = arith.constant 32 : index
        %get3A_363 = tpu.vector_load %arg14[%get3A_361, %get3A_362] {strides = array<i32>} : memref<128x128xf32, #tpu.memory_space<vmem>>, vector<16xf32>,
        %get3A_364 = arith.index_cast %add3A_354 : i32 to index
        %get3A_365 = arith.constant 48 : index
        %get3A_366 = tpu.vector_load %arg14[%get3A_364, %get3A_365] {strides = array<i32>} : memref<128x128xf32, #tpu.memory_space<vmem>>, vector<16xf32>,
        %get3A_367 = arith.index_cast %add3A_354 : i32 to index
        %get3A_368 = arith.constant 64 : index
        %get3A_369 = tpu.vector_load %arg14[%get3A_367, %get3A_368] {strides = array<i32>} : memref<128x128xf32, #tpu.memory_space<vmem>>, vector<16xf32>,
        %get3A_370 = arith.index_cast %add3A_354 : i32 to index
        %get3A_371 = arith.constant 80 : index
        %get3A_372 = tpu.vector_load %arg14[%get3A_370, %get3A_371] {strides = array<i32>} : memref<128x128xf32, #tpu.memory_space<vmem>>, vector<16xf32>,
        %get3A_373 = arith.index_cast %add3A_354 : i32 to index
        %get3A_374 = arith.constant 96 : index
        %get3A_375 = tpu.vector_load %arg14[%get3A_373, %get3A_374] {strides = array<i32>} : memref<128x128xf32, #tpu.memory_space<vmem>>, vector<16xf32>,
        %get3A_376 = arith.index_cast %add3A_354 : i32 to index
        %get3A_377 = arith.constant 112 : index
        %get3A_378 = tpu.vector_load %arg14[%get3A_376, %get3A_377] {strides = array<i32>} : memref<128x128xf32, #tpu.memory_space<vmem>>, vector<16xf32>,
        %get3A_379 = arith.index_cast %add3A_354 : i32 to index
        %get3A_380 = arith.constant 0 : index
        %get3A_381 = tpu.vector_load %arg16[%get3A_379, %get3A_380] {strides = array<i32>} : memref<128x128xf32, #tpu.memory_space<vmem>>, vector<16xf32>,
        %get3A_382 = arith.index_cast %add3A_354 : i32 to index
        %get3A_383 = arith.constant 16 : index
        %get3A_384 = tpu.vector_load %arg16[%get3A_382, %get3A_383] {strides = array<i32>} : memref<128x128xf32, #tpu.memory_space<vmem>>, vector<16xf32>,
        %get3A_385 = arith.index_cast %add3A_354 : i32 to index
        %get3A_386 = arith.constant 32 : index
        %get3A_387 = tpu.vector_load %arg16[%get3A_385, %get3A_386] {strides = array<i32>} : memref<128x128xf32, #tpu.memory_space<vmem>>, vector<16xf32>,
        %get3A_388 = arith.index_cast %add3A_354 : i32 to index
        %get3A_389 = arith.constant 48 : index
        %get3A_390 = tpu.vector_load %arg16[%get3A_388, %get3A_389] {strides = array<i32>} : memref<128x128xf32, #tpu.memory_space<vmem>>, vector<16xf32>,
        %get3A_391 = arith.index_cast %add3A_354 : i32 to index
        %get3A_392 = arith.constant 64 : index
        %get3A_393 = tpu.vector_load %arg16[%get3A_391, %get3A_392] {strides = array<i32>} : memref<128x128xf32, #tpu.memory_space<vmem>>, vector<16xf32>,
        %get3A_394 = arith.index_cast %add3A_354 : i32 to index
        %get3A_395 = arith.constant 80 : index
        %get3A_396 = tpu.vector_load %arg16[%get3A_394, %get3A_395] {strides = array<i32>} : memref<128x128xf32, #tpu.memory_space<vmem>>, vector<16xf32>,
        %get3A_397 = arith.index_cast %add3A_354 : i32 to index
        %get3A_398 = arith.constant 96 : index
        %get3A_399 = tpu.vector_load %arg16[%get3A_397, %get3A_398] {strides = array<i32>} : memref<128x128xf32, #tpu.memory_space<vmem>>, vector<16xf32>,
        %get3A_400 = arith.index_cast %add3A_354 : i32 to index
        %get3A_401 = arith.constant 112 : index
        %get3A_402 = tpu.vector_load %arg16[%get3A_400, %get3A_401] {strides = array<i32>} : memref<128x128xf32, #tpu.memory_space<vmem>>, vector<16xf32>,
        %mul3A_403 = arith.mulf %get3A_288, %get3A_312 : vector<16xf32>
        %mul3A_404 = arith.mulf %get3A_291, %get3A_315 : vector<16xf32>
        %mul3A_405 = arith.mulf %get3A_294, %get3A_318 : vector<16xf32>
        %mul3A_406 = arith.mulf %get3A_297, %get3A_321 : vector<16xf32>
        %mul3A_407 = arith.mulf %get3A_300, %get3A_324 : vector<16xf32>
        %mul3A_408 = arith.mulf %get3A_303, %get3A_327 : vector<16xf32>
        %mul3A_409 = arith.mulf %get3A_306, %get3A_330 : vector<16xf32>
        %mul3A_410 = arith.mulf %get3A_309, %get3A_333 : vector<16xf32>
        %add3A_411 = arith.addf %mul3A_403, %mul3A_404 : vector<16xf32>
        %add3A_412 = arith.addf %mul3A_405, %mul3A_406 : vector<16xf32>
        %add3A_413 = arith.addf %mul3A_407, %mul3A_408 : vector<16xf32>
        %add3A_414 = arith.addf %mul3A_409, %mul3A_410 : vector<16xf32>
        %add3A_415 = arith.addf %add3A_411, %add3A_412 : vector<16xf32>
        %add3A_416 = arith.addf %add3A_413, %add3A_414 : vector<16xf32>
        %add3A_417 = arith.addf %add3A_415, %add3A_416 : vector<16xf32>
        %swap3A_418 = arith.constant 32 : index
        %swap3A_419 = tpu.vector_load %arg22[%swap3A_418] {strides = array<i32>} : memref<256xf32, #tpu.memory_space<vmem>>, vector<16xf32>,
        tpu.vector_store %arg22[%swap3A_418], %add3A_417 {strides = array<i32>} : memref<256xf32, #tpu.memory_space<vmem>>, vector<16xf32>,
        %mul3A_420 = arith.constant 16 : i32
        %mul3A_421 = arith.muli %scan3A_163, %mul3A_420 : i32
        %add3A_422 = arith.constant 4 : i32
        %add3A_423 = arith.addi %mul3A_421, %add3A_422 : i32
        %get3A_424 = arith.index_cast %add3A_423 : i32 to index
        %get3A_425 = arith.constant 0 : index
        %get3A_426 = tpu.vector_load %arg14[%get3A_424, %get3A_425] {strides = array<i32>} : memref<128x128xf32, #tpu.memory_space<vmem>>, vector<16xf32>,
        %get3A_427 = arith.index_cast %add3A_423 : i32 to index
        %get3A_428 = arith.constant 16 : index
        %get3A_429 = tpu.vector_load %arg14[%get3A_427, %get3A_428] {strides = array<i32>} : memref<128x128xf32, #tpu.memory_space<vmem>>, vector<16xf32>,
        %get3A_430 = arith.index_cast %add3A_423 : i32 to index
        %get3A_431 = arith.constant 32 : index
        %get3A_432 = tpu.vector_load %arg14[%get3A_430, %get3A_431] {strides = array<i32>} : memref<128x128xf32, #tpu.memory_space<vmem>>, vector<16xf32>,
        %get3A_433 = arith.index_cast %add3A_423 : i32 to index
        %get3A_434 = arith.constant 48 : index
        %get3A_435 = tpu.vector_load %arg14[%get3A_433, %get3A_434] {strides = array<i32>} : memref<128x128xf32, #tpu.memory_space<vmem>>, vector<16xf32>,
        %get3A_436 = arith.index_cast %add3A_423 : i32 to index
        %get3A_437 = arith.constant 64 : index
        %get3A_438 = tpu.vector_load %arg14[%get3A_436, %get3A_437] {strides = array<i32>} : memref<128x128xf32, #tpu.memory_space<vmem>>, vector<16xf32>,
        %get3A_439 = arith.index_cast %add3A_423 : i32 to index
        %get3A_440 = arith.constant 80 : index
        %get3A_441 = tpu.vector_load %arg14[%get3A_439, %get3A_440] {strides = array<i32>} : memref<128x128xf32, #tpu.memory_space<vmem>>, vector<16xf32>,
        %get3A_442 = arith.index_cast %add3A_423 : i32 to index
        %get3A_443 = arith.constant 96 : index
        %get3A_444 = tpu.vector_load %arg14[%get3A_442, %get3A_443] {strides = array<i32>} : memref<128x128xf32, #tpu.memory_space<vmem>>, vector<16xf32>,
        %get3A_445 = arith.index_cast %add3A_423 : i32 to index
        %get3A_446 = arith.constant 112 : index
        %get3A_447 = tpu.vector_load %arg14[%get3A_445, %get3A_446] {strides = array<i32>} : memref<128x128xf32, #tpu.memory_space<vmem>>, vector<16xf32>,
        %get3A_448 = arith.index_cast %add3A_423 : i32 to index
        %get3A_449 = arith.constant 0 : index
        %get3A_450 = tpu.vector_load %arg16[%get3A_448, %get3A_449] {strides = array<i32>} : memref<128x128xf32, #tpu.memory_space<vmem>>, vector<16xf32>,
        %get3A_451 = arith.index_cast %add3A_423 : i32 to index
        %get3A_452 = arith.constant 16 : index
        %get3A_453 = tpu.vector_load %arg16[%get3A_451, %get3A_452] {strides = array<i32>} : memref<128x128xf32, #tpu.memory_space<vmem>>, vector<16xf32>,
        %get3A_454 = arith.index_cast %add3A_423 : i32 to index
        %get3A_455 = arith.constant 32 : index
        %get3A_456 = tpu.vector_load %arg16[%get3A_454, %get3A_455] {strides = array<i32>} : memref<128x128xf32, #tpu.memory_space<vmem>>, vector<16xf32>,
        %get3A_457 = arith.index_cast %add3A_423 : i32 to index
        %get3A_458 = arith.constant 48 : index
        %get3A_459 = tpu.vector_load %arg16[%get3A_457, %get3A_458] {strides = array<i32>} : memref<128x128xf32, #tpu.memory_space<vmem>>, vector<16xf32>,
        %get3A_460 = arith.index_cast %add3A_423 : i32 to index
        %get3A_461 = arith.constant 64 : index
        %get3A_462 = tpu.vector_load %arg16[%get3A_460, %get3A_461] {strides = array<i32>} : memref<128x128xf32, #tpu.memory_space<vmem>>, vector<16xf32>,
        %get3A_463 = arith.index_cast %add3A_423 : i32 to index
        %get3A_464 = arith.constant 80 : index
        %get3A_465 = tpu.vector_load %arg16[%get3A_463, %get3A_464] {strides = array<i32>} : memref<128x128xf32, #tpu.memory_space<vmem>>, vector<16xf32>,
        %get3A_466 = arith.index_cast %add3A_423 : i32 to index
        %get3A_467 = arith.constant 96 : index
        %get3A_468 = tpu.vector_load %arg16[%get3A_466, %get3A_467] {strides = array<i32>} : memref<128x128xf32, #tpu.memory_space<vmem>>, vector<16xf32>,
        %get3A_469 = arith.index_cast %add3A_423 : i32 to index
        %get3A_470 = arith.constant 112 : index
        %get3A_471 = tpu.vector_load %arg16[%get3A_469, %get3A_470] {strides = array<i32>} : memref<128x128xf32, #tpu.memory_space<vmem>>, vector<16xf32>,
        %mul3A_472 = arith.mulf %get3A_357, %get3A_381 : vector<16xf32>
        %mul3A_473 = arith.mulf %get3A_360, %get3A_384 : vector<16xf32>
        %mul3A_474 = arith.mulf %get3A_363, %get3A_387 : vector<16xf32>
        %mul3A_475 = arith.mulf %get3A_366, %get3A_390 : vector<16xf32>
        %mul3A_476 = arith.mulf %get3A_369, %get3A_393 : vector<16xf32>
        %mul3A_477 = arith.mulf %get3A_372, %get3A_396 : vector<16xf32>
        %mul3A_478 = arith.mulf %get3A_375, %get3A_399 : vector<16xf32>
        %mul3A_479 = arith.mulf %get3A_378, %get3A_402 : vector<16xf32>
        %add3A_480 = arith.addf %mul3A_472, %mul3A_473 : vector<16xf32>
        %add3A_481 = arith.addf %mul3A_474, %mul3A_475 : vector<16xf32>
        %add3A_482 = arith.addf %mul3A_476, %mul3A_477 : vector<16xf32>
        %add3A_483 = arith.addf %mul3A_478, %mul3A_479 : vector<16xf32>
        %add3A_484 = arith.addf %add3A_480, %add3A_481 : vector<16xf32>
        %add3A_485 = arith.addf %add3A_482, %add3A_483 : vector<16xf32>
        %add3A_486 = arith.addf %add3A_484, %add3A_485 : vector<16xf32>
        %swap3A_487 = arith.constant 48 : index
        %swap3A_488 = tpu.vector_load %arg22[%swap3A_487] {strides = array<i32>} : memref<256xf32, #tpu.memory_space<vmem>>, vector<16xf32>,
        tpu.vector_store %arg22[%swap3A_487], %add3A_486 {strides = array<i32>} : memref<256xf32, #tpu.memory_space<vmem>>, vector<16xf32>,
        %mul3A_489 = arith.constant 16 : i32
        %mul3A_490 = arith.muli %scan3A_163, %mul3A_489 : i32
        %add3A_491 = arith.constant 5 : i32
        %add3A_492 = arith.addi %mul3A_490, %add3A_491 : i32
        %get3A_493 = arith.index_cast %add3A_492 : i32 to index
        %get3A_494 = arith.constant 0 : index
        %get3A_495 = tpu.vector_load %arg14[%get3A_493, %get3A_494] {strides = array<i32>} : memref<128x128xf32, #tpu.memory_space<vmem>>, vector<16xf32>,
        %get3A_496 = arith.index_cast %add3A_492 : i32 to index
        %get3A_497 = arith.constant 16 : index
        %get3A_498 = tpu.vector_load %arg14[%get3A_496, %get3A_497] {strides = array<i32>} : memref<128x128xf32, #tpu.memory_space<vmem>>, vector<16xf32>,
        %get3A_499 = arith.index_cast %add3A_492 : i32 to index
        %get3A_500 = arith.constant 32 : index
        %get3A_501 = tpu.vector_load %arg14[%get3A_499, %get3A_500] {strides = array<i32>} : memref<128x128xf32, #tpu.memory_space<vmem>>, vector<16xf32>,
        %get3A_502 = arith.index_cast %add3A_492 : i32 to index
        %get3A_503 = arith.constant 48 : index
        %get3A_504 = tpu.vector_load %arg14[%get3A_502, %get3A_503] {strides = array<i32>} : memref<128x128xf32, #tpu.memory_space<vmem>>, vector<16xf32>,
        %get3A_505 = arith.index_cast %add3A_492 : i32 to index
        %get3A_506 = arith.constant 64 : index
        %get3A_507 = tpu.vector_load %arg14[%get3A_505, %get3A_506] {strides = array<i32>} : memref<128x128xf32, #tpu.memory_space<vmem>>, vector<16xf32>,
        %get3A_508 = arith.index_cast %add3A_492 : i32 to index
        %get3A_509 = arith.constant 80 : index
        %get3A_510 = tpu.vector_load %arg14[%get3A_508, %get3A_509] {strides = array<i32>} : memref<128x128xf32, #tpu.memory_space<vmem>>, vector<16xf32>,
        %get3A_511 = arith.index_cast %add3A_492 : i32 to index
        %get3A_512 = arith.constant 96 : index
        %get3A_513 = tpu.vector_load %arg14[%get3A_511, %get3A_512] {strides = array<i32>} : memref<128x128xf32, #tpu.memory_space<vmem>>, vector<16xf32>,
        %get3A_514 = arith.index_cast %add3A_492 : i32 to index
        %get3A_515 = arith.constant 112 : index
        %get3A_516 = tpu.vector_load %arg14[%get3A_514, %get3A_515] {strides = array<i32>} : memref<128x128xf32, #tpu.memory_space<vmem>>, vector<16xf32>,
        %get3A_517 = arith.index_cast %add3A_492 : i32 to index
        %get3A_518 = arith.constant 0 : index
        %get3A_519 = tpu.vector_load %arg16[%get3A_517, %get3A_518] {strides = array<i32>} : memref<128x128xf32, #tpu.memory_space<vmem>>, vector<16xf32>,
        %get3A_520 = arith.index_cast %add3A_492 : i32 to index
        %get3A_521 = arith.constant 16 : index
        %get3A_522 = tpu.vector_load %arg16[%get3A_520, %get3A_521] {strides = array<i32>} : memref<128x128xf32, #tpu.memory_space<vmem>>, vector<16xf32>,
        %get3A_523 = arith.index_cast %add3A_492 : i32 to index
        %get3A_524 = arith.constant 32 : index
        %get3A_525 = tpu.vector_load %arg16[%get3A_523, %get3A_524] {strides = array<i32>} : memref<128x128xf32, #tpu.memory_space<vmem>>, vector<16xf32>,
        %get3A_526 = arith.index_cast %add3A_492 : i32 to index
        %get3A_527 = arith.constant 48 : index
        %get3A_528 = tpu.vector_load %arg16[%get3A_526, %get3A_527] {strides = array<i32>} : memref<128x128xf32, #tpu.memory_space<vmem>>, vector<16xf32>,
        %get3A_529 = arith.index_cast %add3A_492 : i32 to index
        %get3A_530 = arith.constant 64 : index
        %get3A_531 = tpu.vector_load %arg16[%get3A_529, %get3A_530] {strides = array<i32>} : memref<128x128xf32, #tpu.memory_space<vmem>>, vector<16xf32>,
        %get3A_532 = arith.index_cast %add3A_492 : i32 to index
        %get3A_533 = arith.constant 80 : index
        %get3A_534 = tpu.vector_load %arg16[%get3A_532, %get3A_533] {strides = array<i32>} : memref<128x128xf32, #tpu.memory_space<vmem>>, vector<16xf32>,
        %get3A_535 = arith.index_cast %add3A_492 : i32 to index
        %get3A_536 = arith.constant 96 : index
        %get3A_537 = tpu.vector_load %arg16[%get3A_535, %get3A_536] {strides = array<i32>} : memref<128x128xf32, #tpu.memory_space<vmem>>, vector<16xf32>,
        %get3A_538 = arith.index_cast %add3A_492 : i32 to index
        %get3A_539 = arith.constant 112 : index
        %get3A_540 = tpu.vector_load %arg16[%get3A_538, %get3A_539] {strides = array<i32>} : memref<128x128xf32, #tpu.memory_space<vmem>>, vector<16xf32>,
        %mul3A_541 = arith.mulf %get3A_426, %get3A_450 : vector<16xf32>
        %mul3A_542 = arith.mulf %get3A_429, %get3A_453 : vector<16xf32>
        %mul3A_543 = arith.mulf %get3A_432, %get3A_456 : vector<16xf32>
        %mul3A_544 = arith.mulf %get3A_435, %get3A_459 : vector<16xf32>
        %mul3A_545 = arith.mulf %get3A_438, %get3A_462 : vector<16xf32>
        %mul3A_546 = arith.mulf %get3A_441, %get3A_465 : vector<16xf32>
        %mul3A_547 = arith.mulf %get3A_444, %get3A_468 : vector<16xf32>
        %mul3A_548 = arith.mulf %get3A_447, %get3A_471 : vector<16xf32>
        %add3A_549 = arith.addf %mul3A_541, %mul3A_542 : vector<16xf32>
        %add3A_550 = arith.addf %mul3A_543, %mul3A_544 : vector<16xf32>
        %add3A_551 = arith.addf %mul3A_545, %mul3A_546 : vector<16xf32>
        %add3A_552 = arith.addf %mul3A_547, %mul3A_548 : vector<16xf32>
        %add3A_553 = arith.addf %add3A_549, %add3A_550 : vector<16xf32>
        %add3A_554 = arith.addf %add3A_551, %add3A_552 : vector<16xf32>
        %add3A_555 = arith.addf %add3A_553, %add3A_554 : vector<16xf32>
        %swap3A_556 = arith.constant 64 : index
        %swap3A_557 = tpu.vector_load %arg22[%swap3A_556] {strides = array<i32>} : memref<256xf32, #tpu.memory_space<vmem>>, vector<16xf32>,
        tpu.vector_store %arg22[%swap3A_556], %add3A_555 {strides = array<i32>} : memref<256xf32, #tpu.memory_space<vmem>>, vector<16xf32>,
        %mul3A_558 = arith.constant 16 : i32
        %mul3A_559 = arith.muli %scan3A_163, %mul3A_558 : i32
        %add3A_560 = arith.constant 6 : i32
        %add3A_561 = arith.addi %mul3A_559, %add3A_560 : i32
        %get3A_562 = arith.index_cast %add3A_561 : i32 to index
        %get3A_563 = arith.constant 0 : index
        %get3A_564 = tpu.vector_load %arg14[%get3A_562, %get3A_563] {strides = array<i32>} : memref<128x128xf32, #tpu.memory_space<vmem>>, vector<16xf32>,
        %get3A_565 = arith.index_cast %add3A_561 : i32 to index
        %get3A_566 = arith.constant 16 : index
        %get3A_567 = tpu.vector_load %arg14[%get3A_565, %get3A_566] {strides = array<i32>} : memref<128x128xf32, #tpu.memory_space<vmem>>, vector<16xf32>,
        %get3A_568 = arith.index_cast %add3A_561 : i32 to index
        %get3A_569 = arith.constant 32 : index
        %get3A_570 = tpu.vector_load %arg14[%get3A_568, %get3A_569] {strides = array<i32>} : memref<128x128xf32, #tpu.memory_space<vmem>>, vector<16xf32>,
        %get3A_571 = arith.index_cast %add3A_561 : i32 to index
        %get3A_572 = arith.constant 48 : index
        %get3A_573 = tpu.vector_load %arg14[%get3A_571, %get3A_572] {strides = array<i32>} : memref<128x128xf32, #tpu.memory_space<vmem>>, vector<16xf32>,
        %get3A_574 = arith.index_cast %add3A_561 : i32 to index
        %get3A_575 = arith.constant 64 : index
        %get3A_576 = tpu.vector_load %arg14[%get3A_574, %get3A_575] {strides = array<i32>} : memref<128x128xf32, #tpu.memory_space<vmem>>, vector<16xf32>,
        %get3A_577 = arith.index_cast %add3A_561 : i32 to index
        %get3A_578 = arith.constant 80 : index
        %get3A_579 = tpu.vector_load %arg14[%get3A_577, %get3A_578] {strides = array<i32>} : memref<128x128xf32, #tpu.memory_space<vmem>>, vector<16xf32>,
        %get3A_580 = arith.index_cast %add3A_561 : i32 to index
        %get3A_581 = arith.constant 96 : index
        %get3A_582 = tpu.vector_load %arg14[%get3A_580, %get3A_581] {strides = array<i32>} : memref<128x128xf32, #tpu.memory_space<vmem>>, vector<16xf32>,
        %get3A_583 = arith.index_cast %add3A_561 : i32 to index
        %get3A_584 = arith.constant 112 : index
        %get3A_585 = tpu.vector_load %arg14[%get3A_583, %get3A_584] {strides = array<i32>} : memref<128x128xf32, #tpu.memory_space<vmem>>, vector<16xf32>,
        %get3A_586 = arith.index_cast %add3A_561 : i32 to index
        %get3A_587 = arith.constant 0 : index
        %get3A_588 = tpu.vector_load %arg16[%get3A_586, %get3A_587] {strides = array<i32>} : memref<128x128xf32, #tpu.memory_space<vmem>>, vector<16xf32>,
        %get3A_589 = arith.index_cast %add3A_561 : i32 to index
        %get3A_590 = arith.constant 16 : index
        %get3A_591 = tpu.vector_load %arg16[%get3A_589, %get3A_590] {strides = array<i32>} : memref<128x128xf32, #tpu.memory_space<vmem>>, vector<16xf32>,
        %get3A_592 = arith.index_cast %add3A_561 : i32 to index
        %get3A_593 = arith.constant 32 : index
        %get3A_594 = tpu.vector_load %arg16[%get3A_592, %get3A_593] {strides = array<i32>} : memref<128x128xf32, #tpu.memory_space<vmem>>, vector<16xf32>,
        %get3A_595 = arith.index_cast %add3A_561 : i32 to index
        %get3A_596 = arith.constant 48 : index
        %get3A_597 = tpu.vector_load %arg16[%get3A_595, %get3A_596] {strides = array<i32>} : memref<128x128xf32, #tpu.memory_space<vmem>>, vector<16xf32>,
        %get3A_598 = arith.index_cast %add3A_561 : i32 to index
        %get3A_599 = arith.constant 64 : index
        %get3A_600 = tpu.vector_load %arg16[%get3A_598, %get3A_599] {strides = array<i32>} : memref<128x128xf32, #tpu.memory_space<vmem>>, vector<16xf32>,
        %get3A_601 = arith.index_cast %add3A_561 : i32 to index
        %get3A_602 = arith.constant 80 : index
        %get3A_603 = tpu.vector_load %arg16[%get3A_601, %get3A_602] {strides = array<i32>} : memref<128x128xf32, #tpu.memory_space<vmem>>, vector<16xf32>,
        %get3A_604 = arith.index_cast %add3A_561 : i32 to index
        %get3A_605 = arith.constant 96 : index
        %get3A_606 = tpu.vector_load %arg16[%get3A_604, %get3A_605] {strides = array<i32>} : memref<128x128xf32, #tpu.memory_space<vmem>>, vector<16xf32>,
        %get3A_607 = arith.index_cast %add3A_561 : i32 to index
        %get3A_608 = arith.constant 112 : index
        %get3A_609 = tpu.vector_load %arg16[%get3A_607, %get3A_608] {strides = array<i32>} : memref<128x128xf32, #tpu.memory_space<vmem>>, vector<16xf32>,
        %mul3A_610 = arith.mulf %get3A_495, %get3A_519 : vector<16xf32>
        %mul3A_611 = arith.mulf %get3A_498, %get3A_522 : vector<16xf32>
        %mul3A_612 = arith.mulf %get3A_501, %get3A_525 : vector<16xf32>
        %mul3A_613 = arith.mulf %get3A_504, %get3A_528 : vector<16xf32>
        %mul3A_614 = arith.mulf %get3A_507, %get3A_531 : vector<16xf32>
        %mul3A_615 = arith.mulf %get3A_510, %get3A_534 : vector<16xf32>
        %mul3A_616 = arith.mulf %get3A_513, %get3A_537 : vector<16xf32>
        %mul3A_617 = arith.mulf %get3A_516, %get3A_540 : vector<16xf32>
        %add3A_618 = arith.addf %mul3A_610, %mul3A_611 : vector<16xf32>
        %add3A_619 = arith.addf %mul3A_612, %mul3A_613 : vector<16xf32>
        %add3A_620 = arith.addf %mul3A_614, %mul3A_615 : vector<16xf32>
        %add3A_621 = arith.addf %mul3A_616, %mul3A_617 : vector<16xf32>
        %add3A_622 = arith.addf %add3A_618, %add3A_619 : vector<16xf32>
        %add3A_623 = arith.addf %add3A_620, %add3A_621 : vector<16xf32>
        %add3A_624 = arith.addf %add3A_622, %add3A_623 : vector<16xf32>
        %swap3A_625 = arith.constant 80 : index
        %swap3A_626 = tpu.vector_load %arg22[%swap3A_625] {strides = array<i32>} : memref<256xf32, #tpu.memory_space<vmem>>, vector<16xf32>,
        tpu.vector_store %arg22[%swap3A_625], %add3A_624 {strides = array<i32>} : memref<256xf32, #tpu.memory_space<vmem>>, vector<16xf32>,
        %mul3A_627 = arith.constant 16 : i32
        %mul3A_628 = arith.muli %scan3A_163, %mul3A_627 : i32
        %add3A_629 = arith.constant 7 : i32
        %add3A_630 = arith.addi %mul3A_628, %add3A_629 : i32
        %get3A_631 = arith.index_cast %add3A_630 : i32 to index
        %get3A_632 = arith.constant 0 : index
        %get3A_633 = tpu.vector_load %arg14[%get3A_631, %get3A_632] {strides = array<i32>} : memref<128x128xf32, #tpu.memory_space<vmem>>, vector<16xf32>,
        %get3A_634 = arith.index_cast %add3A_630 : i32 to index
        %get3A_635 = arith.constant 16 : index
        %get3A_636 = tpu.vector_load %arg14[%get3A_634, %get3A_635] {strides = array<i32>} : memref<128x128xf32, #tpu.memory_space<vmem>>, vector<16xf32>,
        %get3A_637 = arith.index_cast %add3A_630 : i32 to index
        %get3A_638 = arith.constant 32 : index
        %get3A_639 = tpu.vector_load %arg14[%get3A_637, %get3A_638] {strides = array<i32>} : memref<128x128xf32, #tpu.memory_space<vmem>>, vector<16xf32>,
        %get3A_640 = arith.index_cast %add3A_630 : i32 to index
        %get3A_641 = arith.constant 48 : index
        %get3A_642 = tpu.vector_load %arg14[%get3A_640, %get3A_641] {strides = array<i32>} : memref<128x128xf32, #tpu.memory_space<vmem>>, vector<16xf32>,
        %get3A_643 = arith.index_cast %add3A_630 : i32 to index
        %get3A_644 = arith.constant 64 : index
        %get3A_645 = tpu.vector_load %arg14[%get3A_643, %get3A_644] {strides = array<i32>} : memref<128x128xf32, #tpu.memory_space<vmem>>, vector<16xf32>,
        %get3A_646 = arith.index_cast %add3A_630 : i32 to index
        %get3A_647 = arith.constant 80 : index
        %get3A_648 = tpu.vector_load %arg14[%get3A_646, %get3A_647] {strides = array<i32>} : memref<128x128xf32, #tpu.memory_space<vmem>>, vector<16xf32>,
        %get3A_649 = arith.index_cast %add3A_630 : i32 to index
        %get3A_650 = arith.constant 96 : index
        %get3A_651 = tpu.vector_load %arg14[%get3A_649, %get3A_650] {strides = array<i32>} : memref<128x128xf32, #tpu.memory_space<vmem>>, vector<16xf32>,
        %get3A_652 = arith.index_cast %add3A_630 : i32 to index
        %get3A_653 = arith.constant 112 : index
        %get3A_654 = tpu.vector_load %arg14[%get3A_652, %get3A_653] {strides = array<i32>} : memref<128x128xf32, #tpu.memory_space<vmem>>, vector<16xf32>,
        %get3A_655 = arith.index_cast %add3A_630 : i32 to index
        %get3A_656 = arith.constant 0 : index
        %get3A_657 = tpu.vector_load %arg16[%get3A_655, %get3A_656] {strides = array<i32>} : memref<128x128xf32, #tpu.memory_space<vmem>>, vector<16xf32>,
        %get3A_658 = arith.index_cast %add3A_630 : i32 to index
        %get3A_659 = arith.constant 16 : index
        %get3A_660 = tpu.vector_load %arg16[%get3A_658, %get3A_659] {strides = array<i32>} : memref<128x128xf32, #tpu.memory_space<vmem>>, vector<16xf32>,
        %get3A_661 = arith.index_cast %add3A_630 : i32 to index
        %get3A_662 = arith.constant 32 : index
        %get3A_663 = tpu.vector_load %arg16[%get3A_661, %get3A_662] {strides = array<i32>} : memref<128x128xf32, #tpu.memory_space<vmem>>, vector<16xf32>,
        %get3A_664 = arith.index_cast %add3A_630 : i32 to index
        %get3A_665 = arith.constant 48 : index
        %get3A_666 = tpu.vector_load %arg16[%get3A_664, %get3A_665] {strides = array<i32>} : memref<128x128xf32, #tpu.memory_space<vmem>>, vector<16xf32>,
        %get3A_667 = arith.index_cast %add3A_630 : i32 to index
        %get3A_668 = arith.constant 64 : index
        %get3A_669 = tpu.vector_load %arg16[%get3A_667, %get3A_668] {strides = array<i32>} : memref<128x128xf32, #tpu.memory_space<vmem>>, vector<16xf32>,
        %get3A_670 = arith.index_cast %add3A_630 : i32 to index
        %get3A_671 = arith.constant 80 : index
        %get3A_672 = tpu.vector_load %arg16[%get3A_670, %get3A_671] {strides = array<i32>} : memref<128x128xf32, #tpu.memory_space<vmem>>, vector<16xf32>,
        %get3A_673 = arith.index_cast %add3A_630 : i32 to index
        %get3A_674 = arith.constant 96 : index
        %get3A_675 = tpu.vector_load %arg16[%get3A_673, %get3A_674] {strides = array<i32>} : memref<128x128xf32, #tpu.memory_space<vmem>>, vector<16xf32>,
        %get3A_676 = arith.index_cast %add3A_630 : i32 to index
        %get3A_677 = arith.constant 112 : index
        %get3A_678 = tpu.vector_load %arg16[%get3A_676, %get3A_677] {strides = array<i32>} : memref<128x128xf32, #tpu.memory_space<vmem>>, vector<16xf32>,
        %mul3A_679 = arith.mulf %get3A_564, %get3A_588 : vector<16xf32>
        %mul3A_680 = arith.mulf %get3A_567, %get3A_591 : vector<16xf32>
        %mul3A_681 = arith.mulf %get3A_570, %get3A_594 : vector<16xf32>
        %mul3A_682 = arith.mulf %get3A_573, %get3A_597 : vector<16xf32>
        %mul3A_683 = arith.mulf %get3A_576, %get3A_600 : vector<16xf32>
        %mul3A_684 = arith.mulf %get3A_579, %get3A_603 : vector<16xf32>
        %mul3A_685 = arith.mulf %get3A_582, %get3A_606 : vector<16xf32>
        %mul3A_686 = arith.mulf %get3A_585, %get3A_609 : vector<16xf32>
        %add3A_687 = arith.addf %mul3A_679, %mul3A_680 : vector<16xf32>
        %add3A_688 = arith.addf %mul3A_681, %mul3A_682 : vector<16xf32>
        %add3A_689 = arith.addf %mul3A_683, %mul3A_684 : vector<16xf32>
        %add3A_690 = arith.addf %mul3A_685, %mul3A_686 : vector<16xf32>
        %add3A_691 = arith.addf %add3A_687, %add3A_688 : vector<16xf32>
        %add3A_692 = arith.addf %add3A_689, %add3A_690 : vector<16xf32>
        %add3A_693 = arith.addf %add3A_691, %add3A_692 : vector<16xf32>
        %swap3A_694 = arith.constant 96 : index
        %swap3A_695 = tpu.vector_load %arg22[%swap3A_694] {strides = array<i32>} : memref<256xf32, #tpu.memory_space<vmem>>, vector<16xf32>,
        tpu.vector_store %arg22[%swap3A_694], %add3A_693 {strides = array<i32>} : memref<256xf32, #tpu.memory_space<vmem>>, vector<16xf32>,
        %mul3A_696 = arith.constant 16 : i32
        %mul3A_697 = arith.muli %scan3A_163, %mul3A_696 : i32
        %add3A_698 = arith.constant 8 : i32
        %add3A_699 = arith.addi %mul3A_697, %add3A_698 : i32
        %get3A_700 = arith.index_cast %add3A_699 : i32 to index
        %get3A_701 = arith.constant 0 : index
        %get3A_702 = tpu.vector_load %arg14[%get3A_700, %get3A_701] {strides = array<i32>} : memref<128x128xf32, #tpu.memory_space<vmem>>, vector<16xf32>,
        %get3A_703 = arith.index_cast %add3A_699 : i32 to index
        %get3A_704 = arith.constant 16 : index
        %get3A_705 = tpu.vector_load %arg14[%get3A_703, %get3A_704] {strides = array<i32>} : memref<128x128xf32, #tpu.memory_space<vmem>>, vector<16xf32>,
        %get3A_706 = arith.index_cast %add3A_699 : i32 to index
        %get3A_707 = arith.constant 32 : index
        %get3A_708 = tpu.vector_load %arg14[%get3A_706, %get3A_707] {strides = array<i32>} : memref<128x128xf32, #tpu.memory_space<vmem>>, vector<16xf32>,
        %get3A_709 = arith.index_cast %add3A_699 : i32 to index
        %get3A_710 = arith.constant 48 : index
        %get3A_711 = tpu.vector_load %arg14[%get3A_709, %get3A_710] {strides = array<i32>} : memref<128x128xf32, #tpu.memory_space<vmem>>, vector<16xf32>,
        %get3A_712 = arith.index_cast %add3A_699 : i32 to index
        %get3A_713 = arith.constant 64 : index
        %get3A_714 = tpu.vector_load %arg14[%get3A_712, %get3A_713] {strides = array<i32>} : memref<128x128xf32, #tpu.memory_space<vmem>>, vector<16xf32>,
        %get3A_715 = arith.index_cast %add3A_699 : i32 to index
        %get3A_716 = arith.constant 80 : index
        %get3A_717 = tpu.vector_load %arg14[%get3A_715, %get3A_716] {strides = array<i32>} : memref<128x128xf32, #tpu.memory_space<vmem>>, vector<16xf32>,
        %get3A_718 = arith.index_cast %add3A_699 : i32 to index
        %get3A_719 = arith.constant 96 : index
        %get3A_720 = tpu.vector_load %arg14[%get3A_718, %get3A_719] {strides = array<i32>} : memref<128x128xf32, #tpu.memory_space<vmem>>, vector<16xf32>,
        %get3A_721 = arith.index_cast %add3A_699 : i32 to index
        %get3A_722 = arith.constant 112 : index
        %get3A_723 = tpu.vector_load %arg14[%get3A_721, %get3A_722] {strides = array<i32>} : memref<128x128xf32, #tpu.memory_space<vmem>>, vector<16xf32>,
        %get3A_724 = arith.index_cast %add3A_699 : i32 to index
        %get3A_725 = arith.constant 0 : index
        %get3A_726 = tpu.vector_load %arg16[%get3A_724, %get3A_725] {strides = array<i32>} : memref<128x128xf32, #tpu.memory_space<vmem>>, vector<16xf32>,
        %get3A_727 = arith.index_cast %add3A_699 : i32 to index
        %get3A_728 = arith.constant 16 : index
        %get3A_729 = tpu.vector_load %arg16[%get3A_727, %get3A_728] {strides = array<i32>} : memref<128x128xf32, #tpu.memory_space<vmem>>, vector<16xf32>,
        %get3A_730 = arith.index_cast %add3A_699 : i32 to index
        %get3A_731 = arith.constant 32 : index
        %get3A_732 = tpu.vector_load %arg16[%get3A_730, %get3A_731] {strides = array<i32>} : memref<128x128xf32, #tpu.memory_space<vmem>>, vector<16xf32>,
        %get3A_733 = arith.index_cast %add3A_699 : i32 to index
        %get3A_734 = arith.constant 48 : index
        %get3A_735 = tpu.vector_load %arg16[%get3A_733, %get3A_734] {strides = array<i32>} : memref<128x128xf32, #tpu.memory_space<vmem>>, vector<16xf32>,
        %get3A_736 = arith.index_cast %add3A_699 : i32 to index
        %get3A_737 = arith.constant 64 : index
        %get3A_738 = tpu.vector_load %arg16[%get3A_736, %get3A_737] {strides = array<i32>} : memref<128x128xf32, #tpu.memory_space<vmem>>, vector<16xf32>,
        %get3A_739 = arith.index_cast %add3A_699 : i32 to index
        %get3A_740 = arith.constant 80 : index
        %get3A_741 = tpu.vector_load %arg16[%get3A_739, %get3A_740] {strides = array<i32>} : memref<128x128xf32, #tpu.memory_space<vmem>>, vector<16xf32>,
        %get3A_742 = arith.index_cast %add3A_699 : i32 to index
        %get3A_743 = arith.constant 96 : index
        %get3A_744 = tpu.vector_load %arg16[%get3A_742, %get3A_743] {strides = array<i32>} : memref<128x128xf32, #tpu.memory_space<vmem>>, vector<16xf32>,
        %get3A_745 = arith.index_cast %add3A_699 : i32 to index
        %get3A_746 = arith.constant 112 : index
        %get3A_747 = tpu.vector_load %arg16[%get3A_745, %get3A_746] {strides = array<i32>} : memref<128x128xf32, #tpu.memory_space<vmem>>, vector<16xf32>,
        %mul3A_748 = arith.mulf %get3A_633, %get3A_657 : vector<16xf32>
        %mul3A_749 = arith.mulf %get3A_636, %get3A_660 : vector<16xf32>
        %mul3A_750 = arith.mulf %get3A_639, %get3A_663 : vector<16xf32>
        %mul3A_751 = arith.mulf %get3A_642, %get3A_666 : vector<16xf32>
        %mul3A_752 = arith.mulf %get3A_645, %get3A_669 : vector<16xf32>
        %mul3A_753 = arith.mulf %get3A_648, %get3A_672 : vector<16xf32>
        %mul3A_754 = arith.mulf %get3A_651, %get3A_675 : vector<16xf32>
        %mul3A_755 = arith.mulf %get3A_654, %get3A_678 : vector<16xf32>
        %add3A_756 = arith.addf %mul3A_748, %mul3A_749 : vector<16xf32>
        %add3A_757 = arith.addf %mul3A_750, %mul3A_751 : vector<16xf32>
        %add3A_758 = arith.addf %mul3A_752, %mul3A_753 : vector<16xf32>
        %add3A_759 = arith.addf %mul3A_754, %mul3A_755 : vector<16xf32>
        %add3A_760 = arith.addf %add3A_756, %add3A_757 : vector<16xf32>
        %add3A_761 = arith.addf %add3A_758, %add3A_759 : vector<16xf32>
        %add3A_762 = arith.addf %add3A_760, %add3A_761 : vector<16xf32>
        %swap3A_763 = arith.constant 112 : index
        %swap3A_764 = tpu.vector_load %arg22[%swap3A_763] {strides = array<i32>} : memref<256xf32, #tpu.memory_space<vmem>>, vector<16xf32>,
        tpu.vector_store %arg22[%swap3A_763], %add3A_762 {strides = array<i32>} : memref<256xf32, #tpu.memory_space<vmem>>, vector<16xf32>,
        %mul3A_765 = arith.constant 16 : i32
        %mul3A_766 = arith.muli %scan3A_163, %mul3A_765 : i32
        %add3A_767 = arith.constant 9 : i32
        %add3A_768 = arith.addi %mul3A_766, %add3A_767 : i32
        %get3A_769 = arith.index_cast %add3A_768 : i32 to index
        %get3A_770 = arith.constant 0 : index
        %get3A_771 = tpu.vector_load %arg14[%get3A_769, %get3A_770] {strides = array<i32>} : memref<128x128xf32, #tpu.memory_space<vmem>>, vector<16xf32>,
        %get3A_772 = arith.index_cast %add3A_768 : i32 to index
        %get3A_773 = arith.constant 16 : index
        %get3A_774 = tpu.vector_load %arg14[%get3A_772, %get3A_773] {strides = array<i32>} : memref<128x128xf32, #tpu.memory_space<vmem>>, vector<16xf32>,
        %get3A_775 = arith.index_cast %add3A_768 : i32 to index
        %get3A_776 = arith.constant 32 : index
        %get3A_777 = tpu.vector_load %arg14[%get3A_775, %get3A_776] {strides = array<i32>} : memref<128x128xf32, #tpu.memory_space<vmem>>, vector<16xf32>,
        %get3A_778 = arith.index_cast %add3A_768 : i32 to index
        %get3A_779 = arith.constant 48 : index
        %get3A_780 = tpu.vector_load %arg14[%get3A_778, %get3A_779] {strides = array<i32>} : memref<128x128xf32, #tpu.memory_space<vmem>>, vector<16xf32>,
        %get3A_781 = arith.index_cast %add3A_768 : i32 to index
        %get3A_782 = arith.constant 64 : index
        %get3A_783 = tpu.vector_load %arg14[%get3A_781, %get3A_782] {strides = array<i32>} : memref<128x128xf32, #tpu.memory_space<vmem>>, vector<16xf32>,
        %get3A_784 = arith.index_cast %add3A_768 : i32 to index
        %get3A_785 = arith.constant 80 : index
        %get3A_786 = tpu.vector_load %arg14[%get3A_784, %get3A_785] {strides = array<i32>} : memref<128x128xf32, #tpu.memory_space<vmem>>, vector<16xf32>,
        %get3A_787 = arith.index_cast %add3A_768 : i32 to index
        %get3A_788 = arith.constant 96 : index
        %get3A_789 = tpu.vector_load %arg14[%get3A_787, %get3A_788] {strides = array<i32>} : memref<128x128xf32, #tpu.memory_space<vmem>>, vector<16xf32>,
        %get3A_790 = arith.index_cast %add3A_768 : i32 to index
        %get3A_791 = arith.constant 112 : index
        %get3A_792 = tpu.vector_load %arg14[%get3A_790, %get3A_791] {strides = array<i32>} : memref<128x128xf32, #tpu.memory_space<vmem>>, vector<16xf32>,
        %get3A_793 = arith.index_cast %add3A_768 : i32 to index
        %get3A_794 = arith.constant 0 : index
        %get3A_795 = tpu.vector_load %arg16[%get3A_793, %get3A_794] {strides = array<i32>} : memref<128x128xf32, #tpu.memory_space<vmem>>, vector<16xf32>,
        %get3A_796 = arith.index_cast %add3A_768 : i32 to index
        %get3A_797 = arith.constant 16 : index
        %get3A_798 = tpu.vector_load %arg16[%get3A_796, %get3A_797] {strides = array<i32>} : memref<128x128xf32, #tpu.memory_space<vmem>>, vector<16xf32>,
        %get3A_799 = arith.index_cast %add3A_768 : i32 to index
        %get3A_800 = arith.constant 32 : index
        %get3A_801 = tpu.vector_load %arg16[%get3A_799, %get3A_800] {strides = array<i32>} : memref<128x128xf32, #tpu.memory_space<vmem>>, vector<16xf32>,
        %get3A_802 = arith.index_cast %add3A_768 : i32 to index
        %get3A_803 = arith.constant 48 : index
        %get3A_804 = tpu.vector_load %arg16[%get3A_802, %get3A_803] {strides = array<i32>} : memref<128x128xf32, #tpu.memory_space<vmem>>, vector<16xf32>,
        %get3A_805 = arith.index_cast %add3A_768 : i32 to index
        %get3A_806 = arith.constant 64 : index
        %get3A_807 = tpu.vector_load %arg16[%get3A_805, %get3A_806] {strides = array<i32>} : memref<128x128xf32, #tpu.memory_space<vmem>>, vector<16xf32>,
        %get3A_808 = arith.index_cast %add3A_768 : i32 to index
        %get3A_809 = arith.constant 80 : index
        %get3A_810 = tpu.vector_load %arg16[%get3A_808, %get3A_809] {strides = array<i32>} : memref<128x128xf32, #tpu.memory_space<vmem>>, vector<16xf32>,
        %get3A_811 = arith.index_cast %add3A_768 : i32 to index
        %get3A_812 = arith.constant 96 : index
        %get3A_813 = tpu.vector_load %arg16[%get3A_811, %get3A_812] {strides = array<i32>} : memref<128x128xf32, #tpu.memory_space<vmem>>, vector<16xf32>,
        %get3A_814 = arith.index_cast %add3A_768 : i32 to index
        %get3A_815 = arith.constant 112 : index
        %get3A_816 = tpu.vector_load %arg16[%get3A_814, %get3A_815] {strides = array<i32>} : memref<128x128xf32, #tpu.memory_space<vmem>>, vector<16xf32>,
        %mul3A_817 = arith.mulf %get3A_702, %get3A_726 : vector<16xf32>
        %mul3A_818 = arith.mulf %get3A_705, %get3A_729 : vector<16xf32>
        %mul3A_819 = arith.mulf %get3A_708, %get3A_732 : vector<16xf32>
        %mul3A_820 = arith.mulf %get3A_711, %get3A_735 : vector<16xf32>
        %mul3A_821 = arith.mulf %get3A_714, %get3A_738 : vector<16xf32>
        %mul3A_822 = arith.mulf %get3A_717, %get3A_741 : vector<16xf32>
        %mul3A_823 = arith.mulf %get3A_720, %get3A_744 : vector<16xf32>
        %mul3A_824 = arith.mulf %get3A_723, %get3A_747 : vector<16xf32>
        %add3A_825 = arith.addf %mul3A_817, %mul3A_818 : vector<16xf32>
        %add3A_826 = arith.addf %mul3A_819, %mul3A_820 : vector<16xf32>
        %add3A_827 = arith.addf %mul3A_821, %mul3A_822 : vector<16xf32>
        %add3A_828 = arith.addf %mul3A_823, %mul3A_824 : vector<16xf32>
        %add3A_829 = arith.addf %add3A_825, %add3A_826 : vector<16xf32>
        %add3A_830 = arith.addf %add3A_827, %add3A_828 : vector<16xf32>
        %add3A_831 = arith.addf %add3A_829, %add3A_830 : vector<16xf32>
        %swap3A_832 = arith.constant 128 : index
        %swap3A_833 = tpu.vector_load %arg22[%swap3A_832] {strides = array<i32>} : memref<256xf32, #tpu.memory_space<vmem>>, vector<16xf32>,
        tpu.vector_store %arg22[%swap3A_832], %add3A_831 {strides = array<i32>} : memref<256xf32, #tpu.memory_space<vmem>>, vector<16xf32>,
        %mul3A_834 = arith.constant 16 : i32
        %mul3A_835 = arith.muli %scan3A_163, %mul3A_834 : i32
        %add3A_836 = arith.constant 10 : i32
        %add3A_837 = arith.addi %mul3A_835, %add3A_836 : i32
        %get3A_838 = arith.index_cast %add3A_837 : i32 to index
        %get3A_839 = arith.constant 0 : index
        %get3A_840 = tpu.vector_load %arg14[%get3A_838, %get3A_839] {strides = array<i32>} : memref<128x128xf32, #tpu.memory_space<vmem>>, vector<16xf32>,
        %get3A_841 = arith.index_cast %add3A_837 : i32 to index
        %get3A_842 = arith.constant 16 : index
        %get3A_843 = tpu.vector_load %arg14[%get3A_841, %get3A_842] {strides = array<i32>} : memref<128x128xf32, #tpu.memory_space<vmem>>, vector<16xf32>,
        %get3A_844 = arith.index_cast %add3A_837 : i32 to index
        %get3A_845 = arith.constant 32 : index
        %get3A_846 = tpu.vector_load %arg14[%get3A_844, %get3A_845] {strides = array<i32>} : memref<128x128xf32, #tpu.memory_space<vmem>>, vector<16xf32>,
        %get3A_847 = arith.index_cast %add3A_837 : i32 to index
        %get3A_848 = arith.constant 48 : index
        %get3A_849 = tpu.vector_load %arg14[%get3A_847, %get3A_848] {strides = array<i32>} : memref<128x128xf32, #tpu.memory_space<vmem>>, vector<16xf32>,
        %get3A_850 = arith.index_cast %add3A_837 : i32 to index
        %get3A_851 = arith.constant 64 : index
        %get3A_852 = tpu.vector_load %arg14[%get3A_850, %get3A_851] {strides = array<i32>} : memref<128x128xf32, #tpu.memory_space<vmem>>, vector<16xf32>,
        %get3A_853 = arith.index_cast %add3A_837 : i32 to index
        %get3A_854 = arith.constant 80 : index
        %get3A_855 = tpu.vector_load %arg14[%get3A_853, %get3A_854] {strides = array<i32>} : memref<128x128xf32, #tpu.memory_space<vmem>>, vector<16xf32>,
        %get3A_856 = arith.index_cast %add3A_837 : i32 to index
        %get3A_857 = arith.constant 96 : index
        %get3A_858 = tpu.vector_load %arg14[%get3A_856, %get3A_857] {strides = array<i32>} : memref<128x128xf32, #tpu.memory_space<vmem>>, vector<16xf32>,
        %get3A_859 = arith.index_cast %add3A_837 : i32 to index
        %get3A_860 = arith.constant 112 : index
        %get3A_861 = tpu.vector_load %arg14[%get3A_859, %get3A_860] {strides = array<i32>} : memref<128x128xf32, #tpu.memory_space<vmem>>, vector<16xf32>,
        %get3A_862 = arith.index_cast %add3A_837 : i32 to index
        %get3A_863 = arith.constant 0 : index
        %get3A_864 = tpu.vector_load %arg16[%get3A_862, %get3A_863] {strides = array<i32>} : memref<128x128xf32, #tpu.memory_space<vmem>>, vector<16xf32>,
        %get3A_865 = arith.index_cast %add3A_837 : i32 to index
        %get3A_866 = arith.constant 16 : index
        %get3A_867 = tpu.vector_load %arg16[%get3A_865, %get3A_866] {strides = array<i32>} : memref<128x128xf32, #tpu.memory_space<vmem>>, vector<16xf32>,
        %get3A_868 = arith.index_cast %add3A_837 : i32 to index
        %get3A_869 = arith.constant 32 : index
        %get3A_870 = tpu.vector_load %arg16[%get3A_868, %get3A_869] {strides = array<i32>} : memref<128x128xf32, #tpu.memory_space<vmem>>, vector<16xf32>,
        %get3A_871 = arith.index_cast %add3A_837 : i32 to index
        %get3A_872 = arith.constant 48 : index
        %get3A_873 = tpu.vector_load %arg16[%get3A_871, %get3A_872] {strides = array<i32>} : memref<128x128xf32, #tpu.memory_space<vmem>>, vector<16xf32>,
        %get3A_874 = arith.index_cast %add3A_837 : i32 to index
        %get3A_875 = arith.constant 64 : index
        %get3A_876 = tpu.vector_load %arg16[%get3A_874, %get3A_875] {strides = array<i32>} : memref<128x128xf32, #tpu.memory_space<vmem>>, vector<16xf32>,
        %get3A_877 = arith.index_cast %add3A_837 : i32 to index
        %get3A_878 = arith.constant 80 : index
        %get3A_879 = tpu.vector_load %arg16[%get3A_877, %get3A_878] {strides = array<i32>} : memref<128x128xf32, #tpu.memory_space<vmem>>, vector<16xf32>,
        %get3A_880 = arith.index_cast %add3A_837 : i32 to index
        %get3A_881 = arith.constant 96 : index
        %get3A_882 = tpu.vector_load %arg16[%get3A_880, %get3A_881] {strides = array<i32>} : memref<128x128xf32, #tpu.memory_space<vmem>>, vector<16xf32>,
        %get3A_883 = arith.index_cast %add3A_837 : i32 to index
        %get3A_884 = arith.constant 112 : index
        %get3A_885 = tpu.vector_load %arg16[%get3A_883, %get3A_884] {strides = array<i32>} : memref<128x128xf32, #tpu.memory_space<vmem>>, vector<16xf32>,
        %mul3A_886 = arith.mulf %get3A_771, %get3A_795 : vector<16xf32>
        %mul3A_887 = arith.mulf %get3A_774, %get3A_798 : vector<16xf32>
        %mul3A_888 = arith.mulf %get3A_777, %get3A_801 : vector<16xf32>
        %mul3A_889 = arith.mulf %get3A_780, %get3A_804 : vector<16xf32>
        %mul3A_890 = arith.mulf %get3A_783, %get3A_807 : vector<16xf32>
        %mul3A_891 = arith.mulf %get3A_786, %get3A_810 : vector<16xf32>
        %mul3A_892 = arith.mulf %get3A_789, %get3A_813 : vector<16xf32>
        %mul3A_893 = arith.mulf %get3A_792, %get3A_816 : vector<16xf32>
        %add3A_894 = arith.addf %mul3A_886, %mul3A_887 : vector<16xf32>
        %add3A_895 = arith.addf %mul3A_888, %mul3A_889 : vector<16xf32>
        %add3A_896 = arith.addf %mul3A_890, %mul3A_891 : vector<16xf32>
        %add3A_897 = arith.addf %mul3A_892, %mul3A_893 : vector<16xf32>
        %add3A_898 = arith.addf %add3A_894, %add3A_895 : vector<16xf32>
        %add3A_899 = arith.addf %add3A_896, %add3A_897 : vector<16xf32>
        %add3A_900 = arith.addf %add3A_898, %add3A_899 : vector<16xf32>
        %swap3A_901 = arith.constant 144 : index
        %swap3A_902 = tpu.vector_load %arg22[%swap3A_901] {strides = array<i32>} : memref<256xf32, #tpu.memory_space<vmem>>, vector<16xf32>,
        tpu.vector_store %arg22[%swap3A_901], %add3A_900 {strides = array<i32>} : memref<256xf32, #tpu.memory_space<vmem>>, vector<16xf32>,
        %mul3A_903 = arith.constant 16 : i32
        %mul3A_904 = arith.muli %scan3A_163, %mul3A_903 : i32
        %add3A_905 = arith.constant 11 : i32
        %add3A_906 = arith.addi %mul3A_904, %add3A_905 : i32
        %get3A_907 = arith.index_cast %add3A_906 : i32 to index
        %get3A_908 = arith.constant 0 : index
        %get3A_909 = tpu.vector_load %arg14[%get3A_907, %get3A_908] {strides = array<i32>} : memref<128x128xf32, #tpu.memory_space<vmem>>, vector<16xf32>,
        %get3A_910 = arith.index_cast %add3A_906 : i32 to index
        %get3A_911 = arith.constant 16 : index
        %get3A_912 = tpu.vector_load %arg14[%get3A_910, %get3A_911] {strides = array<i32>} : memref<128x128xf32, #tpu.memory_space<vmem>>, vector<16xf32>,
        %get3A_913 = arith.index_cast %add3A_906 : i32 to index
        %get3A_914 = arith.constant 32 : index
        %get3A_915 = tpu.vector_load %arg14[%get3A_913, %get3A_914] {strides = array<i32>} : memref<128x128xf32, #tpu.memory_space<vmem>>, vector<16xf32>,
        %get3A_916 = arith.index_cast %add3A_906 : i32 to index
        %get3A_917 = arith.constant 48 : index
        %get3A_918 = tpu.vector_load %arg14[%get3A_916, %get3A_917] {strides = array<i32>} : memref<128x128xf32, #tpu.memory_space<vmem>>, vector<16xf32>,
        %get3A_919 = arith.index_cast %add3A_906 : i32 to index
        %get3A_920 = arith.constant 64 : index
        %get3A_921 = tpu.vector_load %arg14[%get3A_919, %get3A_920] {strides = array<i32>} : memref<128x128xf32, #tpu.memory_space<vmem>>, vector<16xf32>,
        %get3A_922 = arith.index_cast %add3A_906 : i32 to index
        %get3A_923 = arith.constant 80 : index
        %get3A_924 = tpu.vector_load %arg14[%get3A_922, %get3A_923] {strides = array<i32>} : memref<128x128xf32, #tpu.memory_space<vmem>>, vector<16xf32>,
        %get3A_925 = arith.index_cast %add3A_906 : i32 to index
        %get3A_926 = arith.constant 96 : index
        %get3A_927 = tpu.vector_load %arg14[%get3A_925, %get3A_926] {strides = array<i32>} : memref<128x128xf32, #tpu.memory_space<vmem>>, vector<16xf32>,
        %get3A_928 = arith.index_cast %add3A_906 : i32 to index
        %get3A_929 = arith.constant 112 : index
        %get3A_930 = tpu.vector_load %arg14[%get3A_928, %get3A_929] {strides = array<i32>} : memref<128x128xf32, #tpu.memory_space<vmem>>, vector<16xf32>,
        %get3A_931 = arith.index_cast %add3A_906 : i32 to index
        %get3A_932 = arith.constant 0 : index
        %get3A_933 = tpu.vector_load %arg16[%get3A_931, %get3A_932] {strides = array<i32>} : memref<128x128xf32, #tpu.memory_space<vmem>>, vector<16xf32>,
        %get3A_934 = arith.index_cast %add3A_906 : i32 to index
        %get3A_935 = arith.constant 16 : index
        %get3A_936 = tpu.vector_load %arg16[%get3A_934, %get3A_935] {strides = array<i32>} : memref<128x128xf32, #tpu.memory_space<vmem>>, vector<16xf32>,
        %get3A_937 = arith.index_cast %add3A_906 : i32 to index
        %get3A_938 = arith.constant 32 : index
        %get3A_939 = tpu.vector_load %arg16[%get3A_937, %get3A_938] {strides = array<i32>} : memref<128x128xf32, #tpu.memory_space<vmem>>, vector<16xf32>,
        %get3A_940 = arith.index_cast %add3A_906 : i32 to index
        %get3A_941 = arith.constant 48 : index
        %get3A_942 = tpu.vector_load %arg16[%get3A_940, %get3A_941] {strides = array<i32>} : memref<128x128xf32, #tpu.memory_space<vmem>>, vector<16xf32>,
        %get3A_943 = arith.index_cast %add3A_906 : i32 to index
        %get3A_944 = arith.constant 64 : index
        %get3A_945 = tpu.vector_load %arg16[%get3A_943, %get3A_944] {strides = array<i32>} : memref<128x128xf32, #tpu.memory_space<vmem>>, vector<16xf32>,
        %get3A_946 = arith.index_cast %add3A_906 : i32 to index
        %get3A_947 = arith.constant 80 : index
        %get3A_948 = tpu.vector_load %arg16[%get3A_946, %get3A_947] {strides = array<i32>} : memref<128x128xf32, #tpu.memory_space<vmem>>, vector<16xf32>,
        %get3A_949 = arith.index_cast %add3A_906 : i32 to index
        %get3A_950 = arith.constant 96 : index
        %get3A_951 = tpu.vector_load %arg16[%get3A_949, %get3A_950] {strides = array<i32>} : memref<128x128xf32, #tpu.memory_space<vmem>>, vector<16xf32>,
        %get3A_952 = arith.index_cast %add3A_906 : i32 to index
        %get3A_953 = arith.constant 112 : index
        %get3A_954 = tpu.vector_load %arg16[%get3A_952, %get3A_953] {strides = array<i32>} : memref<128x128xf32, #tpu.memory_space<vmem>>, vector<16xf32>,
        %mul3A_955 = arith.mulf %get3A_840, %get3A_864 : vector<16xf32>
        %mul3A_956 = arith.mulf %get3A_843, %get3A_867 : vector<16xf32>
        %mul3A_957 = arith.mulf %get3A_846, %get3A_870 : vector<16xf32>
        %mul3A_958 = arith.mulf %get3A_849, %get3A_873 : vector<16xf32>
        %mul3A_959 = arith.mulf %get3A_852, %get3A_876 : vector<16xf32>
        %mul3A_960 = arith.mulf %get3A_855, %get3A_879 : vector<16xf32>
        %mul3A_961 = arith.mulf %get3A_858, %get3A_882 : vector<16xf32>
        %mul3A_962 = arith.mulf %get3A_861, %get3A_885 : vector<16xf32>
        %add3A_963 = arith.addf %mul3A_955, %mul3A_956 : vector<16xf32>
        %add3A_964 = arith.addf %mul3A_957, %mul3A_958 : vector<16xf32>
        %add3A_965 = arith.addf %mul3A_959, %mul3A_960 : vector<16xf32>
        %add3A_966 = arith.addf %mul3A_961, %mul3A_962 : vector<16xf32>
        %add3A_967 = arith.addf %add3A_963, %add3A_964 : vector<16xf32>
        %add3A_968 = arith.addf %add3A_965, %add3A_966 : vector<16xf32>
        %add3A_969 = arith.addf %add3A_967, %add3A_968 : vector<16xf32>
        %swap3A_970 = arith.constant 160 : index
        %swap3A_971 = tpu.vector_load %arg22[%swap3A_970] {strides = array<i32>} : memref<256xf32, #tpu.memory_space<vmem>>, vector<16xf32>,
        tpu.vector_store %arg22[%swap3A_970], %add3A_969 {strides = array<i32>} : memref<256xf32, #tpu.memory_space<vmem>>, vector<16xf32>,
        %mul3A_972 = arith.constant 16 : i32
        %mul3A_973 = arith.muli %scan3A_163, %mul3A_972 : i32
        %add3A_974 = arith.constant 12 : i32
        %add3A_975 = arith.addi %mul3A_973, %add3A_974 : i32
        %get3A_976 = arith.index_cast %add3A_975 : i32 to index
        %get3A_977 = arith.constant 0 : index
        %get3A_978 = tpu.vector_load %arg14[%get3A_976, %get3A_977] {strides = array<i32>} : memref<128x128xf32, #tpu.memory_space<vmem>>, vector<16xf32>,
        %get3A_979 = arith.index_cast %add3A_975 : i32 to index
        %get3A_980 = arith.constant 16 : index
        %get3A_981 = tpu.vector_load %arg14[%get3A_979, %get3A_980] {strides = array<i32>} : memref<128x128xf32, #tpu.memory_space<vmem>>, vector<16xf32>,
        %get3A_982 = arith.index_cast %add3A_975 : i32 to index
        %get3A_983 = arith.constant 32 : index
        %get3A_984 = tpu.vector_load %arg14[%get3A_982, %get3A_983] {strides = array<i32>} : memref<128x128xf32, #tpu.memory_space<vmem>>, vector<16xf32>,
        %get3A_985 = arith.index_cast %add3A_975 : i32 to index
        %get3A_986 = arith.constant 48 : index
        %get3A_987 = tpu.vector_load %arg14[%get3A_985, %get3A_986] {strides = array<i32>} : memref<128x128xf32, #tpu.memory_space<vmem>>, vector<16xf32>,
        %get3A_988 = arith.index_cast %add3A_975 : i32 to index
        %get3A_989 = arith.constant 64 : index
        %get3A_990 = tpu.vector_load %arg14[%get3A_988, %get3A_989] {strides = array<i32>} : memref<128x128xf32, #tpu.memory_space<vmem>>, vector<16xf32>,
        %get3A_991 = arith.index_cast %add3A_975 : i32 to index
        %get3A_992 = arith.constant 80 : index
        %get3A_993 = tpu.vector_load %arg14[%get3A_991, %get3A_992] {strides = array<i32>} : memref<128x128xf32, #tpu.memory_space<vmem>>, vector<16xf32>,
        %get3A_994 = arith.index_cast %add3A_975 : i32 to index
        %get3A_995 = arith.constant 96 : index
        %get3A_996 = tpu.vector_load %arg14[%get3A_994, %get3A_995] {strides = array<i32>} : memref<128x128xf32, #tpu.memory_space<vmem>>, vector<16xf32>,
        %get3A_997 = arith.index_cast %add3A_975 : i32 to index
        %get3A_998 = arith.constant 112 : index
        %get3A_999 = tpu.vector_load %arg14[%get3A_997, %get3A_998] {strides = array<i32>} : memref<128x128xf32, #tpu.memory_space<vmem>>, vector<16xf32>,
        %get3A_1000 = arith.index_cast %add3A_975 : i32 to index
        %get3A_1001 = arith.constant 0 : index
        %get3A_1002 = tpu.vector_load %arg16[%get3A_1000, %get3A_1001] {strides = array<i32>} : memref<128x128xf32, #tpu.memory_space<vmem>>, vector<16xf32>,
        %get3A_1003 = arith.index_cast %add3A_975 : i32 to index
        %get3A_1004 = arith.constant 16 : index
        %get3A_1005 = tpu.vector_load %arg16[%get3A_1003, %get3A_1004] {strides = array<i32>} : memref<128x128xf32, #tpu.memory_space<vmem>>, vector<16xf32>,
        %get3A_1006 = arith.index_cast %add3A_975 : i32 to index
        %get3A_1007 = arith.constant 32 : index
        %get3A_1008 = tpu.vector_load %arg16[%get3A_1006, %get3A_1007] {strides = array<i32>} : memref<128x128xf32, #tpu.memory_space<vmem>>, vector<16xf32>,
        %get3A_1009 = arith.index_cast %add3A_975 : i32 to index
        %get3A_1010 = arith.constant 48 : index
        %get3A_1011 = tpu.vector_load %arg16[%get3A_1009, %get3A_1010] {strides = array<i32>} : memref<128x128xf32, #tpu.memory_space<vmem>>, vector<16xf32>,
        %get3A_1012 = arith.index_cast %add3A_975 : i32 to index
        %get3A_1013 = arith.constant 64 : index
        %get3A_1014 = tpu.vector_load %arg16[%get3A_1012, %get3A_1013] {strides = array<i32>} : memref<128x128xf32, #tpu.memory_space<vmem>>, vector<16xf32>,
        %get3A_1015 = arith.index_cast %add3A_975 : i32 to index
        %get3A_1016 = arith.constant 80 : index
        %get3A_1017 = tpu.vector_load %arg16[%get3A_1015, %get3A_1016] {strides = array<i32>} : memref<128x128xf32, #tpu.memory_space<vmem>>, vector<16xf32>,
        %get3A_1018 = arith.index_cast %add3A_975 : i32 to index
        %get3A_1019 = arith.constant 96 : index
        %get3A_1020 = tpu.vector_load %arg16[%get3A_1018, %get3A_1019] {strides = array<i32>} : memref<128x128xf32, #tpu.memory_space<vmem>>, vector<16xf32>,
        %get3A_1021 = arith.index_cast %add3A_975 : i32 to index
        %get3A_1022 = arith.constant 112 : index
        %get3A_1023 = tpu.vector_load %arg16[%get3A_1021, %get3A_1022] {strides = array<i32>} : memref<128x128xf32, #tpu.memory_space<vmem>>, vector<16xf32>,
        %mul3A_1024 = arith.mulf %get3A_909, %get3A_933 : vector<16xf32>
        %mul3A_1025 = arith.mulf %get3A_912, %get3A_936 : vector<16xf32>
        %mul3A_1026 = arith.mulf %get3A_915, %get3A_939 : vector<16xf32>
        %mul3A_1027 = arith.mulf %get3A_918, %get3A_942 : vector<16xf32>
        %mul3A_1028 = arith.mulf %get3A_921, %get3A_945 : vector<16xf32>
        %mul3A_1029 = arith.mulf %get3A_924, %get3A_948 : vector<16xf32>
        %mul3A_1030 = arith.mulf %get3A_927, %get3A_951 : vector<16xf32>
        %mul3A_1031 = arith.mulf %get3A_930, %get3A_954 : vector<16xf32>
        %add3A_1032 = arith.addf %mul3A_1024, %mul3A_1025 : vector<16xf32>
        %add3A_1033 = arith.addf %mul3A_1026, %mul3A_1027 : vector<16xf32>
        %add3A_1034 = arith.addf %mul3A_1028, %mul3A_1029 : vector<16xf32>
        %add3A_1035 = arith.addf %mul3A_1030, %mul3A_1031 : vector<16xf32>
        %add3A_1036 = arith.addf %add3A_1032, %add3A_1033 : vector<16xf32>
        %add3A_1037 = arith.addf %add3A_1034, %add3A_1035 : vector<16xf32>
        %add3A_1038 = arith.addf %add3A_1036, %add3A_1037 : vector<16xf32>
        %swap3A_1039 = arith.constant 176 : index
        %swap3A_1040 = tpu.vector_load %arg22[%swap3A_1039] {strides = array<i32>} : memref<256xf32, #tpu.memory_space<vmem>>, vector<16xf32>,
        tpu.vector_store %arg22[%swap3A_1039], %add3A_1038 {strides = array<i32>} : memref<256xf32, #tpu.memory_space<vmem>>, vector<16xf32>,
        %mul3A_1041 = arith.constant 16 : i32
        %mul3A_1042 = arith.muli %scan3A_163, %mul3A_1041 : i32
        %add3A_1043 = arith.constant 13 : i32
        %add3A_1044 = arith.addi %mul3A_1042, %add3A_1043 : i32
        %get3A_1045 = arith.index_cast %add3A_1044 : i32 to index
        %get3A_1046 = arith.constant 0 : index
        %get3A_1047 = tpu.vector_load %arg14[%get3A_1045, %get3A_1046] {strides = array<i32>} : memref<128x128xf32, #tpu.memory_space<vmem>>, vector<16xf32>,
        %get3A_1048 = arith.index_cast %add3A_1044 : i32 to index
        %get3A_1049 = arith.constant 16 : index
        %get3A_1050 = tpu.vector_load %arg14[%get3A_1048, %get3A_1049] {strides = array<i32>} : memref<128x128xf32, #tpu.memory_space<vmem>>, vector<16xf32>,
        %get3A_1051 = arith.index_cast %add3A_1044 : i32 to index
        %get3A_1052 = arith.constant 32 : index
        %get3A_1053 = tpu.vector_load %arg14[%get3A_1051, %get3A_1052] {strides = array<i32>} : memref<128x128xf32, #tpu.memory_space<vmem>>, vector<16xf32>,
        %get3A_1054 = arith.index_cast %add3A_1044 : i32 to index
        %get3A_1055 = arith.constant 48 : index
        %get3A_1056 = tpu.vector_load %arg14[%get3A_1054, %get3A_1055] {strides = array<i32>} : memref<128x128xf32, #tpu.memory_space<vmem>>, vector<16xf32>,
        %get3A_1057 = arith.index_cast %add3A_1044 : i32 to index
        %get3A_1058 = arith.constant 64 : index
        %get3A_1059 = tpu.vector_load %arg14[%get3A_1057, %get3A_1058] {strides = array<i32>} : memref<128x128xf32, #tpu.memory_space<vmem>>, vector<16xf32>,
        %get3A_1060 = arith.index_cast %add3A_1044 : i32 to index
        %get3A_1061 = arith.constant 80 : index
        %get3A_1062 = tpu.vector_load %arg14[%get3A_1060, %get3A_1061] {strides = array<i32>} : memref<128x128xf32, #tpu.memory_space<vmem>>, vector<16xf32>,
        %get3A_1063 = arith.index_cast %add3A_1044 : i32 to index
        %get3A_1064 = arith.constant 96 : index
        %get3A_1065 = tpu.vector_load %arg14[%get3A_1063, %get3A_1064] {strides = array<i32>} : memref<128x128xf32, #tpu.memory_space<vmem>>, vector<16xf32>,
        %get3A_1066 = arith.index_cast %add3A_1044 : i32 to index
        %get3A_1067 = arith.constant 112 : index
        %get3A_1068 = tpu.vector_load %arg14[%get3A_1066, %get3A_1067] {strides = array<i32>} : memref<128x128xf32, #tpu.memory_space<vmem>>, vector<16xf32>,
        %get3A_1069 = arith.index_cast %add3A_1044 : i32 to index
        %get3A_1070 = arith.constant 0 : index
        %get3A_1071 = tpu.vector_load %arg16[%get3A_1069, %get3A_1070] {strides = array<i32>} : memref<128x128xf32, #tpu.memory_space<vmem>>, vector<16xf32>,
        %get3A_1072 = arith.index_cast %add3A_1044 : i32 to index
        %get3A_1073 = arith.constant 16 : index
        %get3A_1074 = tpu.vector_load %arg16[%get3A_1072, %get3A_1073] {strides = array<i32>} : memref<128x128xf32, #tpu.memory_space<vmem>>, vector<16xf32>,
        %get3A_1075 = arith.index_cast %add3A_1044 : i32 to index
        %get3A_1076 = arith.constant 32 : index
        %get3A_1077 = tpu.vector_load %arg16[%get3A_1075, %get3A_1076] {strides = array<i32>} : memref<128x128xf32, #tpu.memory_space<vmem>>, vector<16xf32>,
        %get3A_1078 = arith.index_cast %add3A_1044 : i32 to index
        %get3A_1079 = arith.constant 48 : index
        %get3A_1080 = tpu.vector_load %arg16[%get3A_1078, %get3A_1079] {strides = array<i32>} : memref<128x128xf32, #tpu.memory_space<vmem>>, vector<16xf32>,
        %get3A_1081 = arith.index_cast %add3A_1044 : i32 to index
        %get3A_1082 = arith.constant 64 : index
        %get3A_1083 = tpu.vector_load %arg16[%get3A_1081, %get3A_1082] {strides = array<i32>} : memref<128x128xf32, #tpu.memory_space<vmem>>, vector<16xf32>,
        %get3A_1084 = arith.index_cast %add3A_1044 : i32 to index
        %get3A_1085 = arith.constant 80 : index
        %get3A_1086 = tpu.vector_load %arg16[%get3A_1084, %get3A_1085] {strides = array<i32>} : memref<128x128xf32, #tpu.memory_space<vmem>>, vector<16xf32>,
        %get3A_1087 = arith.index_cast %add3A_1044 : i32 to index
        %get3A_1088 = arith.constant 96 : index
        %get3A_1089 = tpu.vector_load %arg16[%get3A_1087, %get3A_1088] {strides = array<i32>} : memref<128x128xf32, #tpu.memory_space<vmem>>, vector<16xf32>,
        %get3A_1090 = arith.index_cast %add3A_1044 : i32 to index
        %get3A_1091 = arith.constant 112 : index
        %get3A_1092 = tpu.vector_load %arg16[%get3A_1090, %get3A_1091] {strides = array<i32>} : memref<128x128xf32, #tpu.memory_space<vmem>>, vector<16xf32>,
        %mul3A_1093 = arith.mulf %get3A_978, %get3A_1002 : vector<16xf32>
        %mul3A_1094 = arith.mulf %get3A_981, %get3A_1005 : vector<16xf32>
        %mul3A_1095 = arith.mulf %get3A_984, %get3A_1008 : vector<16xf32>
        %mul3A_1096 = arith.mulf %get3A_987, %get3A_1011 : vector<16xf32>
        %mul3A_1097 = arith.mulf %get3A_990, %get3A_1014 : vector<16xf32>
        %mul3A_1098 = arith.mulf %get3A_993, %get3A_1017 : vector<16xf32>
        %mul3A_1099 = arith.mulf %get3A_996, %get3A_1020 : vector<16xf32>
        %mul3A_1100 = arith.mulf %get3A_999, %get3A_1023 : vector<16xf32>
        %add3A_1101 = arith.addf %mul3A_1093, %mul3A_1094 : vector<16xf32>
        %add3A_1102 = arith.addf %mul3A_1095, %mul3A_1096 : vector<16xf32>
        %add3A_1103 = arith.addf %mul3A_1097, %mul3A_1098 : vector<16xf32>
        %add3A_1104 = arith.addf %mul3A_1099, %mul3A_1100 : vector<16xf32>
        %add3A_1105 = arith.addf %add3A_1101, %add3A_1102 : vector<16xf32>
        %add3A_1106 = arith.addf %add3A_1103, %add3A_1104 : vector<16xf32>
        %add3A_1107 = arith.addf %add3A_1105, %add3A_1106 : vector<16xf32>
        %swap3A_1108 = arith.constant 192 : index
        %swap3A_1109 = tpu.vector_load %arg22[%swap3A_1108] {strides = array<i32>} : memref<256xf32, #tpu.memory_space<vmem>>, vector<16xf32>,
        tpu.vector_store %arg22[%swap3A_1108], %add3A_1107 {strides = array<i32>} : memref<256xf32, #tpu.memory_space<vmem>>, vector<16xf32>,
        %mul3A_1110 = arith.constant 16 : i32
        %mul3A_1111 = arith.muli %scan3A_163, %mul3A_1110 : i32
        %add3A_1112 = arith.constant 14 : i32
        %add3A_1113 = arith.addi %mul3A_1111, %add3A_1112 : i32
        %get3A_1114 = arith.index_cast %add3A_1113 : i32 to index
        %get3A_1115 = arith.constant 0 : index
        %get3A_1116 = tpu.vector_load %arg14[%get3A_1114, %get3A_1115] {strides = array<i32>} : memref<128x128xf32, #tpu.memory_space<vmem>>, vector<16xf32>,
        %get3A_1117 = arith.index_cast %add3A_1113 : i32 to index
        %get3A_1118 = arith.constant 16 : index
        %get3A_1119 = tpu.vector_load %arg14[%get3A_1117, %get3A_1118] {strides = array<i32>} : memref<128x128xf32, #tpu.memory_space<vmem>>, vector<16xf32>,
        %get3A_1120 = arith.index_cast %add3A_1113 : i32 to index
        %get3A_1121 = arith.constant 32 : index
        %get3A_1122 = tpu.vector_load %arg14[%get3A_1120, %get3A_1121] {strides = array<i32>} : memref<128x128xf32, #tpu.memory_space<vmem>>, vector<16xf32>,
        %get3A_1123 = arith.index_cast %add3A_1113 : i32 to index
        %get3A_1124 = arith.constant 48 : index
        %get3A_1125 = tpu.vector_load %arg14[%get3A_1123, %get3A_1124] {strides = array<i32>} : memref<128x128xf32, #tpu.memory_space<vmem>>, vector<16xf32>,
        %get3A_1126 = arith.index_cast %add3A_1113 : i32 to index
        %get3A_1127 = arith.constant 64 : index
        %get3A_1128 = tpu.vector_load %arg14[%get3A_1126, %get3A_1127] {strides = array<i32>} : memref<128x128xf32, #tpu.memory_space<vmem>>, vector<16xf32>,
        %get3A_1129 = arith.index_cast %add3A_1113 : i32 to index
        %get3A_1130 = arith.constant 80 : index
        %get3A_1131 = tpu.vector_load %arg14[%get3A_1129, %get3A_1130] {strides = array<i32>} : memref<128x128xf32, #tpu.memory_space<vmem>>, vector<16xf32>,
        %get3A_1132 = arith.index_cast %add3A_1113 : i32 to index
        %get3A_1133 = arith.constant 96 : index
        %get3A_1134 = tpu.vector_load %arg14[%get3A_1132, %get3A_1133] {strides = array<i32>} : memref<128x128xf32, #tpu.memory_space<vmem>>, vector<16xf32>,
        %get3A_1135 = arith.index_cast %add3A_1113 : i32 to index
        %get3A_1136 = arith.constant 112 : index
        %get3A_1137 = tpu.vector_load %arg14[%get3A_1135, %get3A_1136] {strides = array<i32>} : memref<128x128xf32, #tpu.memory_space<vmem>>, vector<16xf32>,
        %get3A_1138 = arith.index_cast %add3A_1113 : i32 to index
        %get3A_1139 = arith.constant 0 : index
        %get3A_1140 = tpu.vector_load %arg16[%get3A_1138, %get3A_1139] {strides = array<i32>} : memref<128x128xf32, #tpu.memory_space<vmem>>, vector<16xf32>,
        %get3A_1141 = arith.index_cast %add3A_1113 : i32 to index
        %get3A_1142 = arith.constant 16 : index
        %get3A_1143 = tpu.vector_load %arg16[%get3A_1141, %get3A_1142] {strides = array<i32>} : memref<128x128xf32, #tpu.memory_space<vmem>>, vector<16xf32>,
        %get3A_1144 = arith.index_cast %add3A_1113 : i32 to index
        %get3A_1145 = arith.constant 32 : index
        %get3A_1146 = tpu.vector_load %arg16[%get3A_1144, %get3A_1145] {strides = array<i32>} : memref<128x128xf32, #tpu.memory_space<vmem>>, vector<16xf32>,
        %get3A_1147 = arith.index_cast %add3A_1113 : i32 to index
        %get3A_1148 = arith.constant 48 : index
        %get3A_1149 = tpu.vector_load %arg16[%get3A_1147, %get3A_1148] {strides = array<i32>} : memref<128x128xf32, #tpu.memory_space<vmem>>, vector<16xf32>,
        %get3A_1150 = arith.index_cast %add3A_1113 : i32 to index
        %get3A_1151 = arith.constant 64 : index
        %get3A_1152 = tpu.vector_load %arg16[%get3A_1150, %get3A_1151] {strides = array<i32>} : memref<128x128xf32, #tpu.memory_space<vmem>>, vector<16xf32>,
        %get3A_1153 = arith.index_cast %add3A_1113 : i32 to index
        %get3A_1154 = arith.constant 80 : index
        %get3A_1155 = tpu.vector_load %arg16[%get3A_1153, %get3A_1154] {strides = array<i32>} : memref<128x128xf32, #tpu.memory_space<vmem>>, vector<16xf32>,
        %get3A_1156 = arith.index_cast %add3A_1113 : i32 to index
        %get3A_1157 = arith.constant 96 : index
        %get3A_1158 = tpu.vector_load %arg16[%get3A_1156, %get3A_1157] {strides = array<i32>} : memref<128x128xf32, #tpu.memory_space<vmem>>, vector<16xf32>,
        %get3A_1159 = arith.index_cast %add3A_1113 : i32 to index
        %get3A_1160 = arith.constant 112 : index
        %get3A_1161 = tpu.vector_load %arg16[%get3A_1159, %get3A_1160] {strides = array<i32>} : memref<128x128xf32, #tpu.memory_space<vmem>>, vector<16xf32>,
        %mul3A_1162 = arith.mulf %get3A_1047, %get3A_1071 : vector<16xf32>
        %mul3A_1163 = arith.mulf %get3A_1050, %get3A_1074 : vector<16xf32>
        %mul3A_1164 = arith.mulf %get3A_1053, %get3A_1077 : vector<16xf32>
        %mul3A_1165 = arith.mulf %get3A_1056, %get3A_1080 : vector<16xf32>
        %mul3A_1166 = arith.mulf %get3A_1059, %get3A_1083 : vector<16xf32>
        %mul3A_1167 = arith.mulf %get3A_1062, %get3A_1086 : vector<16xf32>
        %mul3A_1168 = arith.mulf %get3A_1065, %get3A_1089 : vector<16xf32>
        %mul3A_1169 = arith.mulf %get3A_1068, %get3A_1092 : vector<16xf32>
        %add3A_1170 = arith.addf %mul3A_1162, %mul3A_1163 : vector<16xf32>
        %add3A_1171 = arith.addf %mul3A_1164, %mul3A_1165 : vector<16xf32>
        %add3A_1172 = arith.addf %mul3A_1166, %mul3A_1167 : vector<16xf32>
        %add3A_1173 = arith.addf %mul3A_1168, %mul3A_1169 : vector<16xf32>
        %add3A_1174 = arith.addf %add3A_1170, %add3A_1171 : vector<16xf32>
        %add3A_1175 = arith.addf %add3A_1172, %add3A_1173 : vector<16xf32>
        %add3A_1176 = arith.addf %add3A_1174, %add3A_1175 : vector<16xf32>
        %swap3A_1177 = arith.constant 208 : index
        %swap3A_1178 = tpu.vector_load %arg22[%swap3A_1177] {strides = array<i32>} : memref<256xf32, #tpu.memory_space<vmem>>, vector<16xf32>,
        tpu.vector_store %arg22[%swap3A_1177], %add3A_1176 {strides = array<i32>} : memref<256xf32, #tpu.memory_space<vmem>>, vector<16xf32>,
        %mul3A_1179 = arith.constant 16 : i32
        %mul3A_1180 = arith.muli %scan3A_163, %mul3A_1179 : i32
        %add3A_1181 = arith.constant 15 : i32
        %add3A_1182 = arith.addi %mul3A_1180, %add3A_1181 : i32
        %get3A_1183 = arith.index_cast %add3A_1182 : i32 to index
        %get3A_1184 = arith.constant 0 : index
        %get3A_1185 = tpu.vector_load %arg14[%get3A_1183, %get3A_1184] {strides = array<i32>} : memref<128x128xf32, #tpu.memory_space<vmem>>, vector<16xf32>,
        %get3A_1186 = arith.index_cast %add3A_1182 : i32 to index
        %get3A_1187 = arith.constant 16 : index
        %get3A_1188 = tpu.vector_load %arg14[%get3A_1186, %get3A_1187] {strides = array<i32>} : memref<128x128xf32, #tpu.memory_space<vmem>>, vector<16xf32>,
        %get3A_1189 = arith.index_cast %add3A_1182 : i32 to index
        %get3A_1190 = arith.constant 32 : index
        %get3A_1191 = tpu.vector_load %arg14[%get3A_1189, %get3A_1190] {strides = array<i32>} : memref<128x128xf32, #tpu.memory_space<vmem>>, vector<16xf32>,
        %get3A_1192 = arith.index_cast %add3A_1182 : i32 to index
        %get3A_1193 = arith.constant 48 : index
        %get3A_1194 = tpu.vector_load %arg14[%get3A_1192, %get3A_1193] {strides = array<i32>} : memref<128x128xf32, #tpu.memory_space<vmem>>, vector<16xf32>,
        %get3A_1195 = arith.index_cast %add3A_1182 : i32 to index
        %get3A_1196 = arith.constant 64 : index
        %get3A_1197 = tpu.vector_load %arg14[%get3A_1195, %get3A_1196] {strides = array<i32>} : memref<128x128xf32, #tpu.memory_space<vmem>>, vector<16xf32>,
        %get3A_1198 = arith.index_cast %add3A_1182 : i32 to index
        %get3A_1199 = arith.constant 80 : index
        %get3A_1200 = tpu.vector_load %arg14[%get3A_1198, %get3A_1199] {strides = array<i32>} : memref<128x128xf32, #tpu.memory_space<vmem>>, vector<16xf32>,
        %get3A_1201 = arith.index_cast %add3A_1182 : i32 to index
        %get3A_1202 = arith.constant 96 : index
        %get3A_1203 = tpu.vector_load %arg14[%get3A_1201, %get3A_1202] {strides = array<i32>} : memref<128x128xf32, #tpu.memory_space<vmem>>, vector<16xf32>,
        %get3A_1204 = arith.index_cast %add3A_1182 : i32 to index
        %get3A_1205 = arith.constant 112 : index
        %get3A_1206 = tpu.vector_load %arg14[%get3A_1204, %get3A_1205] {strides = array<i32>} : memref<128x128xf32, #tpu.memory_space<vmem>>, vector<16xf32>,
        %get3A_1207 = arith.index_cast %add3A_1182 : i32 to index
        %get3A_1208 = arith.constant 0 : index
        %get3A_1209 = tpu.vector_load %arg16[%get3A_1207, %get3A_1208] {strides = array<i32>} : memref<128x128xf32, #tpu.memory_space<vmem>>, vector<16xf32>,
        %get3A_1210 = arith.index_cast %add3A_1182 : i32 to index
        %get3A_1211 = arith.constant 16 : index
        %get3A_1212 = tpu.vector_load %arg16[%get3A_1210, %get3A_1211] {strides = array<i32>} : memref<128x128xf32, #tpu.memory_space<vmem>>, vector<16xf32>,
        %get3A_1213 = arith.index_cast %add3A_1182 : i32 to index
        %get3A_1214 = arith.constant 32 : index
        %get3A_1215 = tpu.vector_load %arg16[%get3A_1213, %get3A_1214] {strides = array<i32>} : memref<128x128xf32, #tpu.memory_space<vmem>>, vector<16xf32>,
        %get3A_1216 = arith.index_cast %add3A_1182 : i32 to index
        %get3A_1217 = arith.constant 48 : index
        %get3A_1218 = tpu.vector_load %arg16[%get3A_1216, %get3A_1217] {strides = array<i32>} : memref<128x128xf32, #tpu.memory_space<vmem>>, vector<16xf32>,
        %get3A_1219 = arith.index_cast %add3A_1182 : i32 to index
        %get3A_1220 = arith.constant 64 : index
        %get3A_1221 = tpu.vector_load %arg16[%get3A_1219, %get3A_1220] {strides = array<i32>} : memref<128x128xf32, #tpu.memory_space<vmem>>, vector<16xf32>,
        %get3A_1222 = arith.index_cast %add3A_1182 : i32 to index
        %get3A_1223 = arith.constant 80 : index
        %get3A_1224 = tpu.vector_load %arg16[%get3A_1222, %get3A_1223] {strides = array<i32>} : memref<128x128xf32, #tpu.memory_space<vmem>>, vector<16xf32>,
        %get3A_1225 = arith.index_cast %add3A_1182 : i32 to index
        %get3A_1226 = arith.constant 96 : index
        %get3A_1227 = tpu.vector_load %arg16[%get3A_1225, %get3A_1226] {strides = array<i32>} : memref<128x128xf32, #tpu.memory_space<vmem>>, vector<16xf32>,
        %get3A_1228 = arith.index_cast %add3A_1182 : i32 to index
        %get3A_1229 = arith.constant 112 : index
        %get3A_1230 = tpu.vector_load %arg16[%get3A_1228, %get3A_1229] {strides = array<i32>} : memref<128x128xf32, #tpu.memory_space<vmem>>, vector<16xf32>,
        %mul3A_1231 = arith.mulf %get3A_1116, %get3A_1140 : vector<16xf32>
        %mul3A_1232 = arith.mulf %get3A_1119, %get3A_1143 : vector<16xf32>
        %mul3A_1233 = arith.mulf %get3A_1122, %get3A_1146 : vector<16xf32>
        %mul3A_1234 = arith.mulf %get3A_1125, %get3A_1149 : vector<16xf32>
        %mul3A_1235 = arith.mulf %get3A_1128, %get3A_1152 : vector<16xf32>
        %mul3A_1236 = arith.mulf %get3A_1131, %get3A_1155 : vector<16xf32>
        %mul3A_1237 = arith.mulf %get3A_1134, %get3A_1158 : vector<16xf32>
        %mul3A_1238 = arith.mulf %get3A_1137, %get3A_1161 : vector<16xf32>
        %add3A_1239 = arith.addf %mul3A_1231, %mul3A_1232 : vector<16xf32>
        %add3A_1240 = arith.addf %mul3A_1233, %mul3A_1234 : vector<16xf32>
        %add3A_1241 = arith.addf %mul3A_1235, %mul3A_1236 : vector<16xf32>
        %add3A_1242 = arith.addf %mul3A_1237, %mul3A_1238 : vector<16xf32>
        %add3A_1243 = arith.addf %add3A_1239, %add3A_1240 : vector<16xf32>
        %add3A_1244 = arith.addf %add3A_1241, %add3A_1242 : vector<16xf32>
        %add3A_1245 = arith.addf %add3A_1243, %add3A_1244 : vector<16xf32>
        %swap3A_1246 = arith.constant 224 : index
        %swap3A_1247 = tpu.vector_load %arg22[%swap3A_1246] {strides = array<i32>} : memref<256xf32, #tpu.memory_space<vmem>>, vector<16xf32>,
        tpu.vector_store %arg22[%swap3A_1246], %add3A_1245 {strides = array<i32>} : memref<256xf32, #tpu.memory_space<vmem>>, vector<16xf32>,
        %mul3A_1248 = arith.mulf %get3A_1185, %get3A_1209 : vector<16xf32>
        %mul3A_1249 = arith.mulf %get3A_1188, %get3A_1212 : vector<16xf32>
        %mul3A_1250 = arith.mulf %get3A_1191, %get3A_1215 : vector<16xf32>
        %mul3A_1251 = arith.mulf %get3A_1194, %get3A_1218 : vector<16xf32>
        %mul3A_1252 = arith.mulf %get3A_1197, %get3A_1221 : vector<16xf32>
        %mul3A_1253 = arith.mulf %get3A_1200, %get3A_1224 : vector<16xf32>
        %mul3A_1254 = arith.mulf %get3A_1203, %get3A_1227 : vector<16xf32>
        %mul3A_1255 = arith.mulf %get3A_1206, %get3A_1230 : vector<16xf32>
        %add3A_1256 = arith.addf %mul3A_1248, %mul3A_1249 : vector<16xf32>
        %add3A_1257 = arith.addf %mul3A_1250, %mul3A_1251 : vector<16xf32>
        %add3A_1258 = arith.addf %mul3A_1252, %mul3A_1253 : vector<16xf32>
        %add3A_1259 = arith.addf %mul3A_1254, %mul3A_1255 : vector<16xf32>
        %add3A_1260 = arith.addf %add3A_1256, %add3A_1257 : vector<16xf32>
        %add3A_1261 = arith.addf %add3A_1258, %add3A_1259 : vector<16xf32>
        %add3A_1262 = arith.addf %add3A_1260, %add3A_1261 : vector<16xf32>
        %swap3A_1263 = arith.constant 240 : index
        %swap3A_1264 = tpu.vector_load %arg22[%swap3A_1263] {strides = array<i32>} : memref<256xf32, #tpu.memory_space<vmem>>, vector<16xf32>,
        tpu.vector_store %arg22[%swap3A_1263], %add3A_1262 {strides = array<i32>} : memref<256xf32, #tpu.memory_space<vmem>>, vector<16xf32>,
        %mul3A_1265 = arith.constant 16 : i32
        %mul3A_1266 = arith.muli %scan3A_163, %mul3A_1265 : i32
        %get3A_1267 = arith.index_cast %mul3A_1266 : i32 to index
        %get3A_1268 = tpu.vector_load %arg18[%get3A_1267] {strides = array<i32>} : memref<128xf32, #tpu.memory_space<vmem>>, vector<16xf32>,
        %mul3A_1269 = arith.constant 16 : i32
        %mul3A_1270 = arith.muli %scan3A_163, %mul3A_1269 : i32
        %get3A_1271 = arith.index_cast %mul3A_1270 : i32 to index
        %get3A_1272 = tpu.vector_load %arg20[%get3A_1271] {strides = array<i32>} : memref<128xf32, #tpu.memory_space<vmem>>, vector<16xf32>,
        %add3A_1273 = arith.addf %get3A_1268, %get3A_1272 : vector<16xf32>
        %mul3A_1274 = arith.constant 16 : i32
        %mul3A_1275 = vector.broadcast %mul3A_1274 : i32 to vector<16xi32>
        %mul3A_1276 = arith.muli %iota3A, %mul3A_1275 : vector<16xi32>
        %gather3A = tpu.vector_load_idx %arg22[%mul3A_1276] : memref<256xf32, #tpu.memory_space<vmem>>[vector<16xi32>], vector<16xf32>,
        %add3A_1277 = arith.addf %add3A_1273, %gather3A : vector<16xf32>
        %mul3A_1278 = arith.constant 16 : i32
        %mul3A_1279 = vector.broadcast %mul3A_1278 : i32 to vector<16xi32>
        %mul3A_1280 = arith.muli %iota3A, %mul3A_1279 : vector<16xi32>
        %add3A_1281 = arith.constant 1 : i32
        %add3A_1282 = vector.broadcast %add3A_1281 : i32 to vector<16xi32>
        %add3A_1283 = arith.addi %mul3A_1280, %add3A_1282 : vector<16xi32>
        %gather3A_1284 = tpu.vector_load_idx %arg22[%add3A_1283] : memref<256xf32, #tpu.memory_space<vmem>>[vector<16xi32>], vector<16xf32>,
        %add3A_1285 = arith.addf %add3A_1277, %gather3A_1284 : vector<16xf32>
        %mul3A_1286 = arith.constant 16 : i32
        %mul3A_1287 = vector.broadcast %mul3A_1286 : i32 to vector<16xi32>
        %mul3A_1288 = arith.muli %iota3A, %mul3A_1287 : vector<16xi32>
        %add3A_1289 = arith.constant 2 : i32
        %add3A_1290 = vector.broadcast %add3A_1289 : i32 to vector<16xi32>
        %add3A_1291 = arith.addi %mul3A_1288, %add3A_1290 : vector<16xi32>
        %gather3A_1292 = tpu.vector_load_idx %arg22[%add3A_1291] : memref<256xf32, #tpu.memory_space<vmem>>[vector<16xi32>], vector<16xf32>,
        %add3A_1293 = arith.addf %add3A_1285, %gather3A_1292 : vector<16xf32>
        %mul3A_1294 = arith.constant 16 : i32
        %mul3A_1295 = vector.broadcast %mul3A_1294 : i32 to vector<16xi32>
        %mul3A_1296 = arith.muli %iota3A, %mul3A_1295 : vector<16xi32>
        %add3A_1297 = arith.constant 3 : i32
        %add3A_1298 = vector.broadcast %add3A_1297 : i32 to vector<16xi32>
        %add3A_1299 = arith.addi %mul3A_1296, %add3A_1298 : vector<16xi32>
        %gather3A_1300 = tpu.vector_load_idx %arg22[%add3A_1299] : memref<256xf32, #tpu.memory_space<vmem>>[vector<16xi32>], vector<16xf32>,
        %add3A_1301 = arith.addf %add3A_1293, %gather3A_1300 : vector<16xf32>
        %mul3A_1302 = arith.constant 16 : i32
        %mul3A_1303 = vector.broadcast %mul3A_1302 : i32 to vector<16xi32>
        %mul3A_1304 = arith.muli %iota3A, %mul3A_1303 : vector<16xi32>
        %add3A_1305 = arith.constant 4 : i32
        %add3A_1306 = vector.broadcast %add3A_1305 : i32 to vector<16xi32>
        %add3A_1307 = arith.addi %mul3A_1304, %add3A_1306 : vector<16xi32>
        %gather3A_1308 = tpu.vector_load_idx %arg22[%add3A_1307] : memref<256xf32, #tpu.memory_space<vmem>>[vector<16xi32>], vector<16xf32>,
        %add3A_1309 = arith.addf %add3A_1301, %gather3A_1308 : vector<16xf32>
        %mul3A_1310 = arith.constant 16 : i32
        %mul3A_1311 = vector.broadcast %mul3A_1310 : i32 to vector<16xi32>
        %mul3A_1312 = arith.muli %iota3A, %mul3A_1311 : vector<16xi32>
        %add3A_1313 = arith.constant 5 : i32
        %add3A_1314 = vector.broadcast %add3A_1313 : i32 to vector<16xi32>
        %add3A_1315 = arith.addi %mul3A_1312, %add3A_1314 : vector<16xi32>
        %gather3A_1316 = tpu.vector_load_idx %arg22[%add3A_1315] : memref<256xf32, #tpu.memory_space<vmem>>[vector<16xi32>], vector<16xf32>,
        %add3A_1317 = arith.addf %add3A_1309, %gather3A_1316 : vector<16xf32>
        %mul3A_1318 = arith.constant 16 : i32
        %mul3A_1319 = vector.broadcast %mul3A_1318 : i32 to vector<16xi32>
        %mul3A_1320 = arith.muli %iota3A, %mul3A_1319 : vector<16xi32>
        %add3A_1321 = arith.constant 6 : i32
        %add3A_1322 = vector.broadcast %add3A_1321 : i32 to vector<16xi32>
        %add3A_1323 = arith.addi %mul3A_1320, %add3A_1322 : vector<16xi32>
        %gather3A_1324 = tpu.vector_load_idx %arg22[%add3A_1323] : memref<256xf32, #tpu.memory_space<vmem>>[vector<16xi32>], vector<16xf32>,
        %add3A_1325 = arith.addf %add3A_1317, %gather3A_1324 : vector<16xf32>
        %mul3A_1326 = arith.constant 16 : i32
        %mul3A_1327 = vector.broadcast %mul3A_1326 : i32 to vector<16xi32>
        %mul3A_1328 = arith.muli %iota3A, %mul3A_1327 : vector<16xi32>
        %add3A_1329 = arith.constant 7 : i32
        %add3A_1330 = vector.broadcast %add3A_1329 : i32 to vector<16xi32>
        %add3A_1331 = arith.addi %mul3A_1328, %add3A_1330 : vector<16xi32>
        %gather3A_1332 = tpu.vector_load_idx %arg22[%add3A_1331] : memref<256xf32, #tpu.memory_space<vmem>>[vector<16xi32>], vector<16xf32>,
        %add3A_1333 = arith.addf %add3A_1325, %gather3A_1332 : vector<16xf32>
        %mul3A_1334 = arith.constant 16 : i32
        %mul3A_1335 = vector.broadcast %mul3A_1334 : i32 to vector<16xi32>
        %mul3A_1336 = arith.muli %iota3A, %mul3A_1335 : vector<16xi32>
        %add3A_1337 = arith.constant 8 : i32
        %add3A_1338 = vector.broadcast %add3A_1337 : i32 to vector<16xi32>
        %add3A_1339 = arith.addi %mul3A_1336, %add3A_1338 : vector<16xi32>
        %gather3A_1340 = tpu.vector_load_idx %arg22[%add3A_1339] : memref<256xf32, #tpu.memory_space<vmem>>[vector<16xi32>], vector<16xf32>,
        %add3A_1341 = arith.addf %add3A_1333, %gather3A_1340 : vector<16xf32>
        %mul3A_1342 = arith.constant 16 : i32
        %mul3A_1343 = vector.broadcast %mul3A_1342 : i32 to vector<16xi32>
        %mul3A_1344 = arith.muli %iota3A, %mul3A_1343 : vector<16xi32>
        %add3A_1345 = arith.constant 9 : i32
        %add3A_1346 = vector.broadcast %add3A_1345 : i32 to vector<16xi32>
        %add3A_1347 = arith.addi %mul3A_1344, %add3A_1346 : vector<16xi32>
        %gather3A_1348 = tpu.vector_load_idx %arg22[%add3A_1347] : memref<256xf32, #tpu.memory_space<vmem>>[vector<16xi32>], vector<16xf32>,
        %add3A_1349 = arith.addf %add3A_1341, %gather3A_1348 : vector<16xf32>
        %mul3A_1350 = arith.constant 16 : i32
        %mul3A_1351 = vector.broadcast %mul3A_1350 : i32 to vector<16xi32>
        %mul3A_1352 = arith.muli %iota3A, %mul3A_1351 : vector<16xi32>
        %add3A_1353 = arith.constant 10 : i32
        %add3A_1354 = vector.broadcast %add3A_1353 : i32 to vector<16xi32>
        %add3A_1355 = arith.addi %mul3A_1352, %add3A_1354 : vector<16xi32>
        %gather3A_1356 = tpu.vector_load_idx %arg22[%add3A_1355] : memref<256xf32, #tpu.memory_space<vmem>>[vector<16xi32>], vector<16xf32>,
        %add3A_1357 = arith.addf %add3A_1349, %gather3A_1356 : vector<16xf32>
        %mul3A_1358 = arith.constant 16 : i32
        %mul3A_1359 = vector.broadcast %mul3A_1358 : i32 to vector<16xi32>
        %mul3A_1360 = arith.muli %iota3A, %mul3A_1359 : vector<16xi32>
        %add3A_1361 = arith.constant 11 : i32
        %add3A_1362 = vector.broadcast %add3A_1361 : i32 to vector<16xi32>
        %add3A_1363 = arith.addi %mul3A_1360, %add3A_1362 : vector<16xi32>
        %gather3A_1364 = tpu.vector_load_idx %arg22[%add3A_1363] : memref<256xf32, #tpu.memory_space<vmem>>[vector<16xi32>], vector<16xf32>,
        %add3A_1365 = arith.addf %add3A_1357, %gather3A_1364 : vector<16xf32>
        %mul3A_1366 = arith.constant 16 : i32
        %mul3A_1367 = vector.broadcast %mul3A_1366 : i32 to vector<16xi32>
        %mul3A_1368 = arith.muli %iota3A, %mul3A_1367 : vector<16xi32>
        %add3A_1369 = arith.constant 12 : i32
        %add3A_1370 = vector.broadcast %add3A_1369 : i32 to vector<16xi32>
        %add3A_1371 = arith.addi %mul3A_1368, %add3A_1370 : vector<16xi32>
        %gather3A_1372 = tpu.vector_load_idx %arg22[%add3A_1371] : memref<256xf32, #tpu.memory_space<vmem>>[vector<16xi32>], vector<16xf32>,
        %add3A_1373 = arith.addf %add3A_1365, %gather3A_1372 : vector<16xf32>
        %mul3A_1374 = arith.constant 16 : i32
        %mul3A_1375 = vector.broadcast %mul3A_1374 : i32 to vector<16xi32>
        %mul3A_1376 = arith.muli %iota3A, %mul3A_1375 : vector<16xi32>
        %add3A_1377 = arith.constant 13 : i32
        %add3A_1378 = vector.broadcast %add3A_1377 : i32 to vector<16xi32>
        %add3A_1379 = arith.addi %mul3A_1376, %add3A_1378 : vector<16xi32>
        %gather3A_1380 = tpu.vector_load_idx %arg22[%add3A_1379] : memref<256xf32, #tpu.memory_space<vmem>>[vector<16xi32>], vector<16xf32>,
        %add3A_1381 = arith.addf %add3A_1373, %gather3A_1380 : vector<16xf32>
        %mul3A_1382 = arith.constant 16 : i32
        %mul3A_1383 = vector.broadcast %mul3A_1382 : i32 to vector<16xi32>
        %mul3A_1384 = arith.muli %iota3A, %mul3A_1383 : vector<16xi32>
        %add3A_1385 = arith.constant 14 : i32
        %add3A_1386 = vector.broadcast %add3A_1385 : i32 to vector<16xi32>
        %add3A_1387 = arith.addi %mul3A_1384, %add3A_1386 : vector<16xi32>
        %gather3A_1388 = tpu.vector_load_idx %arg22[%add3A_1387] : memref<256xf32, #tpu.memory_space<vmem>>[vector<16xi32>], vector<16xf32>,
        %add3A_1389 = arith.addf %add3A_1381, %gather3A_1388 : vector<16xf32>
        %mul3A_1390 = arith.constant 16 : i32
        %mul3A_1391 = vector.broadcast %mul3A_1390 : i32 to vector<16xi32>
        %mul3A_1392 = arith.muli %iota3A, %mul3A_1391 : vector<16xi32>
        %add3A_1393 = arith.constant 15 : i32
        %add3A_1394 = vector.broadcast %add3A_1393 : i32 to vector<16xi32>
        %add3A_1395 = arith.addi %mul3A_1392, %add3A_1394 : vector<16xi32>
        %gather3A_1396 = tpu.vector_load_idx %arg22[%add3A_1395] : memref<256xf32, #tpu.memory_space<vmem>>[vector<16xi32>], vector<16xf32>,
        %add3A_1397 = arith.addf %add3A_1389, %gather3A_1396 : vector<16xf32>
        %mul3A_1398 = arith.constant 16 : i32
        %mul3A_1399 = arith.muli %scan3A_163, %mul3A_1398 : i32
        %add3A_1400 = arith.addi %mul3A_154, %mul3A_1399 : i32
        %swap3A_1401 = arith.index_cast %add3A_1400 : i32 to index
        %swap3A_1402 = tpu.vector_load %arg21[%swap3A_1401] {strides = array<i32>} : memref<512xf32, #tpu.memory_space<vmem>>, vector<16xf32>,
        tpu.vector_store %arg21[%swap3A_1401], %add3A_1397 {strides = array<i32>} : memref<512xf32, #tpu.memory_space<vmem>>, vector<16xf32>,
        %scan3A_1403 = arith.constant 0 : i32
        scf.yield %scan3A_1403 : i32
      }
      %scan3A_161 = arith.constant 8 : i32
      %scan3A_162 = arith.constant 0 : i32
      scf.yield %scan3A_162 : i32
    }
    %scan3A_64 = arith.constant 2 : i32
    "tpu.region"() ({
      %run_scoped3A = tpu.sem_alloc : memref<!tpu.dma_semaphore, #tpu.memory_space<semaphore_mem>>
      %dma_start3A_65 = tpu.memref_slice %arg8[%mul3A_2] : memref<16384xf32, #tpu.memory_space<hbm>> -> memref<512xf32, #tpu.memory_space<hbm>>
      %dma_start3A_66 = tpu.memref_slice %arg8[%mul3A_2] : memref<16384xf32, #tpu.memory_space<hbm>> -> memref<512xf32, #tpu.memory_space<hbm>>
      tpu.enqueue_dma source(%arg21 : memref<512xf32, #tpu.memory_space<vmem>>) target(%dma_start3A_66 : memref<512xf32, #tpu.memory_space<hbm>>) target_semaphore(%run_scoped3A : memref<!tpu.dma_semaphore, #tpu.memory_space<semaphore_mem>>)
      %dma_wait3A_67 = tpu.memref_slice %arg8[%mul3A_2] : memref<16384xf32, #tpu.memory_space<hbm>> -> memref<512xf32, #tpu.memory_space<hbm>>
      %dma_wait3A_68 = tpu.memref_slice %arg8[%mul3A_2] : memref<16384xf32, #tpu.memory_space<hbm>> -> memref<512xf32, #tpu.memory_space<hbm>>
      tpu.wait_dma2 semaphore(%run_scoped3A : memref<!tpu.dma_semaphore, #tpu.memory_space<semaphore_mem>>) src(%arg21 : memref<512xf32, #tpu.memory_space<vmem>>) dst(%dma_wait3A_68 : memref<512xf32, #tpu.memory_space<hbm>>)
      tpu.yield
    }) : () -> ()
    return
  }
}

</mosaic_0001>

<sc_bundles>
// kernel: kernel.3.cloned.1.call-start
scs
__scs_entry_jumppad:
0x0: {  	(pc) =	sbr.rel $0x88, $3  }
0x1: {  	(tag) =	ssettag $0x0;
	lr =	simm.s32 $0x1  }
0x2: {  	[smem:$0x3F9C] =	sst lr;
	_ =	strace $0xD0000000  }
0x3: {  	_ = 	snop  }
0x4: {  	_ = 	snop  }
0x5: {  	_ = 	snop  }
0x6: {  	_ = 	snop  }
0x7: {  	_ = 	snop  }
__scs_overlays_trampoline_lowered:
0x8: {  	[smem:$0x3FAB] =	sst s0  }
0x9: {  	[smem:$0x3FAC] =	sst s1  }
0xa: {  	[smem:$0x3FAD] =	sst s2  }
0xb: {  	[smem:$0x3FAE] =	sst s3  }
0xc: {  	[smem:$0x3FAF] =	sst s4  }
0xd: {  	[smem:$0x3FB0] =	sst s5  }
0xe: {  	[smem:$0x3FB1] =	sst s6  }
0xf: {  	[smem:$0x3FB2] =	sst s7  }
0x10: {  	[smem:$0x3FB3] =	sst s8  }
0x11: {  	[smem:$0x3FB4] =	sst s9;
	s0 =	simm.s32 @!p0 $0x0  }
0x12: {  	s1 =	sld [smem:$0x3F9A];
	s0 =	simm.s32 @p0 $0x1  }
0x13: {  	[smem:$0x3FB5] =	sst s0;
	s0 =	simm.s32 @!p1 $0x0  }
0x14: {  	s2 =	sld [smem:$0x3F99];
	s0 =	simm.s32 @p1 $0x1  }
0x15: {  	[smem:$0x3FB6] =	sst s0;
	s0 =	simm.s32 @!p2 $0x0  }
0x16: {  	s3 =	sld [smem:$0x3FDB];
	s0 =	simm.s32 @p2 $0x1  }
0x17: {  	s4 =	simm.s32 $0x1BF5;
	[smem:$0x3FB8] =	sst s0  }
0x18: {  	s0 =	sld [smem:$0x3F9B];
	_ =	swait.ge [sflag:s4], $0x0  }
0x19: {  	s7 =	sld [smem:$0x3F9C]  }
0x1a: {  	s8 =	sadd.s32 $0xFFFFE003, lr  }
0x1b: {  	s9 =	sadd.s32 $0xFFFFFEF7, lr;
	s5 =	simm.s32 $0xFFFFFFFF;
	p2 =	slt.u32 s8, $0xFFFFF086  }
0x1c: {  	p1 =	slt.u32 s9, $0xF7A;
	s5 =	simm.s32 @!p2 $0x0  }
0x1d: {  	s5 =	simm.s32 @p1 $0x1;
	p0 =	seq.s32 s7, s2  }
0x1e: {  	s7 =	smul.u32 @!p0 $0xF7A, s2;
	p2 =	seq.s32 @!p0 s5, $0x0  }
0x1f: {  	s9 =	smul.u32 $0xF7A, s1;
	s8 =	simm.s32 @!p0 $0x1BF5;
	p2 =	por !p2, p0  }
0x20: {  	[sflag:s8] =	ssyncset.s32 @!p0 $0xFFFFF086;
	s6 =	sadd.s32 @!p0 s3, s7;
	s7 =	simm.s32 @!p0 $0x108  }
0x21: {  	s3 =	sadd.s32 s3, s9;
	s6 =	sadd.s32 @!p0 $0x88, s6;
	s7 =	simm.s32 @p2 $0x1082  }
0x22: {  	[simem:s7], [sflag:s8] =	dma.local @!p0 [hbm:s6], $0xF7A  }
0x23: {  	s9 =	sor.u32 $0xD0000000, s2;
	s6 =	simm.s32 $0x108;
	_ =	swait.ge @!p0 [sflag:s8], $0x0  }
0x24: {  	s3 =	sadd.s32 $0x88, s3;
	s6 =	simm.s32 @!p1 $0x1082;
	[sflag:s4] =	ssyncset.s32 $0xFFFFF086  }
0x25: {  	[simem:s6], [sflag:s4] =	dma.local [hbm:s3], $0xF7A  }
0x26: {  	[smem:$0x3F9C] =	sst s1;
	(tag) =	ssettag s2;
	_ =	strace s9  }
0x27: {  	s1 =	sld [smem:$0x3FAC]  }
0x28: {  	s2 =	sld [smem:$0x3FAD]  }
0x29: {  	s4 =	sld [smem:$0x3FAF]  }
0x2a: {  	p0 =	seq.s32 s5, $0x0;
	s5 =	sld [smem:$0x3FB0]  }
0x2b: {  	s6 =	sld [smem:$0x3FB1]  }
0x2c: {  	s7 =	sld [smem:$0x3FB2]  }
0x2d: {  	s3 =	simm.s32 $0x108;
	s8 =	sld [smem:$0x3FB3]  }
0x2e: {  	s3 =	simm.s32 @!p0 $0x1082;
	s9 =	sld [smem:$0x3FB4]  }
0x2f: {  	lr =	sadd.s32 s0, s3;
	s0 =	sld [smem:$0x3FAB]  }
0x30: {  	s3 =	sld [smem:$0x3FAE]  }
0x31: {  	[smem:$0x3FB7] =	sst s10  }
0x32: {  	s10 =	sld [smem:$0x3FB5];
	_ =	sdelay $0x3  }
0x33: {  	p0 =	seq.s32 s10, $0x1;
	s10 =	sld [smem:$0x3FB7];
	_ =	sdelay $0x3  }
0x34: {  	[smem:$0x3FB7] =	sst s10  }
0x35: {  	s10 =	sld [smem:$0x3FB6];
	_ =	sdelay $0x3  }
0x36: {  	p1 =	seq.s32 s10, $0x1;
	s10 =	sld [smem:$0x3FB7];
	_ =	sdelay $0x3  }
0x37: {  	[smem:$0x3FB7] =	sst s10  }
0x38: {  	s10 =	sld [smem:$0x3FB8]  }
0x39: {  	_ = 	snop;
	(pc) =	sbr.ind lr, $3  }
0x3a: {  	_ = 	snop  }
0x3b: {  	_ = 	snop  }
0x3c: {  	p2 =	seq.s32 s10, $0x1;
	s10 =	sld [smem:$0x3FB7]  }
0x3d: {  	_ =	shalt  }
0x3e: {  	_ =	shalt  }
0x3f: {  	_ =	shalt  }
0x40: {  	_ =	shalt  }
0x41: {  	_ =	shalt  }
0x42: {  	_ =	shalt  }
0x43: {  	_ =	shalt  }
0x44: {  	_ =	shalt  }
0x45: {  	_ =	shalt  }
0x46: {  	_ =	shalt  }
0x47: {  	_ =	shalt  }
0x48: {  	_ =	shalt  }
0x49: {  	_ =	shalt  }
0x4a: {  	_ =	shalt  }
0x4b: {  	_ =	shalt  }
0x4c: {  	_ =	shalt  }
0x4d: {  	_ =	shalt  }
0x4e: {  	_ =	shalt  }
0x4f: {  	_ =	shalt  }
0x50: {  	_ =	shalt  }
0x51: {  	_ =	shalt  }
0x52: {  	_ =	shalt  }
0x53: {  	_ =	shalt  }
0x54: {  	_ =	shalt  }
0x55: {  	_ =	shalt  }
0x56: {  	_ =	shalt  }
0x57: {  	_ =	shalt  }
0x58: {  	_ =	shalt  }
0x59: {  	_ =	shalt  }
0x5a: {  	_ =	shalt  }
0x5b: {  	_ =	shalt  }
0x5c: {  	_ =	shalt  }
0x5d: {  	_ =	shalt  }
0x5e: {  	_ =	shalt  }
0x5f: {  	_ =	shalt  }
0x60: {  	_ =	shalt  }
0x61: {  	_ =	shalt  }
0x62: {  	_ =	shalt  }
0x63: {  	_ =	shalt  }
0x64: {  	_ =	shalt  }
0x65: {  	_ =	shalt  }
0x66: {  	_ =	shalt  }
0x67: {  	_ =	shalt  }
0x68: {  	_ =	shalt  }
0x69: {  	_ =	shalt  }
0x6a: {  	_ =	shalt  }
0x6b: {  	_ =	shalt  }
0x6c: {  	_ =	shalt  }
0x6d: {  	_ =	shalt  }
0x6e: {  	_ =	shalt  }
0x6f: {  	_ =	shalt  }
0x70: {  	_ =	shalt  }
0x71: {  	_ =	shalt  }
0x72: {  	_ =	shalt  }
0x73: {  	_ =	shalt  }
0x74: {  	_ =	shalt  }
0x75: {  	_ =	shalt  }
0x76: {  	_ =	shalt  }
0x77: {  	_ =	shalt  }
0x78: {  	_ =	shalt  }
0x79: {  	_ =	shalt  }
0x7a: {  	_ =	shalt  }
0x7b: {  	_ =	shalt  }
0x7c: {  	_ =	shalt  }
0x7d: {  	_ =	shalt  }
0x7e: {  	_ =	shalt  }
0x7f: {  	_ =	shalt  }
0x80: {  	_ =	shalt  }
0x81: {  	_ =	shalt  }
0x82: {  	_ =	shalt  }
0x83: {  	_ =	shalt  }
0x84: {  	_ =	shalt  }
0x85: {  	_ =	shalt  }
0x86: {  	_ =	shalt  }
0x87: {  	_ =	shalt  }
.Lfunc_end0:
.L_simem_size_0:
called_computation_lowered:
.L_overlay_start_0:
0x88: {  	s2 =	sld [smem:$0x3FD9]  }
0x89: {  	s3 =	sld [smem:$0x3FFE];
	_ =	sdelay $0x1  }
0x8a: {  	s1 =	srdreg.scid  }
0x8b: {  	s0 =	sand.u32 $0x1, s1  }
0x8c: {  	s17 =	sshll.u32 s0, $0xA;
	s2 =	sadd.s32 s3, s2  }
0x8d: {  	s2 =	sadd.s32 s2, s17  }
0x8e: {  	[smem:$0x3FC3] =	sst s2  }
0x8f: {  	_ = 	snop  }
0x90: {  	s2 =	sld [smem:$0x3FC8]  }
0x91: {  	s18 =	sld [smem:$0x3FC7]  }
0x92: {  	s4 =	sld [smem:$0x3FC6]  }
0x93: {  	s5 =	sld [smem:$0x3FC5]  }
0x94: {  	s6 =	sld [smem:$0x3FD0];
	(tm) =	ssettm $0x1  }
0x95: {  	s7 =	sld [smem:$0x3FFB];
	_ =	sdelay $0x3  }
0x96: {  	_ =	strace s7  }
0x97: {  	s7 =	sld [smem:$0x3FFC];
	_ =	sdelay $0x3  }
0x98: {  	_ =	strace s7  }
0x99: {  	s7 =	sld [smem:$0x3FFD];
	_ =	sdelay $0x3  }
0x9a: {  	_ =	strace s7  }
0x9b: {  	_ =	strace $0x8FFFFFFF  }
0x9c: {  	s19 =	sld [smem:$0x3FDB];
	_ =	sdelay $0x1  }
0x9d: {  	s8 =	simm.s32 $_scs_section_size  }
0x9e: {  	s9 =	simm.s32 $_size__tile_overlayer_lowered;
	s10 =	simm.s32 $_tile_overlayer_lowered  }
0x9f: {  	s22 =	simm.s32 $0x1BFF;
	s21 =	sshll.u32 s10, $0x1;
	s7 =	sadd.s32 s8, s19  }
0xa0: {  	s11 =	simm.s32 $0x0;
	s20 =	sshll.u32 s9, $0x1;
	s9 =	sadd.s32 s21, s7  }
0xa1: {  	[timem:s11], [sflag:s22] =	dma.local [hbm:s9], s20  }
0xa2: {  	_ =	swait.ge [sflag:s22], s20  }
0xa3: {  	s8 =	ssub.s32 $0x0, s20;
	[sflag:s22] =	ssyncset.done $0x0  }
0xa4: {  	[sflag:s22] =	ssyncadd.s32 s8;
	_ =	sdelay $0x1  }
0xa5: {  	s23 =	simm.s32 $0x1B8B  }
0xa6: {  	_ =	swait.ge [sflag:s23], $0x1  }
0xa7: {  	[sflag:s23] =	ssyncset.done $0x0  }
0xa8: {  	s25 =	simm.s32 $0x1B8E;
	s24 =	sld [smem:$0x3FFE];
	[sflag:s23] =	ssyncadd.s32 $0xFFFFFFFF  }
0xa9: {  	s26 =	simm.s32 $execute0_lowered;
	[smem:$0x3FD2] =	sst s25  }
0xaa: {  	s9 =	sshll.u32 s26, $0x1;
	_ =	strace $0x80000046;
	[dreg:$0x1] =	wrdreg $0xFFFFFFFF  }
0xab: {  	s28 =	simm.s32 $_size_execute0_lowered;
	s7 =	sadd.s32 s7, s9;
	[dreg:$0x0] =	wrdreg $0x0  }
0xac: {  	s9 =	sshll.u32 s28, $0x1;
	[dreg:$0x2] =	wrdreg s7  }
0xad: {  	[dreg:$0x3] =	wrdreg s9  }
0xae: {  	[dreg:$0x4] =	wrdreg $0xC0  }
0xaf: {  	_ =	task [dreg:s11], $0x5FFFF  }
0xb0: {  	[dreg:$0x1] =	wrdreg $0xFFFFFFFF  }
0xb1: {  	[dreg:$0x0] =	wrdreg $0x60  }
0xb2: {  	[dreg:$0x2] =	wrdreg s2  }
0xb3: {  	[dreg:$0x3] =	wrdreg s18  }
0xb4: {  	[dreg:$0x4] =	wrdreg s4  }
0xb5: {  	[dreg:$0x5] =	wrdreg s5  }
0xb6: {  	[dreg:$0x6] =	wrdreg s24  }
0xb7: {  	[dreg:$0x7] =	wrdreg s6  }
0xb8: {  	[dreg:$0x8] =	wrdreg $0x9  }
0xb9: {  	_ =	task.clear_ibuf [dreg:s11], $0x9FFFF;
	_ =	strace $0x90000046  }
0xba: {  	s29 =	simm.s32 $0x9;
	_ =	strace $0x80000048  }
0xbb: {  	_ =	swait.ge [sflag:s29], $0x1  }
0xbc: {  	[sflag:s29] =	ssyncadd.s32 $0xFFFFFFFF  }
0xbd: {  	_ =	strace $0x90000048  }
0xbe: {  	_ =	sfence  }
0xbf: {  	s30 =	sld [smem:$0x0];
	_ =	sdelay $0x2  }
0xc0: {  	s31 =	sshll.u32 s1, $0xD;
	s1 =	sshrl.u32 s1, $0x2  }
0xc1: {  	s3 =	sand.u32 $0x4000, s31;
	s1 =	sadd.s32 s1, s30  }
0xc2: {  	s0 =	sor.u32 s3, s0;
	s1 =	sshll.u32 s1, $0x11  }
0xc3: {  	s0 =	sor.u32 s1, s0  }
0xc4: {  	s0 =	sadd.s32 $0x8F2B, s0  }
0xc5: {  	[sflag:s0] =	ssyncadd.remote.s32 $0x1  }
0xc6: {  	_ =	sfence.sel $0xFFFF  }
0xc7: {  	[dreg:$0x0] =	wrdreg $0xFFFFFFFF;
	(pc) =	sbr.abs _section_cstart, $3  }
0xc8: {  	[dreg:$0x1] =	wrdreg $0xFFFFFFFF  }
0xc9: {  	_ =	task.clear_ibuf [dreg:s11], $0x2FFFF;
	_ =	strace $0x9FFFFFFF  }
0xca: {  	(tm) =	ssettm $0x7FFFFFFF  }
0xcb: {  	_ =	shalt  }
tec
execute0_lowered:
.L_overlay_start_1:
0x0: {  	(tag) =	ssettag $0x1  }
0x1: {  	s1 =	rddreg [dreg:$0x0]  }
0x2: {  	s2 =	rddreg [dreg:$0x1]  }
0x3: {  	s3 =	rddreg [dreg:$0x2]  }
0x4: {  	s4 =	rddreg [dreg:$0x3]  }
0x5: {  	s0 =	rddreg [dreg:$0x4]  }
0x6: {  	s5 =	rddreg [dreg:$0x5]  }
0x7: {  	s15 =	simm.s32 $0x0;
	s7 =	srdreg.scid;
	s6 =	stileid.u32  }
0x8: {  	s28 =	simm.s32 $0xC;
	s29 =	simm.s32 $0x4200;
	s30 =	simm.s32 $0xC200  }
0x9: {  	s31 =	simm.s32 $0x10280;
	s16 =	simm.s32 $0x0;
	[smem:$0x7FF] =	sst s15  }
0xa: {  	s7 =	sand.u32 $0x1, s7;
	s9 =	sshll.u32 s6, $0x7;
	s10 =	sadd.s32 $0xE00, s0  }
0xb: {  	s0 =	sadd.s32 $0x600, s0;
	s8 =	ssub.s32 $0x2, s7;
	s7 =	sshll.u32 s7, $0x6  }
0xc: {  	_ =	strace $0x80000047;
	s11 =	sshrl.u32 s8, $0x1;
	s7 =	sor.u32 s7, s9  }
0xd: {  	s8 =	ssub.s32 s8, s11;
	s9 =	sor.u32 $0x10, s7;
	s20 =	sadd.s32 s10, s7  }
0xe: {  	s21 =	sadd.s32 s0, s7;
	s24 =	sor.u32 $0x20, s7;
	s14 =	sor.u32 $0x30, s7  }
0xf: {  	s25 =	sadd.s32 s5, s7;
	s5 =	simm.s32 $0x1;
	[dreg:$0x7] =	wrdreg s20  }
0x10: {  	v0 =	vlaneseq.u32;
	s7 =	simm.s32 $0x5;
	[dreg:$0x8] =	wrdreg s21;
	s22 =	sadd.s32 s10, s9  }
0x11: {  	v0 =	vmul.u32 $0x10, v0;
	s23 =	sadd.s32 s0, s9;
	s11 =	sadd.s32 s10, s24;
	s12 =	sadd.s32 s0, s24  }
0x12: {  	s13 =	sadd.s32 s10, s14;
	s14 =	sadd.s32 s0, s14;
	[dreg:$0xb] =	wrdreg s25  }
0x13: {  	v1 =	vor.u32 $0x1, v0;
	v2 =	vor.u32 $0x2, v0;
	v3 =	vor.u32 $0x3, v0;
	s26 =	smax.u32 s8, $0x1;
	s20 =	simm.s32 $0x80;
	s25 =	simm.s32 $0x180  }
0x14: {  	v4 =	vor.u32 $0x4, v0;
	v5 =	vor.u32 $0x5, v0;
	v6 =	vor.u32 $0x6, v0;
	s0 =	simm.s32 $0x10380;
	s21 =	simm.s32 $0x2;
	[dreg:$0x9] =	wrdreg s22  }
0x15: {  	v7 =	vor.u32 $0x7, v0;
	v8 =	vor.u32 $0x8, v0;
	v9 =	vor.u32 $0x9, v0;
	s24 =	simm.s32 $0x10600;
	s8 =	simm.s32 $0x6;
	[dreg:$0xa] =	wrdreg s23  }
0x16: {  	v10 =	vor.u32 $0xA, v0;
	v11 =	vor.u32 $0xB, v0;
	v12 =	vor.u32 $0xC, v0;
	s9 =	simm.s32 $0x7;
	s10 =	simm.s32 $0x8;
	[dreg:$0xc] =	wrdreg s26  }
0x17: {  	v13 =	vor.u32 $0xD, v0;
	v14 =	vor.u32 $0xE, v0;
	v15 =	vor.u32 $0xF, v0;
	s26 =	simm.s32 $0xB;
	s22 =	simm.s32 $0x3;
	s23 =	simm.s32 $0x4  }
.LBB2_1:
0x18: {  	s6 =	rddreg [dreg:$0x7]  }
0x19: {  	[tilespmem:s15], [sflag:$0x9] =	stream.linear.gather [hbm4b:s6+s15], $0x80, $0x38;
	[tilespmem:$0x10700] =	vst v63  }
0x1a: {  	s19 =	rddreg [dreg:$0x8];
	s17 =	simm.s32 $0x100;
	s18 =	simm.s32 $0x9  }
0x1b: {  	[tilespmem:s17], [sflag:$0xA] =	stream.linear.gather [hbm4b:s19+s15], $0x80, $0x38;
	[tilespmem:$0x10700] =	vst v63  }
0x1c: {  	_ =	swait.ge [sflag:s18], $0x80  }
0x1d: {  	[sflag:s18] =	ssyncset.done $0x0  }
0x1e: {  	s19 =	simm.s32 $0xA;
	[sflag:s18] =	ssyncadd.s32 $0xFFFFFF80  }
0x1f: {  	_ =	swait.ge [sflag:s19], $0x80  }
0x20: {  	[sflag:s19] =	ssyncset.done $0x0  }
0x21: {  	s18 =	simm.s32 $0x200;
	[sflag:s19] =	ssyncadd.s32 $0xFFFFFF80  }
0x22: {  	[tilespmem:s18], [sflag:$0x1] =	stream.indirect.gather [hbm4b:s1+s20], $0x80, s15, s20, $0xb8;
	[tilespmem:$0x10700] =	vst v63  }
0x23: {  	s19 =	simm.s32 $0x8200  }
0x24: {  	[tilespmem:s19], [sflag:$0x2] =	stream.indirect.gather [hbm4b:s2+s20], $0x80, s17, s20, $0xb8;
	[tilespmem:$0x10700] =	vst v63  }
0x25: {  	s18 =	simm.s32 $0x10200  }
0x26: {  	[tilespmem:s18], [sflag:$0x3] =	stream.indirect.gather [hbm4b:s3+s20], $0x1, s15, s20, $0xb8;
	[tilespmem:$0x10700] =	vst v63  }
0x27: {  	s19 =	simm.s32 $0x10300  }
0x28: {  	[tilespmem:s19], [sflag:$0x4] =	stream.indirect.gather [hbm4b:s4+s20], $0x1, s17, s20, $0xb8;
	[tilespmem:$0x10700] =	vst v63  }
0x29: {  	s18 =	rddreg [dreg:$0x9]  }
0x2a: {  	[tilespmem:s20], [sflag:$0xB] =	stream.linear.gather [hbm4b:s18+s15], $0x80, $0x38;
	[tilespmem:$0x10700] =	vst v63  }
0x2b: {  	p1 =	por $0x1, $0x1;
	s19 =	rddreg [dreg:$0xa];
	s17 =	simm.s32 $0x0  }
0x2c: {  	[tilespmem:s25], [sflag:$0xC] =	stream.linear.gather [hbm4b:s19+s15], $0x80, $0x38;
	[tilespmem:$0x10700] =	vst v63  }
.LBB2_2:
0x2d: {  	_ =	swait.ge [sflag:s26], $0x80  }
0x2e: {  	[sflag:s26] =	ssyncset.done $0x0  }
0x2f: {  	[sflag:s26] =	ssyncadd.s32 $0xFFFFFF80  }
0x30: {  	_ =	swait.ge [sflag:s28], $0x80  }
0x31: {  	[sflag:s28] =	ssyncset.done $0x0  }
0x32: {  	[sflag:s28] =	ssyncadd.s32 $0xFFFFFF80  }
0x33: {  	[tilespmem:s29], [sflag:$0x5] =	stream.indirect.gather [hbm4b:s1+s20], $0x80, s20, s20, $0xb8;
	[tilespmem:$0x10700] =	vst v63  }
0x34: {  	_ = 	snop  }
0x35: {  	[tilespmem:s30], [sflag:$0x6] =	stream.indirect.gather [hbm4b:s2+s20], $0x80, s25, s20, $0xb8;
	[tilespmem:$0x10700] =	vst v63  }
0x36: {  	_ = 	snop  }
0x37: {  	[tilespmem:s31], [sflag:$0x7] =	stream.indirect.gather [hbm4b:s3+s20], $0x1, s20, s20, $0xb8;
	[tilespmem:$0x10700] =	vst v63  }
0x38: {  	_ = 	snop  }
0x39: {  	[tilespmem:s0], [sflag:$0x8] =	stream.indirect.gather [hbm4b:s4+s20], $0x1, s25, s20, $0xb8;
	[tilespmem:$0x10700] =	vst v63  }
0x3a: {  	_ =	swait.ge [sflag:s5], $0x4000  }
0x3b: {  	[sflag:s5] =	ssyncset.done $0x0  }
0x3c: {  	[sflag:s5] =	ssyncadd.s32 $0xFFFFC000  }
0x3d: {  	_ =	swait.ge [sflag:s21], $0x4000  }
0x3e: {  	[sflag:s21] =	ssyncset.done $0x0  }
0x3f: {  	[sflag:s21] =	ssyncadd.s32 $0xFFFFC000  }
0x40: {  	_ =	swait.ge [sflag:s22], $0x80  }
0x41: {  	[sflag:s22] =	ssyncset.done $0x0  }
0x42: {  	[sflag:s22] =	ssyncadd.s32 $0xFFFFFF80  }
0x43: {  	_ =	swait.ge [sflag:s23], $0x80  }
0x44: {  	[sflag:s23] =	ssyncset.done $0x0  }
0x45: {  	s18 =	simm.s32 @p1 $0x0;
	s17 =	sshra.s32 s17, $0x2;
	[sflag:s23] =	ssyncadd.s32 $0xFFFFFF80  }
0x46: {  	[tilespmem:s18], [sflag:$0x9] =	stream.linear.gather @p1 [hbm4b:s11+s18], $0x80, $0x38;
	[tilespmem:$0x10700] =	vst v63  }
0x47: {  	s19 =	simm.s32 @p1 $0x100;
	s15 =	sadd.s32 $0x10400, s17  }
0x48: {  	[tilespmem:s19], [sflag:$0xA] =	stream.linear.gather @p1 [hbm4b:s12+s18], $0x80, $0x38;
	[tilespmem:$0x10700] =	vst v63  }
0x49: {  	p0 =	por p1, p1;
	v16 =	vmov s15;
	s18 =	simm.s32 $0x0  }
.LBB2_3:
0x4a: {  	s19 =	sshll.u32 s18, $0xB  }
0x4b: {  	v17 =	vld [tilespmem:s19+$0x200]  }
0x4c: {  	v18 =	vld [tilespmem:s19+$0x210]  }
0x4d: {  	v19 =	vld [tilespmem:s19+$0x220]  }
0x4e: {  	v20 =	vld [tilespmem:s19+$0x230]  }
0x4f: {  	v21 =	vld [tilespmem:s19+$0x240]  }
0x50: {  	v22 =	vld [tilespmem:s19+$0x250]  }
0x51: {  	v23 =	vld [tilespmem:s19+$0x260]  }
0x52: {  	v24 =	vld [tilespmem:s19+$0x270]  }
0x53: {  	v25 =	vld [tilespmem:s19+$0x8200]  }
0x54: {  	v26 =	vld [tilespmem:s19+$0x8210]  }
0x55: {  	v27 =	vld [tilespmem:s19+$0x8220]  }
0x56: {  	v28 =	vld [tilespmem:s19+$0x8230]  }
0x57: {  	v29 =	vld [tilespmem:s19+$0x8240]  }
0x58: {  	v30 =	vld [tilespmem:s19+$0x8250]  }
0x59: {  	v31 =	vld [tilespmem:s19+$0x8260]  }
0x5a: {  	v32 =	vld [tilespmem:s19+$0x8270]  }
0x5b: {  	v33 =	vld [tilespmem:s19+$0x280]  }
0x5c: {  	v34 =	vld [tilespmem:s19+$0x290]  }
0x5d: {  	v35 =	vld [tilespmem:s19+$0x2A0]  }
0x5e: {  	v36 =	vld [tilespmem:s19+$0x2B0]  }
0x5f: {  	v37 =	vld [tilespmem:s19+$0x2C0];
	v17 =	vmul.f32 v25, v17;
	v18 =	vmul.f32 v26, v18  }
0x60: {  	v38 =	vld [tilespmem:s19+$0x2D0];
	v19 =	vmul.f32 v27, v19;
	v20 =	vmul.f32 v28, v20  }
0x61: {  	v40 =	vld [tilespmem:s19+$0x2E0];
	v21 =	vmul.f32 v29, v21;
	v22 =	vmul.f32 v30, v22  }
0x62: {  	v41 =	vld [tilespmem:s19+$0x2F0];
	v23 =	vmul.f32 v31, v23;
	v24 =	vmul.f32 v32, v24  }
0x63: {  	v42 =	vld [tilespmem:s19+$0x8280];
	v17 =	vadd.f32 v18, v17;
	v18 =	vadd.f32 v20, v19  }
0x64: {  	v43 =	vld [tilespmem:s19+$0x8290];
	v44 =	vadd.f32 v22, v21;
	v45 =	vadd.f32 v24, v23  }
0x65: {  	v46 =	vld [tilespmem:s19+$0x82B0]  }
0x66: {  	v47 =	vld [tilespmem:s19+$0x82C0];
	v17 =	vadd.f32 v18, v17;
	v18 =	vadd.f32 v45, v44  }
0x67: {  	v48 =	vld [tilespmem:s19+$0x82D0]  }
0x68: {  	v49 =	vld [tilespmem:s19+$0x82E0];
	v17 =	vadd.f32 v18, v17  }
0x69: {  	v19 =	vld [tilespmem:s19+$0x82A0]  }
0x6a: {  	v18 =	vld [tilespmem:s19+$0x82F0];
	[tilespmem:$0x10600] =	vst v17  }
0x6b: {  	v17 =	vld [tilespmem:s19+$0x300]  }
0x6c: {  	v50 =	vld [tilespmem:s19+$0x310]  }
0x6d: {  	v51 =	vld [tilespmem:s19+$0x320]  }
0x6e: {  	v52 =	vld [tilespmem:s19+$0x330]  }
0x6f: {  	v27 =	vmul.f32 v42, v33;
	v28 =	vmul.f32 v43, v34;
	v53 =	vld [tilespmem:s19+$0x340]  }
0x70: {  	v22 =	vmul.f32 v46, v36;
	v23 =	vmul.f32 v47, v37;
	v54 =	vld [tilespmem:s19+$0x350]  }
0x71: {  	v20 =	vmul.f32 v48, v38;
	v21 =	vmul.f32 v49, v40;
	v55 =	vld [tilespmem:s19+$0x360]  }
0x72: {  	v19 =	vmul.f32 v19, v35;
	v56 =	vld [tilespmem:s19+$0x370];
	v18 =	vmul.f32 v18, v41  }
0x73: {  	v59 =	vadd.f32 v28, v27;
	v20 =	vadd.f32 v20, v23;
	v57 =	vld [tilespmem:s19+$0x8300]  }
0x74: {  	v58 =	vld [tilespmem:s19+$0x8310];
	v19 =	vadd.f32 v22, v19;
	v18 =	vadd.f32 v18, v21  }
0x75: {  	v60 =	vld [tilespmem:s19+$0x8320]  }
0x76: {  	v61 =	vld [tilespmem:s19+$0x8330];
	v19 =	vadd.f32 v19, v59;
	v18 =	vadd.f32 v18, v20  }
0x77: {  	v62 =	vld [tilespmem:s19+$0x8340]  }
0x78: {  	v63 =	vld [tilespmem:s19+$0x8350];
	v18 =	vadd.f32 v18, v19  }
0x79: {  	v40 =	vld [tilespmem:s19+$0x8360]  }
0x7a: {  	v19 =	vld [tilespmem:s19+$0x8370];
	[tilespmem:$0x10610] =	vst v18  }
0x7b: {  	v18 =	vld [tilespmem:s19+$0x380]  }
0x7c: {  	v41 =	vld [tilespmem:s19+$0x390]  }
0x7d: {  	v42 =	vld [tilespmem:s19+$0x3A0]  }
0x7e: {  	v43 =	vld [tilespmem:s19+$0x3B0]  }
0x7f: {  	v17 =	vmul.f32 v57, v17;
	v24 =	vmul.f32 v58, v50;
	v44 =	vld [tilespmem:s19+$0x3C0]  }
0x80: {  	v22 =	vmul.f32 v60, v51;
	v21 =	vmul.f32 v61, v52;
	v45 =	vld [tilespmem:s19+$0x3D0]  }
0x81: {  	v23 =	vmul.f32 v62, v53;
	v26 =	vmul.f32 v40, v55;
	v46 =	vld [tilespmem:s19+$0x3E0]  }
0x82: {  	v20 =	vmul.f32 v63, v54;
	v47 =	vld [tilespmem:s19+$0x3F0];
	v19 =	vmul.f32 v19, v56  }
0x83: {  	v17 =	vadd.f32 v24, v17;
	v21 =	vadd.f32 v21, v22;
	v48 =	vld [tilespmem:s19+$0x8380]  }
0x84: {  	v20 =	vadd.f32 v20, v23;
	v49 =	vld [tilespmem:s19+$0x8390];
	v19 =	vadd.f32 v19, v26  }
0x85: {  	v50 =	vld [tilespmem:s19+$0x83A0]  }
0x86: {  	v17 =	vadd.f32 v21, v17;
	v51 =	vld [tilespmem:s19+$0x83B0];
	v19 =	vadd.f32 v19, v20  }
0x87: {  	v52 =	vld [tilespmem:s19+$0x83C0]  }
0x88: {  	v53 =	vld [tilespmem:s19+$0x83D0];
	v17 =	vadd.f32 v19, v17  }
0x89: {  	v54 =	vld [tilespmem:s19+$0x83E0]  }
0x8a: {  	v19 =	vld [tilespmem:s19+$0x83F0];
	[tilespmem:$0x10620] =	vst v17  }
0x8b: {  	v17 =	vld [tilespmem:s19+$0x400]  }
0x8c: {  	v55 =	vld [tilespmem:s19+$0x410]  }
0x8d: {  	v56 =	vld [tilespmem:s19+$0x420]  }
0x8e: {  	v57 =	vld [tilespmem:s19+$0x430]  }
0x8f: {  	v18 =	vmul.f32 v48, v18;
	v27 =	vmul.f32 v49, v41;
	v58 =	vld [tilespmem:s19+$0x440]  }
0x90: {  	v22 =	vmul.f32 v50, v42;
	v23 =	vmul.f32 v51, v43;
	v59 =	vld [tilespmem:s19+$0x450]  }
0x91: {  	v24 =	vmul.f32 v52, v44;
	v21 =	vmul.f32 v54, v46;
	v60 =	vld [tilespmem:s19+$0x460]  }
0x92: {  	v20 =	vmul.f32 v53, v45;
	v61 =	vld [tilespmem:s19+$0x470];
	v19 =	vmul.f32 v19, v47  }
0x93: {  	v18 =	vadd.f32 v27, v18;
	v22 =	vadd.f32 v23, v22;
	v62 =	vld [tilespmem:s19+$0x8400]  }
0x94: {  	v20 =	vadd.f32 v20, v24;
	v63 =	vld [tilespmem:s19+$0x8410];
	v19 =	vadd.f32 v19, v21  }
0x95: {  	v40 =	vld [tilespmem:s19+$0x8420]  }
0x96: {  	v18 =	vadd.f32 v22, v18;
	v41 =	vld [tilespmem:s19+$0x8430];
	v19 =	vadd.f32 v19, v20  }
0x97: {  	v42 =	vld [tilespmem:s19+$0x8440]  }
0x98: {  	v43 =	vld [tilespmem:s19+$0x8450];
	v18 =	vadd.f32 v19, v18  }
0x99: {  	v44 =	vld [tilespmem:s19+$0x8460]  }
0x9a: {  	v19 =	vld [tilespmem:s19+$0x8470];
	[tilespmem:$0x10630] =	vst v18  }
0x9b: {  	v18 =	vld [tilespmem:s19+$0x480]  }
0x9c: {  	v45 =	vld [tilespmem:s19+$0x490]  }
0x9d: {  	v46 =	vld [tilespmem:s19+$0x4A0]  }
0x9e: {  	v47 =	vld [tilespmem:s19+$0x4B0]  }
0x9f: {  	v17 =	vmul.f32 v62, v17;
	v25 =	vmul.f32 v63, v55;
	v48 =	vld [tilespmem:s19+$0x4C0]  }
0xa0: {  	v23 =	vmul.f32 v40, v56;
	v21 =	vmul.f32 v41, v57;
	v49 =	vld [tilespmem:s19+$0x4D0]  }
0xa1: {  	v24 =	vmul.f32 v42, v58;
	v22 =	vmul.f32 v44, v60;
	v50 =	vld [tilespmem:s19+$0x4E0]  }
0xa2: {  	v20 =	vmul.f32 v43, v59;
	v51 =	vld [tilespmem:s19+$0x4F0];
	v19 =	vmul.f32 v19, v61  }
0xa3: {  	v17 =	vadd.f32 v25, v17;
	v21 =	vadd.f32 v21, v23;
	v52 =	vld [tilespmem:s19+$0x8480]  }
0xa4: {  	v20 =	vadd.f32 v20, v24;
	v53 =	vld [tilespmem:s19+$0x8490];
	v19 =	vadd.f32 v19, v22  }
0xa5: {  	v54 =	vld [tilespmem:s19+$0x84A0]  }
0xa6: {  	v17 =	vadd.f32 v21, v17;
	v55 =	vld [tilespmem:s19+$0x84B0];
	v19 =	vadd.f32 v19, v20  }
0xa7: {  	v56 =	vld [tilespmem:s19+$0x84C0]  }
0xa8: {  	v57 =	vld [tilespmem:s19+$0x84D0];
	v17 =	vadd.f32 v19, v17  }
0xa9: {  	v58 =	vld [tilespmem:s19+$0x84E0]  }
0xaa: {  	v19 =	vld [tilespmem:s19+$0x84F0];
	[tilespmem:$0x10640] =	vst v17  }
0xab: {  	v17 =	vld [tilespmem:s19+$0x500]  }
0xac: {  	v59 =	vld [tilespmem:s19+$0x510]  }
0xad: {  	v60 =	vld [tilespmem:s19+$0x520]  }
0xae: {  	v61 =	vld [tilespmem:s19+$0x530]  }
0xaf: {  	v18 =	vmul.f32 v52, v18;
	v27 =	vmul.f32 v53, v45;
	v62 =	vld [tilespmem:s19+$0x540]  }
0xb0: {  	v23 =	vmul.f32 v54, v46;
	v22 =	vmul.f32 v55, v47;
	v63 =	vld [tilespmem:s19+$0x550]  }
0xb1: {  	v24 =	vmul.f32 v56, v48;
	v21 =	vmul.f32 v58, v50;
	v40 =	vld [tilespmem:s19+$0x560]  }
0xb2: {  	v20 =	vmul.f32 v57, v49;
	v41 =	vld [tilespmem:s19+$0x570];
	v19 =	vmul.f32 v19, v51  }
0xb3: {  	v18 =	vadd.f32 v27, v18;
	v22 =	vadd.f32 v22, v23;
	v42 =	vld [tilespmem:s19+$0x8500]  }
0xb4: {  	v20 =	vadd.f32 v20, v24;
	v43 =	vld [tilespmem:s19+$0x8510];
	v19 =	vadd.f32 v19, v21  }
0xb5: {  	v44 =	vld [tilespmem:s19+$0x8520]  }
0xb6: {  	v18 =	vadd.f32 v22, v18;
	v45 =	vld [tilespmem:s19+$0x8530];
	v19 =	vadd.f32 v19, v20  }
0xb7: {  	v46 =	vld [tilespmem:s19+$0x8540]  }
0xb8: {  	v47 =	vld [tilespmem:s19+$0x8550];
	v18 =	vadd.f32 v19, v18  }
0xb9: {  	v48 =	vld [tilespmem:s19+$0x8560]  }
0xba: {  	v19 =	vld [tilespmem:s19+$0x8570];
	[tilespmem:$0x10650] =	vst v18  }
0xbb: {  	v18 =	vld [tilespmem:s19+$0x580]  }
0xbc: {  	v49 =	vld [tilespmem:s19+$0x590]  }
0xbd: {  	v50 =	vld [tilespmem:s19+$0x5A0]  }
0xbe: {  	v51 =	vld [tilespmem:s19+$0x5B0]  }
0xbf: {  	v17 =	vmul.f32 v42, v17;
	v25 =	vmul.f32 v43, v59;
	v52 =	vld [tilespmem:s19+$0x5C0]  }
0xc0: {  	v23 =	vmul.f32 v44, v60;
	v21 =	vmul.f32 v45, v61;
	v53 =	vld [tilespmem:s19+$0x5D0]  }
0xc1: {  	v24 =	vmul.f32 v46, v62;
	v22 =	vmul.f32 v48, v40;
	v54 =	vld [tilespmem:s19+$0x5E0]  }
0xc2: {  	v20 =	vmul.f32 v47, v63;
	v55 =	vld [tilespmem:s19+$0x5F0];
	v19 =	vmul.f32 v19, v41  }
0xc3: {  	v17 =	vadd.f32 v25, v17;
	v21 =	vadd.f32 v21, v23;
	v56 =	vld [tilespmem:s19+$0x8580]  }
0xc4: {  	v20 =	vadd.f32 v20, v24;
	v57 =	vld [tilespmem:s19+$0x8590];
	v19 =	vadd.f32 v19, v22  }
0xc5: {  	v58 =	vld [tilespmem:s19+$0x85A0]  }
0xc6: {  	v17 =	vadd.f32 v21, v17;
	v59 =	vld [tilespmem:s19+$0x85B0];
	v19 =	vadd.f32 v19, v20  }
0xc7: {  	v60 =	vld [tilespmem:s19+$0x85C0]  }
0xc8: {  	v61 =	vld [tilespmem:s19+$0x85D0];
	v17 =	vadd.f32 v19, v17  }
0xc9: {  	v62 =	vld [tilespmem:s19+$0x85E0]  }
0xca: {  	v19 =	vld [tilespmem:s19+$0x85F0];
	[tilespmem:$0x10660] =	vst v17  }
0xcb: {  	v17 =	vld [tilespmem:s19+$0x600]  }
0xcc: {  	v63 =	vld [tilespmem:s19+$0x610]  }
0xcd: {  	v40 =	vld [tilespmem:s19+$0x620]  }
0xce: {  	v41 =	vld [tilespmem:s19+$0x630]  }
0xcf: {  	v18 =	vmul.f32 v56, v18;
	v27 =	vmul.f32 v57, v49;
	v42 =	vld [tilespmem:s19+$0x640]  }
0xd0: {  	v23 =	vmul.f32 v58, v50;
	v22 =	vmul.f32 v59, v51;
	v43 =	vld [tilespmem:s19+$0x650]  }
0xd1: {  	v24 =	vmul.f32 v60, v52;
	v21 =	vmul.f32 v62, v54;
	v44 =	vld [tilespmem:s19+$0x660]  }
0xd2: {  	v20 =	vmul.f32 v61, v53;
	v45 =	vld [tilespmem:s19+$0x670];
	v19 =	vmul.f32 v19, v55  }
0xd3: {  	v18 =	vadd.f32 v27, v18;
	v22 =	vadd.f32 v22, v23;
	v46 =	vld [tilespmem:s19+$0x8600]  }
0xd4: {  	v20 =	vadd.f32 v20, v24;
	v47 =	vld [tilespmem:s19+$0x8610];
	v19 =	vadd.f32 v19, v21  }
0xd5: {  	v48 =	vld [tilespmem:s19+$0x8620]  }
0xd6: {  	v18 =	vadd.f32 v22, v18;
	v49 =	vld [tilespmem:s19+$0x8630];
	v19 =	vadd.f32 v19, v20  }
0xd7: {  	v50 =	vld [tilespmem:s19+$0x8640]  }
0xd8: {  	v51 =	vld [tilespmem:s19+$0x8650];
	v18 =	vadd.f32 v19, v18  }
0xd9: {  	v52 =	vld [tilespmem:s19+$0x8660]  }
0xda: {  	v19 =	vld [tilespmem:s19+$0x8670];
	[tilespmem:$0x10670] =	vst v18  }
0xdb: {  	v18 =	vld [tilespmem:s19+$0x680]  }
0xdc: {  	v53 =	vld [tilespmem:s19+$0x690]  }
0xdd: {  	v54 =	vld [tilespmem:s19+$0x6A0]  }
0xde: {  	v55 =	vld [tilespmem:s19+$0x6B0]  }
0xdf: {  	v17 =	vmul.f32 v46, v17;
	v25 =	vmul.f32 v47, v63;
	v56 =	vld [tilespmem:s19+$0x6C0]  }
0xe0: {  	v23 =	vmul.f32 v48, v40;
	v21 =	vmul.f32 v49, v41;
	v57 =	vld [tilespmem:s19+$0x6D0]  }
0xe1: {  	v24 =	vmul.f32 v50, v42;
	v22 =	vmul.f32 v52, v44;
	v58 =	vld [tilespmem:s19+$0x6E0]  }
0xe2: {  	v20 =	vmul.f32 v51, v43;
	v59 =	vld [tilespmem:s19+$0x6F0];
	v19 =	vmul.f32 v19, v45  }
0xe3: {  	v17 =	vadd.f32 v25, v17;
	v21 =	vadd.f32 v21, v23;
	v60 =	vld [tilespmem:s19+$0x8680]  }
0xe4: {  	v20 =	vadd.f32 v20, v24;
	v61 =	vld [tilespmem:s19+$0x8690];
	v19 =	vadd.f32 v19, v22  }
0xe5: {  	v62 =	vld [tilespmem:s19+$0x86A0]  }
0xe6: {  	v17 =	vadd.f32 v21, v17;
	v63 =	vld [tilespmem:s19+$0x86B0];
	v19 =	vadd.f32 v19, v20  }
0xe7: {  	v39 =	vld [tilespmem:s19+$0x86C0]  }
0xe8: {  	v40 =	vld [tilespmem:s19+$0x86D0];
	v17 =	vadd.f32 v19, v17  }
0xe9: {  	v41 =	vld [tilespmem:s19+$0x86E0]  }
0xea: {  	v19 =	vld [tilespmem:s19+$0x86F0];
	[tilespmem:$0x10680] =	vst v17  }
0xeb: {  	v17 =	vld [tilespmem:s19+$0x700]  }
0xec: {  	v42 =	vld [tilespmem:s19+$0x710]  }
0xed: {  	v43 =	vld [tilespmem:s19+$0x720]  }
0xee: {  	v44 =	vld [tilespmem:s19+$0x730]  }
0xef: {  	v18 =	vmul.f32 v60, v18;
	v27 =	vmul.f32 v61, v53;
	v45 =	vld [tilespmem:s19+$0x740]  }
0xf0: {  	v23 =	vmul.f32 v62, v54;
	v22 =	vmul.f32 v63, v55;
	v46 =	vld [tilespmem:s19+$0x750]  }
0xf1: {  	v24 =	vmul.f32 v39, v56;
	v21 =	vmul.f32 v41, v58;
	v47 =	vld [tilespmem:s19+$0x760]  }
0xf2: {  	v20 =	vmul.f32 v40, v57;
	v48 =	vld [tilespmem:s19+$0x770];
	v19 =	vmul.f32 v19, v59  }
0xf3: {  	v18 =	vadd.f32 v27, v18;
	v22 =	vadd.f32 v22, v23;
	v49 =	vld [tilespmem:s19+$0x8700]  }
0xf4: {  	v20 =	vadd.f32 v20, v24;
	v50 =	vld [tilespmem:s19+$0x8710];
	v19 =	vadd.f32 v19, v21  }
0xf5: {  	v51 =	vld [tilespmem:s19+$0x8720]  }
0xf6: {  	v18 =	vadd.f32 v22, v18;
	v52 =	vld [tilespmem:s19+$0x8730];
	v19 =	vadd.f32 v19, v20  }
0xf7: {  	v53 =	vld [tilespmem:s19+$0x8740]  }
0xf8: {  	v54 =	vld [tilespmem:s19+$0x8750];
	v18 =	vadd.f32 v19, v18  }
0xf9: {  	v55 =	vld [tilespmem:s19+$0x8760]  }
0xfa: {  	v19 =	vld [tilespmem:s19+$0x8770];
	[tilespmem:$0x10690] =	vst v18  }
0xfb: {  	v18 =	vld [tilespmem:s19+$0x780]  }
0xfc: {  	v56 =	vld [tilespmem:s19+$0x790]  }
0xfd: {  	v57 =	vld [tilespmem:s19+$0x7A0]  }
0xfe: {  	v58 =	vld [tilespmem:s19+$0x7B0]  }
0xff: {  	v17 =	vmul.f32 v49, v17;
	v25 =	vmul.f32 v50, v42;
	v59 =	vld [tilespmem:s19+$0x7C0]  }
0x100: {  	v23 =	vmul.f32 v51, v43;
	v21 =	vmul.f32 v52, v44;
	v60 =	vld [tilespmem:s19+$0x7D0]  }
0x101: {  	v24 =	vmul.f32 v53, v45;
	v22 =	vmul.f32 v55, v47;
	v61 =	vld [tilespmem:s19+$0x7E0]  }
0x102: {  	v20 =	vmul.f32 v54, v46;
	v62 =	vld [tilespmem:s19+$0x7F0];
	v19 =	vmul.f32 v19, v48  }
0x103: {  	v17 =	vadd.f32 v25, v17;
	v21 =	vadd.f32 v21, v23;
	v63 =	vld [tilespmem:s19+$0x8780]  }
0x104: {  	v20 =	vadd.f32 v20, v24;
	v39 =	vld [tilespmem:s19+$0x8790];
	v19 =	vadd.f32 v19, v22  }
0x105: {  	v40 =	vld [tilespmem:s19+$0x87A0]  }
0x106: {  	v17 =	vadd.f32 v21, v17;
	v41 =	vld [tilespmem:s19+$0x87B0];
	v19 =	vadd.f32 v19, v20  }
0x107: {  	v42 =	vld [tilespmem:s19+$0x87C0]  }
0x108: {  	v43 =	vld [tilespmem:s19+$0x87D0];
	v17 =	vadd.f32 v19, v17  }
0x109: {  	v44 =	vld [tilespmem:s19+$0x87E0]  }
0x10a: {  	v19 =	vld [tilespmem:s19+$0x87F0];
	[tilespmem:$0x106A0] =	vst v17  }
0x10b: {  	v17 =	vld [tilespmem:s19+$0x800]  }
0x10c: {  	v45 =	vld [tilespmem:s19+$0x810]  }
0x10d: {  	v46 =	vld [tilespmem:s19+$0x820]  }
0x10e: {  	v47 =	vld [tilespmem:s19+$0x830]  }
0x10f: {  	v18 =	vmul.f32 v63, v18;
	v27 =	vmul.f32 v39, v56;
	v48 =	vld [tilespmem:s19+$0x840]  }
0x110: {  	v23 =	vmul.f32 v40, v57;
	v22 =	vmul.f32 v41, v58;
	v49 =	vld [tilespmem:s19+$0x850]  }
0x111: {  	v24 =	vmul.f32 v42, v59;
	v21 =	vmul.f32 v44, v61;
	v50 =	vld [tilespmem:s19+$0x860]  }
0x112: {  	v20 =	vmul.f32 v43, v60;
	v51 =	vld [tilespmem:s19+$0x870];
	v19 =	vmul.f32 v19, v62  }
0x113: {  	v18 =	vadd.f32 v27, v18;
	v22 =	vadd.f32 v22, v23;
	v52 =	vld [tilespmem:s19+$0x8800]  }
0x114: {  	v20 =	vadd.f32 v20, v24;
	v53 =	vld [tilespmem:s19+$0x8810];
	v19 =	vadd.f32 v19, v21  }
0x115: {  	v54 =	vld [tilespmem:s19+$0x8820]  }
0x116: {  	v18 =	vadd.f32 v22, v18;
	v55 =	vld [tilespmem:s19+$0x8830];
	v19 =	vadd.f32 v19, v20  }
0x117: {  	v56 =	vld [tilespmem:s19+$0x8840]  }
0x118: {  	v57 =	vld [tilespmem:s19+$0x8850];
	v18 =	vadd.f32 v19, v18  }
0x119: {  	v58 =	vld [tilespmem:s19+$0x8860]  }
0x11a: {  	v19 =	vld [tilespmem:s19+$0x8870];
	[tilespmem:$0x106B0] =	vst v18  }
0x11b: {  	v18 =	vld [tilespmem:s19+$0x880]  }
0x11c: {  	v59 =	vld [tilespmem:s19+$0x890]  }
0x11d: {  	v60 =	vld [tilespmem:s19+$0x8A0]  }
0x11e: {  	v61 =	vld [tilespmem:s19+$0x8B0]  }
0x11f: {  	v17 =	vmul.f32 v52, v17;
	v25 =	vmul.f32 v53, v45;
	v62 =	vld [tilespmem:s19+$0x8C0]  }
0x120: {  	v23 =	vmul.f32 v54, v46;
	v21 =	vmul.f32 v55, v47;
	v63 =	vld [tilespmem:s19+$0x8D0]  }
0x121: {  	v24 =	vmul.f32 v56, v48;
	v22 =	vmul.f32 v58, v50;
	v40 =	vld [tilespmem:s19+$0x8E0]  }
0x122: {  	v20 =	vmul.f32 v57, v49;
	v41 =	vld [tilespmem:s19+$0x8F0];
	v19 =	vmul.f32 v19, v51  }
0x123: {  	v17 =	vadd.f32 v25, v17;
	v21 =	vadd.f32 v21, v23;
	v42 =	vld [tilespmem:s19+$0x8880]  }
0x124: {  	v20 =	vadd.f32 v20, v24;
	v43 =	vld [tilespmem:s19+$0x8890];
	v19 =	vadd.f32 v19, v22  }
0x125: {  	v44 =	vld [tilespmem:s19+$0x88A0]  }
0x126: {  	v17 =	vadd.f32 v21, v17;
	v45 =	vld [tilespmem:s19+$0x88B0];
	v19 =	vadd.f32 v19, v20  }
0x127: {  	v46 =	vld [tilespmem:s19+$0x88C0]  }
0x128: {  	v47 =	vld [tilespmem:s19+$0x88D0];
	v17 =	vadd.f32 v19, v17  }
0x129: {  	v48 =	vld [tilespmem:s19+$0x88E0]  }
0x12a: {  	v19 =	vld [tilespmem:s19+$0x88F0];
	[tilespmem:$0x106C0] =	vst v17  }
0x12b: {  	v17 =	vld [tilespmem:s19+$0x900]  }
0x12c: {  	v49 =	vld [tilespmem:s19+$0x910]  }
0x12d: {  	v29 =	vld [tilespmem:s19+$0x920]  }
0x12e: {  	v50 =	vld [tilespmem:s19+$0x930]  }
0x12f: {  	v18 =	vmul.f32 v42, v18;
	v27 =	vmul.f32 v43, v59;
	v34 =	vld [tilespmem:s19+$0x940]  }
0x130: {  	v23 =	vmul.f32 v44, v60;
	v22 =	vmul.f32 v45, v61;
	v35 =	vld [tilespmem:s19+$0x950]  }
0x131: {  	v24 =	vmul.f32 v46, v62;
	v21 =	vmul.f32 v48, v40;
	v51 =	vld [tilespmem:s19+$0x960]  }
0x132: {  	v20 =	vmul.f32 v47, v63;
	v52 =	vld [tilespmem:s19+$0x970];
	v19 =	vmul.f32 v19, v41  }
0x133: {  	v18 =	vadd.f32 v27, v18;
	v22 =	vadd.f32 v22, v23;
	v53 =	vld [tilespmem:s19+$0x8900]  }
0x134: {  	v20 =	vadd.f32 v20, v24;
	v54 =	vld [tilespmem:s19+$0x8910];
	v19 =	vadd.f32 v19, v21  }
0x135: {  	v55 =	vld [tilespmem:s19+$0x8920]  }
0x136: {  	v18 =	vadd.f32 v22, v18;
	v56 =	vld [tilespmem:s19+$0x8930];
	v19 =	vadd.f32 v19, v20  }
0x137: {  	v57 =	vld [tilespmem:s19+$0x8940]  }
0x138: {  	v58 =	vld [tilespmem:s19+$0x8950];
	v18 =	vadd.f32 v19, v18  }
0x139: {  	v59 =	vld [tilespmem:s19+$0x8960]  }
0x13a: {  	v19 =	vld [tilespmem:s19+$0x8970];
	[tilespmem:$0x106D0] =	vst v18  }
0x13b: {  	v18 =	vld [tilespmem:s19+$0x980]  }
0x13c: {  	v60 =	vld [tilespmem:s19+$0x990]  }
0x13d: {  	v61 =	vld [tilespmem:s19+$0x9A0]  }
0x13e: {  	v62 =	vld [tilespmem:s19+$0x9B0]  }
0x13f: {  	v63 =	vld [tilespmem:s19+$0x9C0]  }
0x140: {  	v48 =	vld [tilespmem:s19+$0x9D0]  }
0x141: {  	v39 =	vld [tilespmem:s19+$0x9E0]  }
0x142: {  	v40 =	vld [tilespmem:s19+$0x9F0]  }
0x143: {  	v41 =	vld [tilespmem:s19+$0x8980]  }
0x144: {  	v42 =	vld [tilespmem:s19+$0x8990]  }
0x145: {  	v43 =	vld [tilespmem:s19+$0x89A0]  }
0x146: {  	v44 =	vld [tilespmem:s19+$0x89B0]  }
0x147: {  	v45 =	vld [tilespmem:s19+$0x89C0]  }
0x148: {  	v17 =	vmul.f32 v53, v17;
	v25 =	vmul.f32 v54, v49;
	v46 =	vld [tilespmem:s19+$0x89D0]  }
0x149: {  	v23 =	vmul.f32 v55, v29;
	v21 =	vmul.f32 v56, v50;
	v49 =	vld [tilespmem:s19+$0x89E0]  }
0x14a: {  	v24 =	vmul.f32 v57, v34;
	v22 =	vmul.f32 v59, v51;
	v50 =	vld [tilespmem:s19+$0x89F0]  }
0x14b: {  	v20 =	vmul.f32 v58, v35;
	v19 =	vmul.f32 v19, v52  }
0x14c: {  	v17 =	vadd.f32 v25, v17;
	v18 =	vmul.f32 v41, v18;
	v51 =	vmul.f32 v42, v60  }
0x14d: {  	v21 =	vadd.f32 v21, v23;
	v52 =	vmul.f32 v43, v61;
	v53 =	vmul.f32 v44, v62  }
0x14e: {  	v20 =	vadd.f32 v20, v24;
	v54 =	vmul.f32 v45, v63;
	v55 =	vmul.f32 v46, v48  }
0x14f: {  	v19 =	vadd.f32 v19, v22;
	v56 =	vmul.f32 v49, v39;
	v57 =	vmul.f32 v50, v40  }
0x150: {  	v18 =	vadd.f32 v51, v18;
	v23 =	vadd.f32 v53, v52  }
0x151: {  	v24 =	vadd.f32 v55, v54;
	v22 =	vadd.f32 v57, v56  }
0x152: {  	v17 =	vadd.f32 v21, v17;
	v19 =	vadd.f32 v19, v20  }
0x153: {  	v18 =	vadd.f32 v23, v18;
	v58 =	vadd.f32 v22, v24  }
0x154: {  	v17 =	vadd.f32 v19, v17  }
0x155: {  	v18 =	vadd.f32 v58, v18  }
0x156: {  	[tilespmem:$0x106E0] =	vst v17  }
0x157: {  	s15 =	sshll.u32 s18, $0x4;
	[tilespmem:$0x106F0] =	vst v18  }
0x158: {  	v17 =	vld [tilespmem:s15+$0x10200]  }
0x159: {  	v18 =	vld [tilespmem:s15+$0x10300];
	_ =	sdelay $0x1  }
0x15a: {  	v19 =	vld.idx.msk [tilespmem:v0+s24+$0x0], $0xffff;
	_ =	sdelay $0x1  }
0x15b: {  	v59 =	vld.idx.msk [tilespmem:v1+s24+$0x0], $0xffff  }
0x15c: {  	v17 =	vadd.f32 v18, v17  }
0x15d: {  	v18 =	vld.idx.msk [tilespmem:v2+s24+$0x0], $0xffff  }
0x15e: {  	v17 =	vadd.f32 v19, v17  }
0x15f: {  	v19 =	vld.idx.msk [tilespmem:v3+s24+$0x0], $0xffff  }
0x160: {  	v17 =	vadd.f32 v59, v17  }
0x161: {  	v60 =	vld.idx.msk [tilespmem:v4+s24+$0x0], $0xffff  }
0x162: {  	v17 =	vadd.f32 v18, v17  }
0x163: {  	v18 =	vld.idx.msk [tilespmem:v5+s24+$0x0], $0xffff  }
0x164: {  	v17 =	vadd.f32 v19, v17  }
0x165: {  	v19 =	vld.idx.msk [tilespmem:v6+s24+$0x0], $0xffff  }
0x166: {  	v17 =	vadd.f32 v60, v17  }
0x167: {  	v61 =	vld.idx.msk [tilespmem:v7+s24+$0x0], $0xffff  }
0x168: {  	v17 =	vadd.f32 v18, v17  }
0x169: {  	v18 =	vld.idx.msk [tilespmem:v8+s24+$0x0], $0xffff  }
0x16a: {  	v17 =	vadd.f32 v19, v17  }
0x16b: {  	v19 =	vld.idx.msk [tilespmem:v9+s24+$0x0], $0xffff  }
0x16c: {  	v17 =	vadd.f32 v61, v17  }
0x16d: {  	v62 =	vld.idx.msk [tilespmem:v10+s24+$0x0], $0xffff  }
0x16e: {  	v17 =	vadd.f32 v18, v17  }
0x16f: {  	v18 =	vld.idx.msk [tilespmem:v11+s24+$0x0], $0xffff  }
0x170: {  	v17 =	vadd.f32 v19, v17  }
0x171: {  	v19 =	vld.idx.msk [tilespmem:v12+s24+$0x0], $0xffff  }
0x172: {  	v17 =	vadd.f32 v62, v17  }
0x173: {  	v63 =	vld.idx.msk [tilespmem:v13+s24+$0x0], $0xffff  }
0x174: {  	v17 =	vadd.f32 v18, v17  }
0x175: {  	v18 =	vld.idx.msk [tilespmem:v14+s24+$0x0], $0xffff  }
0x176: {  	v17 =	vadd.f32 v19, v17  }
0x177: {  	v19 =	vld.idx.msk [tilespmem:v15+s24+$0x0], $0xffff  }
0x178: {  	v17 =	vadd.f32 v63, v17  }
0x179: {  	p1 =	sne.s32 s18, $0x7  }
.Ltmp0:
0x17a: {  	v17 =	vadd.f32 v18, v17;
	(pc) =	sbr.rel @p1 .LBB2_3-.Ltmp0, $3  }
0x17b: {  	_ = 	snop  }
0x17c: {  	v17 =	vadd.f32 v19, v17;
	_ =	sdelay $0x1  }
0x17d: {  	s18 =	sadd.s32 $0x1, s18;
	[tilespmem:v16+s15+$0x0 ss:$0x1] =	vst.idx.msk $0xffff, v17  }
0x17e: {  	s18 =	simm.s32 @p0 $0x9  }
0x17f: {  	_ =	swait.ge @p0 [sflag:s18], $0x80  }
0x180: {  	[sflag:s18] =	ssyncset.done @p0 $0x0  }
0x181: {  	[sflag:s18] =	ssyncadd.s32 @p0 $0xFFFFFF80;
	s18 =	simm.s32 @p0 $0xA  }
0x182: {  	_ =	swait.ge @p0 [sflag:s18], $0x80  }
0x183: {  	s19 =	simm.s32 @p0 $0x0;
	[sflag:s18] =	ssyncset.done @p0 $0x0  }
0x184: {  	s15 =	simm.s32 @p0 $0x200;
	[sflag:s18] =	ssyncadd.s32 @p0 $0xFFFFFF80;
	s18 =	simm.s32 @p0 $0x80  }
0x185: {  	[tilespmem:s15], [sflag:$0x1] =	stream.indirect.gather @p0 [hbm4b:s1+s18], $0x80, s19, s18, $0xb8;
	[tilespmem:$0x10700] =	vst v63  }
0x186: {  	s6 =	simm.s32 @p0 $0x8200;
	s15 =	simm.s32 @p0 $0x100  }
0x187: {  	[tilespmem:s6], [sflag:$0x2] =	stream.indirect.gather @p0 [hbm4b:s2+s18], $0x80, s15, s18, $0xb8;
	[tilespmem:$0x10700] =	vst v63  }
0x188: {  	s6 =	simm.s32 @p0 $0x10200  }
0x189: {  	[tilespmem:s6], [sflag:$0x3] =	stream.indirect.gather @p0 [hbm4b:s3+s18], $0x1, s19, s18, $0xb8;
	[tilespmem:$0x10700] =	vst v63  }
0x18a: {  	s6 =	simm.s32 @p0 $0x10300  }
0x18b: {  	[tilespmem:s6], [sflag:$0x4] =	stream.indirect.gather @p0 [hbm4b:s4+s18], $0x1, s15, s18, $0xb8;
	[tilespmem:$0x10700] =	vst v63  }
0x18c: {  	_ =	swait.ge [sflag:s7], $0x4000  }
0x18d: {  	[sflag:s7] =	ssyncset.done $0x0  }
0x18e: {  	[sflag:s7] =	ssyncadd.s32 $0xFFFFC000  }
0x18f: {  	_ =	swait.ge [sflag:s8], $0x4000  }
0x190: {  	[sflag:s8] =	ssyncset.done $0x0  }
0x191: {  	[sflag:s8] =	ssyncadd.s32 $0xFFFFC000  }
0x192: {  	_ =	swait.ge [sflag:s9], $0x80  }
0x193: {  	[sflag:s9] =	ssyncset.done $0x0  }
0x194: {  	[sflag:s9] =	ssyncadd.s32 $0xFFFFFF80  }
0x195: {  	_ =	swait.ge [sflag:s10], $0x80  }
0x196: {  	[sflag:s10] =	ssyncset.done $0x0  }
0x197: {  	[sflag:s10] =	ssyncadd.s32 $0xFFFFFF80  }
0x198: {  	[tilespmem:s18], [sflag:$0xB] =	stream.linear.gather @p0 [hbm4b:s13+s19], $0x80, $0x38;
	[tilespmem:$0x10700] =	vst v63  }
0x199: {  	s6 =	simm.s32 @p0 $0x180  }
0x19a: {  	[tilespmem:s6], [sflag:$0xC] =	stream.linear.gather @p0 [hbm4b:s14+s19], $0x80, $0x38;
	[tilespmem:$0x10700] =	vst v63  }
0x19b: {  	s19 =	sadd.s32 $0x10480, s17  }
0x19c: {  	s17 =	simm.s32 $0x0;
	v16 =	vmov s19  }
.LBB2_5:
0x19d: {  	s18 =	sshll.u32 s17, $0xB  }
0x19e: {  	v17 =	vld [tilespmem:s18+$0x4200]  }
0x19f: {  	v18 =	vld [tilespmem:s18+$0x4210]  }
0x1a0: {  	v19 =	vld [tilespmem:s18+$0x4220]  }
0x1a1: {  	v20 =	vld [tilespmem:s18+$0x4230]  }
0x1a2: {  	v21 =	vld [tilespmem:s18+$0x4240]  }
0x1a3: {  	v22 =	vld [tilespmem:s18+$0x4250]  }
0x1a4: {  	v23 =	vld [tilespmem:s18+$0x4260]  }
0x1a5: {  	v24 =	vld [tilespmem:s18+$0x4270]  }
0x1a6: {  	v25 =	vld [tilespmem:s18+$0xC200]  }
0x1a7: {  	v26 =	vld [tilespmem:s18+$0xC210]  }
0x1a8: {  	v27 =	vld [tilespmem:s18+$0xC220]  }
0x1a9: {  	v28 =	vld [tilespmem:s18+$0xC230]  }
0x1aa: {  	v29 =	vld [tilespmem:s18+$0xC240]  }
0x1ab: {  	v30 =	vld [tilespmem:s18+$0xC250]  }
0x1ac: {  	v31 =	vld [tilespmem:s18+$0xC260]  }
0x1ad: {  	v32 =	vld [tilespmem:s18+$0xC270]  }
0x1ae: {  	v33 =	vld [tilespmem:s18+$0x4280]  }
0x1af: {  	v34 =	vld [tilespmem:s18+$0x4290]  }
0x1b0: {  	v35 =	vld [tilespmem:s18+$0x42A0]  }
0x1b1: {  	v36 =	vld [tilespmem:s18+$0x42B0]  }
0x1b2: {  	v37 =	vld [tilespmem:s18+$0x42C0];
	v17 =	vmul.f32 v25, v17;
	v18 =	vmul.f32 v26, v18  }
0x1b3: {  	v38 =	vld [tilespmem:s18+$0x42D0];
	v19 =	vmul.f32 v27, v19;
	v20 =	vmul.f32 v28, v20  }
0x1b4: {  	v40 =	vld [tilespmem:s18+$0x42E0];
	v21 =	vmul.f32 v29, v21;
	v22 =	vmul.f32 v30, v22  }
0x1b5: {  	v41 =	vld [tilespmem:s18+$0x42F0];
	v23 =	vmul.f32 v31, v23;
	v24 =	vmul.f32 v32, v24  }
0x1b6: {  	v42 =	vld [tilespmem:s18+$0xC280];
	v17 =	vadd.f32 v18, v17;
	v18 =	vadd.f32 v20, v19  }
0x1b7: {  	v43 =	vld [tilespmem:s18+$0xC290];
	v44 =	vadd.f32 v22, v21;
	v45 =	vadd.f32 v24, v23  }
0x1b8: {  	v46 =	vld [tilespmem:s18+$0xC2B0]  }
0x1b9: {  	v47 =	vld [tilespmem:s18+$0xC2C0];
	v17 =	vadd.f32 v18, v17;
	v18 =	vadd.f32 v45, v44  }
0x1ba: {  	v48 =	vld [tilespmem:s18+$0xC2D0]  }
0x1bb: {  	v49 =	vld [tilespmem:s18+$0xC2E0];
	v17 =	vadd.f32 v18, v17  }
0x1bc: {  	v19 =	vld [tilespmem:s18+$0xC2A0]  }
0x1bd: {  	v18 =	vld [tilespmem:s18+$0xC2F0];
	[tilespmem:$0x10600] =	vst v17  }
0x1be: {  	v17 =	vld [tilespmem:s18+$0x4300]  }
0x1bf: {  	v50 =	vld [tilespmem:s18+$0x4310]  }
0x1c0: {  	v51 =	vld [tilespmem:s18+$0x4320]  }
0x1c1: {  	v52 =	vld [tilespmem:s18+$0x4330]  }
0x1c2: {  	v27 =	vmul.f32 v42, v33;
	v28 =	vmul.f32 v43, v34;
	v53 =	vld [tilespmem:s18+$0x4340]  }
0x1c3: {  	v22 =	vmul.f32 v46, v36;
	v23 =	vmul.f32 v47, v37;
	v54 =	vld [tilespmem:s18+$0x4350]  }
0x1c4: {  	v20 =	vmul.f32 v48, v38;
	v21 =	vmul.f32 v49, v40;
	v55 =	vld [tilespmem:s18+$0x4360]  }
0x1c5: {  	v19 =	vmul.f32 v19, v35;
	v56 =	vld [tilespmem:s18+$0x4370];
	v18 =	vmul.f32 v18, v41  }
0x1c6: {  	v59 =	vadd.f32 v28, v27;
	v20 =	vadd.f32 v20, v23;
	v57 =	vld [tilespmem:s18+$0xC300]  }
0x1c7: {  	v58 =	vld [tilespmem:s18+$0xC310];
	v19 =	vadd.f32 v22, v19;
	v18 =	vadd.f32 v18, v21  }
0x1c8: {  	v60 =	vld [tilespmem:s18+$0xC320]  }
0x1c9: {  	v61 =	vld [tilespmem:s18+$0xC330];
	v19 =	vadd.f32 v19, v59;
	v18 =	vadd.f32 v18, v20  }
0x1ca: {  	v62 =	vld [tilespmem:s18+$0xC340]  }
0x1cb: {  	v63 =	vld [tilespmem:s18+$0xC350];
	v18 =	vadd.f32 v18, v19  }
0x1cc: {  	v40 =	vld [tilespmem:s18+$0xC360]  }
0x1cd: {  	v19 =	vld [tilespmem:s18+$0xC370];
	[tilespmem:$0x10610] =	vst v18  }
0x1ce: {  	v18 =	vld [tilespmem:s18+$0x4380]  }
0x1cf: {  	v41 =	vld [tilespmem:s18+$0x4390]  }
0x1d0: {  	v42 =	vld [tilespmem:s18+$0x43A0]  }
0x1d1: {  	v43 =	vld [tilespmem:s18+$0x43B0]  }
0x1d2: {  	v17 =	vmul.f32 v57, v17;
	v24 =	vmul.f32 v58, v50;
	v44 =	vld [tilespmem:s18+$0x43C0]  }
0x1d3: {  	v22 =	vmul.f32 v60, v51;
	v21 =	vmul.f32 v61, v52;
	v45 =	vld [tilespmem:s18+$0x43D0]  }
0x1d4: {  	v23 =	vmul.f32 v62, v53;
	v26 =	vmul.f32 v40, v55;
	v46 =	vld [tilespmem:s18+$0x43E0]  }
0x1d5: {  	v20 =	vmul.f32 v63, v54;
	v47 =	vld [tilespmem:s18+$0x43F0];
	v19 =	vmul.f32 v19, v56  }
0x1d6: {  	v17 =	vadd.f32 v24, v17;
	v21 =	vadd.f32 v21, v22;
	v48 =	vld [tilespmem:s18+$0xC380]  }
0x1d7: {  	v20 =	vadd.f32 v20, v23;
	v49 =	vld [tilespmem:s18+$0xC390];
	v19 =	vadd.f32 v19, v26  }
0x1d8: {  	v50 =	vld [tilespmem:s18+$0xC3A0]  }
0x1d9: {  	v17 =	vadd.f32 v21, v17;
	v51 =	vld [tilespmem:s18+$0xC3B0];
	v19 =	vadd.f32 v19, v20  }
0x1da: {  	v52 =	vld [tilespmem:s18+$0xC3C0]  }
0x1db: {  	v53 =	vld [tilespmem:s18+$0xC3D0];
	v17 =	vadd.f32 v19, v17  }
0x1dc: {  	v54 =	vld [tilespmem:s18+$0xC3E0]  }
0x1dd: {  	v19 =	vld [tilespmem:s18+$0xC3F0];
	[tilespmem:$0x10620] =	vst v17  }
0x1de: {  	v17 =	vld [tilespmem:s18+$0x4400]  }
0x1df: {  	v55 =	vld [tilespmem:s18+$0x4410]  }
0x1e0: {  	v56 =	vld [tilespmem:s18+$0x4420]  }
0x1e1: {  	v57 =	vld [tilespmem:s18+$0x4430]  }
0x1e2: {  	v18 =	vmul.f32 v48, v18;
	v27 =	vmul.f32 v49, v41;
	v58 =	vld [tilespmem:s18+$0x4440]  }
0x1e3: {  	v22 =	vmul.f32 v50, v42;
	v23 =	vmul.f32 v51, v43;
	v59 =	vld [tilespmem:s18+$0x4450]  }
0x1e4: {  	v24 =	vmul.f32 v52, v44;
	v21 =	vmul.f32 v54, v46;
	v60 =	vld [tilespmem:s18+$0x4460]  }
0x1e5: {  	v20 =	vmul.f32 v53, v45;
	v61 =	vld [tilespmem:s18+$0x4470];
	v19 =	vmul.f32 v19, v47  }
0x1e6: {  	v18 =	vadd.f32 v27, v18;
	v22 =	vadd.f32 v23, v22;
	v62 =	vld [tilespmem:s18+$0xC400]  }
0x1e7: {  	v20 =	vadd.f32 v20, v24;
	v63 =	vld [tilespmem:s18+$0xC410];
	v19 =	vadd.f32 v19, v21  }
0x1e8: {  	v40 =	vld [tilespmem:s18+$0xC420]  }
0x1e9: {  	v18 =	vadd.f32 v22, v18;
	v41 =	vld [tilespmem:s18+$0xC430];
	v19 =	vadd.f32 v19, v20  }
0x1ea: {  	v42 =	vld [tilespmem:s18+$0xC440]  }
0x1eb: {  	v43 =	vld [tilespmem:s18+$0xC450];
	v18 =	vadd.f32 v19, v18  }
0x1ec: {  	v44 =	vld [tilespmem:s18+$0xC460]  }
0x1ed: {  	v19 =	vld [tilespmem:s18+$0xC470];
	[tilespmem:$0x10630] =	vst v18  }
0x1ee: {  	v18 =	vld [tilespmem:s18+$0x4480]  }
0x1ef: {  	v45 =	vld [tilespmem:s18+$0x4490]  }
0x1f0: {  	v46 =	vld [tilespmem:s18+$0x44A0]  }
0x1f1: {  	v47 =	vld [tilespmem:s18+$0x44B0]  }
0x1f2: {  	v17 =	vmul.f32 v62, v17;
	v25 =	vmul.f32 v63, v55;
	v48 =	vld [tilespmem:s18+$0x44C0]  }
0x1f3: {  	v23 =	vmul.f32 v40, v56;
	v21 =	vmul.f32 v41, v57;
	v49 =	vld [tilespmem:s18+$0x44D0]  }
0x1f4: {  	v24 =	vmul.f32 v42, v58;
	v22 =	vmul.f32 v44, v60;
	v50 =	vld [tilespmem:s18+$0x44E0]  }
0x1f5: {  	v20 =	vmul.f32 v43, v59;
	v51 =	vld [tilespmem:s18+$0x44F0];
	v19 =	vmul.f32 v19, v61  }
0x1f6: {  	v17 =	vadd.f32 v25, v17;
	v21 =	vadd.f32 v21, v23;
	v52 =	vld [tilespmem:s18+$0xC480]  }
0x1f7: {  	v20 =	vadd.f32 v20, v24;
	v53 =	vld [tilespmem:s18+$0xC490];
	v19 =	vadd.f32 v19, v22  }
0x1f8: {  	v54 =	vld [tilespmem:s18+$0xC4A0]  }
0x1f9: {  	v17 =	vadd.f32 v21, v17;
	v55 =	vld [tilespmem:s18+$0xC4B0];
	v19 =	vadd.f32 v19, v20  }
0x1fa: {  	v56 =	vld [tilespmem:s18+$0xC4C0]  }
0x1fb: {  	v57 =	vld [tilespmem:s18+$0xC4D0];
	v17 =	vadd.f32 v19, v17  }
0x1fc: {  	v58 =	vld [tilespmem:s18+$0xC4E0]  }
0x1fd: {  	v19 =	vld [tilespmem:s18+$0xC4F0];
	[tilespmem:$0x10640] =	vst v17  }
0x1fe: {  	v17 =	vld [tilespmem:s18+$0x4500]  }
0x1ff: {  	v59 =	vld [tilespmem:s18+$0x4510]  }
0x200: {  	v60 =	vld [tilespmem:s18+$0x4520]  }
0x201: {  	v61 =	vld [tilespmem:s18+$0x4530]  }
0x202: {  	v18 =	vmul.f32 v52, v18;
	v27 =	vmul.f32 v53, v45;
	v62 =	vld [tilespmem:s18+$0x4540]  }
0x203: {  	v23 =	vmul.f32 v54, v46;
	v22 =	vmul.f32 v55, v47;
	v63 =	vld [tilespmem:s18+$0x4550]  }
0x204: {  	v24 =	vmul.f32 v56, v48;
	v21 =	vmul.f32 v58, v50;
	v40 =	vld [tilespmem:s18+$0x4560]  }
0x205: {  	v20 =	vmul.f32 v57, v49;
	v41 =	vld [tilespmem:s18+$0x4570];
	v19 =	vmul.f32 v19, v51  }
0x206: {  	v18 =	vadd.f32 v27, v18;
	v22 =	vadd.f32 v22, v23;
	v42 =	vld [tilespmem:s18+$0xC500]  }
0x207: {  	v20 =	vadd.f32 v20, v24;
	v43 =	vld [tilespmem:s18+$0xC510];
	v19 =	vadd.f32 v19, v21  }
0x208: {  	v44 =	vld [tilespmem:s18+$0xC520]  }
0x209: {  	v18 =	vadd.f32 v22, v18;
	v45 =	vld [tilespmem:s18+$0xC530];
	v19 =	vadd.f32 v19, v20  }
0x20a: {  	v46 =	vld [tilespmem:s18+$0xC540]  }
0x20b: {  	v47 =	vld [tilespmem:s18+$0xC550];
	v18 =	vadd.f32 v19, v18  }
0x20c: {  	v48 =	vld [tilespmem:s18+$0xC560]  }
0x20d: {  	v19 =	vld [tilespmem:s18+$0xC570];
	[tilespmem:$0x10650] =	vst v18  }
0x20e: {  	v18 =	vld [tilespmem:s18+$0x4580]  }
0x20f: {  	v49 =	vld [tilespmem:s18+$0x4590]  }
0x210: {  	v50 =	vld [tilespmem:s18+$0x45A0]  }
0x211: {  	v51 =	vld [tilespmem:s18+$0x45B0]  }
0x212: {  	v17 =	vmul.f32 v42, v17;
	v25 =	vmul.f32 v43, v59;
	v52 =	vld [tilespmem:s18+$0x45C0]  }
0x213: {  	v23 =	vmul.f32 v44, v60;
	v21 =	vmul.f32 v45, v61;
	v53 =	vld [tilespmem:s18+$0x45D0]  }
0x214: {  	v24 =	vmul.f32 v46, v62;
	v22 =	vmul.f32 v48, v40;
	v54 =	vld [tilespmem:s18+$0x45E0]  }
0x215: {  	v20 =	vmul.f32 v47, v63;
	v55 =	vld [tilespmem:s18+$0x45F0];
	v19 =	vmul.f32 v19, v41  }
0x216: {  	v17 =	vadd.f32 v25, v17;
	v21 =	vadd.f32 v21, v23;
	v56 =	vld [tilespmem:s18+$0xC580]  }
0x217: {  	v20 =	vadd.f32 v20, v24;
	v57 =	vld [tilespmem:s18+$0xC590];
	v19 =	vadd.f32 v19, v22  }
0x218: {  	v58 =	vld [tilespmem:s18+$0xC5A0]  }
0x219: {  	v17 =	vadd.f32 v21, v17;
	v59 =	vld [tilespmem:s18+$0xC5B0];
	v19 =	vadd.f32 v19, v20  }
0x21a: {  	v60 =	vld [tilespmem:s18+$0xC5C0]  }
0x21b: {  	v61 =	vld [tilespmem:s18+$0xC5D0];
	v17 =	vadd.f32 v19, v17  }
0x21c: {  	v62 =	vld [tilespmem:s18+$0xC5E0]  }
0x21d: {  	v19 =	vld [tilespmem:s18+$0xC5F0];
	[tilespmem:$0x10660] =	vst v17  }
0x21e: {  	v17 =	vld [tilespmem:s18+$0x4600]  }
0x21f: {  	v63 =	vld [tilespmem:s18+$0x4610]  }
0x220: {  	v40 =	vld [tilespmem:s18+$0x4620]  }
0x221: {  	v41 =	vld [tilespmem:s18+$0x4630]  }
0x222: {  	v18 =	vmul.f32 v56, v18;
	v27 =	vmul.f32 v57, v49;
	v42 =	vld [tilespmem:s18+$0x4640]  }
0x223: {  	v23 =	vmul.f32 v58, v50;
	v22 =	vmul.f32 v59, v51;
	v43 =	vld [tilespmem:s18+$0x4650]  }
0x224: {  	v24 =	vmul.f32 v60, v52;
	v21 =	vmul.f32 v62, v54;
	v44 =	vld [tilespmem:s18+$0x4660]  }
0x225: {  	v20 =	vmul.f32 v61, v53;
	v45 =	vld [tilespmem:s18+$0x4670];
	v19 =	vmul.f32 v19, v55  }
0x226: {  	v18 =	vadd.f32 v27, v18;
	v22 =	vadd.f32 v22, v23;
	v46 =	vld [tilespmem:s18+$0xC600]  }
0x227: {  	v20 =	vadd.f32 v20, v24;
	v47 =	vld [tilespmem:s18+$0xC610];
	v19 =	vadd.f32 v19, v21  }
0x228: {  	v48 =	vld [tilespmem:s18+$0xC620]  }
0x229: {  	v18 =	vadd.f32 v22, v18;
	v49 =	vld [tilespmem:s18+$0xC630];
	v19 =	vadd.f32 v19, v20  }
0x22a: {  	v50 =	vld [tilespmem:s18+$0xC640]  }
0x22b: {  	v51 =	vld [tilespmem:s18+$0xC650];
	v18 =	vadd.f32 v19, v18  }
0x22c: {  	v52 =	vld [tilespmem:s18+$0xC660]  }
0x22d: {  	v19 =	vld [tilespmem:s18+$0xC670];
	[tilespmem:$0x10670] =	vst v18  }
0x22e: {  	v18 =	vld [tilespmem:s18+$0x4680]  }
0x22f: {  	v53 =	vld [tilespmem:s18+$0x4690]  }
0x230: {  	v54 =	vld [tilespmem:s18+$0x46A0]  }
0x231: {  	v55 =	vld [tilespmem:s18+$0x46B0]  }
0x232: {  	v17 =	vmul.f32 v46, v17;
	v25 =	vmul.f32 v47, v63;
	v56 =	vld [tilespmem:s18+$0x46C0]  }
0x233: {  	v23 =	vmul.f32 v48, v40;
	v21 =	vmul.f32 v49, v41;
	v57 =	vld [tilespmem:s18+$0x46D0]  }
0x234: {  	v24 =	vmul.f32 v50, v42;
	v22 =	vmul.f32 v52, v44;
	v58 =	vld [tilespmem:s18+$0x46E0]  }
0x235: {  	v20 =	vmul.f32 v51, v43;
	v59 =	vld [tilespmem:s18+$0x46F0];
	v19 =	vmul.f32 v19, v45  }
0x236: {  	v17 =	vadd.f32 v25, v17;
	v21 =	vadd.f32 v21, v23;
	v60 =	vld [tilespmem:s18+$0xC680]  }
0x237: {  	v20 =	vadd.f32 v20, v24;
	v61 =	vld [tilespmem:s18+$0xC690];
	v19 =	vadd.f32 v19, v22  }
0x238: {  	v62 =	vld [tilespmem:s18+$0xC6A0]  }
0x239: {  	v17 =	vadd.f32 v21, v17;
	v63 =	vld [tilespmem:s18+$0xC6B0];
	v19 =	vadd.f32 v19, v20  }
0x23a: {  	v39 =	vld [tilespmem:s18+$0xC6C0]  }
0x23b: {  	v40 =	vld [tilespmem:s18+$0xC6D0];
	v17 =	vadd.f32 v19, v17  }
0x23c: {  	v41 =	vld [tilespmem:s18+$0xC6E0]  }
0x23d: {  	v19 =	vld [tilespmem:s18+$0xC6F0];
	[tilespmem:$0x10680] =	vst v17  }
0x23e: {  	v17 =	vld [tilespmem:s18+$0x4700]  }
0x23f: {  	v42 =	vld [tilespmem:s18+$0x4710]  }
0x240: {  	v43 =	vld [tilespmem:s18+$0x4720]  }
0x241: {  	v44 =	vld [tilespmem:s18+$0x4730]  }
0x242: {  	v18 =	vmul.f32 v60, v18;
	v27 =	vmul.f32 v61, v53;
	v45 =	vld [tilespmem:s18+$0x4740]  }
0x243: {  	v23 =	vmul.f32 v62, v54;
	v22 =	vmul.f32 v63, v55;
	v46 =	vld [tilespmem:s18+$0x4750]  }
0x244: {  	v24 =	vmul.f32 v39, v56;
	v21 =	vmul.f32 v41, v58;
	v47 =	vld [tilespmem:s18+$0x4760]  }
0x245: {  	v20 =	vmul.f32 v40, v57;
	v48 =	vld [tilespmem:s18+$0x4770];
	v19 =	vmul.f32 v19, v59  }
0x246: {  	v18 =	vadd.f32 v27, v18;
	v22 =	vadd.f32 v22, v23;
	v49 =	vld [tilespmem:s18+$0xC700]  }
0x247: {  	v20 =	vadd.f32 v20, v24;
	v50 =	vld [tilespmem:s18+$0xC710];
	v19 =	vadd.f32 v19, v21  }
0x248: {  	v51 =	vld [tilespmem:s18+$0xC720]  }
0x249: {  	v18 =	vadd.f32 v22, v18;
	v52 =	vld [tilespmem:s18+$0xC730];
	v19 =	vadd.f32 v19, v20  }
0x24a: {  	v53 =	vld [tilespmem:s18+$0xC740]  }
0x24b: {  	v54 =	vld [tilespmem:s18+$0xC750];
	v18 =	vadd.f32 v19, v18  }
0x24c: {  	v55 =	vld [tilespmem:s18+$0xC760]  }
0x24d: {  	v19 =	vld [tilespmem:s18+$0xC770];
	[tilespmem:$0x10690] =	vst v18  }
0x24e: {  	v18 =	vld [tilespmem:s18+$0x4780]  }
0x24f: {  	v56 =	vld [tilespmem:s18+$0x4790]  }
0x250: {  	v57 =	vld [tilespmem:s18+$0x47A0]  }
0x251: {  	v58 =	vld [tilespmem:s18+$0x47B0]  }
0x252: {  	v17 =	vmul.f32 v49, v17;
	v25 =	vmul.f32 v50, v42;
	v59 =	vld [tilespmem:s18+$0x47C0]  }
0x253: {  	v23 =	vmul.f32 v51, v43;
	v21 =	vmul.f32 v52, v44;
	v60 =	vld [tilespmem:s18+$0x47D0]  }
0x254: {  	v24 =	vmul.f32 v53, v45;
	v22 =	vmul.f32 v55, v47;
	v61 =	vld [tilespmem:s18+$0x47E0]  }
0x255: {  	v20 =	vmul.f32 v54, v46;
	v62 =	vld [tilespmem:s18+$0x47F0];
	v19 =	vmul.f32 v19, v48  }
0x256: {  	v17 =	vadd.f32 v25, v17;
	v21 =	vadd.f32 v21, v23;
	v63 =	vld [tilespmem:s18+$0xC780]  }
0x257: {  	v20 =	vadd.f32 v20, v24;
	v39 =	vld [tilespmem:s18+$0xC790];
	v19 =	vadd.f32 v19, v22  }
0x258: {  	v40 =	vld [tilespmem:s18+$0xC7A0]  }
0x259: {  	v17 =	vadd.f32 v21, v17;
	v41 =	vld [tilespmem:s18+$0xC7B0];
	v19 =	vadd.f32 v19, v20  }
0x25a: {  	v42 =	vld [tilespmem:s18+$0xC7C0]  }
0x25b: {  	v43 =	vld [tilespmem:s18+$0xC7D0];
	v17 =	vadd.f32 v19, v17  }
0x25c: {  	v44 =	vld [tilespmem:s18+$0xC7E0]  }
0x25d: {  	v19 =	vld [tilespmem:s18+$0xC7F0];
	[tilespmem:$0x106A0] =	vst v17  }
0x25e: {  	v17 =	vld [tilespmem:s18+$0x4800]  }
0x25f: {  	v45 =	vld [tilespmem:s18+$0x4810]  }
0x260: {  	v46 =	vld [tilespmem:s18+$0x4820]  }
0x261: {  	v47 =	vld [tilespmem:s18+$0x4830]  }
0x262: {  	v18 =	vmul.f32 v63, v18;
	v27 =	vmul.f32 v39, v56;
	v48 =	vld [tilespmem:s18+$0x4840]  }
0x263: {  	v23 =	vmul.f32 v40, v57;
	v22 =	vmul.f32 v41, v58;
	v49 =	vld [tilespmem:s18+$0x4850]  }
0x264: {  	v24 =	vmul.f32 v42, v59;
	v21 =	vmul.f32 v44, v61;
	v50 =	vld [tilespmem:s18+$0x4860]  }
0x265: {  	v20 =	vmul.f32 v43, v60;
	v51 =	vld [tilespmem:s18+$0x4870];
	v19 =	vmul.f32 v19, v62  }
0x266: {  	v18 =	vadd.f32 v27, v18;
	v22 =	vadd.f32 v22, v23;
	v52 =	vld [tilespmem:s18+$0xC800]  }
0x267: {  	v20 =	vadd.f32 v20, v24;
	v53 =	vld [tilespmem:s18+$0xC810];
	v19 =	vadd.f32 v19, v21  }
0x268: {  	v54 =	vld [tilespmem:s18+$0xC820]  }
0x269: {  	v18 =	vadd.f32 v22, v18;
	v55 =	vld [tilespmem:s18+$0xC830];
	v19 =	vadd.f32 v19, v20  }
0x26a: {  	v56 =	vld [tilespmem:s18+$0xC840]  }
0x26b: {  	v57 =	vld [tilespmem:s18+$0xC850];
	v18 =	vadd.f32 v19, v18  }
0x26c: {  	v58 =	vld [tilespmem:s18+$0xC860]  }
0x26d: {  	v19 =	vld [tilespmem:s18+$0xC870];
	[tilespmem:$0x106B0] =	vst v18  }
0x26e: {  	v18 =	vld [tilespmem:s18+$0x4880]  }
0x26f: {  	v59 =	vld [tilespmem:s18+$0x4890]  }
0x270: {  	v60 =	vld [tilespmem:s18+$0x48A0]  }
0x271: {  	v61 =	vld [tilespmem:s18+$0x48B0]  }
0x272: {  	v17 =	vmul.f32 v52, v17;
	v25 =	vmul.f32 v53, v45;
	v62 =	vld [tilespmem:s18+$0x48C0]  }
0x273: {  	v23 =	vmul.f32 v54, v46;
	v21 =	vmul.f32 v55, v47;
	v63 =	vld [tilespmem:s18+$0x48D0]  }
0x274: {  	v24 =	vmul.f32 v56, v48;
	v22 =	vmul.f32 v58, v50;
	v40 =	vld [tilespmem:s18+$0x48E0]  }
0x275: {  	v20 =	vmul.f32 v57, v49;
	v41 =	vld [tilespmem:s18+$0x48F0];
	v19 =	vmul.f32 v19, v51  }
0x276: {  	v17 =	vadd.f32 v25, v17;
	v21 =	vadd.f32 v21, v23;
	v42 =	vld [tilespmem:s18+$0xC880]  }
0x277: {  	v20 =	vadd.f32 v20, v24;
	v43 =	vld [tilespmem:s18+$0xC890];
	v19 =	vadd.f32 v19, v22  }
0x278: {  	v44 =	vld [tilespmem:s18+$0xC8A0]  }
0x279: {  	v17 =	vadd.f32 v21, v17;
	v45 =	vld [tilespmem:s18+$0xC8B0];
	v19 =	vadd.f32 v19, v20  }
0x27a: {  	v46 =	vld [tilespmem:s18+$0xC8C0]  }
0x27b: {  	v47 =	vld [tilespmem:s18+$0xC8D0];
	v17 =	vadd.f32 v19, v17  }
0x27c: {  	v48 =	vld [tilespmem:s18+$0xC8E0]  }
0x27d: {  	v19 =	vld [tilespmem:s18+$0xC8F0];
	[tilespmem:$0x106C0] =	vst v17  }
0x27e: {  	v17 =	vld [tilespmem:s18+$0x4900]  }
0x27f: {  	v49 =	vld [tilespmem:s18+$0x4910]  }
0x280: {  	v29 =	vld [tilespmem:s18+$0x4920]  }
0x281: {  	v50 =	vld [tilespmem:s18+$0x4930]  }
0x282: {  	v18 =	vmul.f32 v42, v18;
	v27 =	vmul.f32 v43, v59;
	v34 =	vld [tilespmem:s18+$0x4940]  }
0x283: {  	v23 =	vmul.f32 v44, v60;
	v22 =	vmul.f32 v45, v61;
	v35 =	vld [tilespmem:s18+$0x4950]  }
0x284: {  	v24 =	vmul.f32 v46, v62;
	v21 =	vmul.f32 v48, v40;
	v51 =	vld [tilespmem:s18+$0x4960]  }
0x285: {  	v20 =	vmul.f32 v47, v63;
	v52 =	vld [tilespmem:s18+$0x4970];
	v19 =	vmul.f32 v19, v41  }
0x286: {  	v18 =	vadd.f32 v27, v18;
	v22 =	vadd.f32 v22, v23;
	v53 =	vld [tilespmem:s18+$0xC900]  }
0x287: {  	v20 =	vadd.f32 v20, v24;
	v54 =	vld [tilespmem:s18+$0xC910];
	v19 =	vadd.f32 v19, v21  }
0x288: {  	v55 =	vld [tilespmem:s18+$0xC920]  }
0x289: {  	v18 =	vadd.f32 v22, v18;
	v56 =	vld [tilespmem:s18+$0xC930];
	v19 =	vadd.f32 v19, v20  }
0x28a: {  	v57 =	vld [tilespmem:s18+$0xC940]  }
0x28b: {  	v58 =	vld [tilespmem:s18+$0xC950];
	v18 =	vadd.f32 v19, v18  }
0x28c: {  	v59 =	vld [tilespmem:s18+$0xC960]  }
0x28d: {  	v19 =	vld [tilespmem:s18+$0xC970];
	[tilespmem:$0x106D0] =	vst v18  }
0x28e: {  	v18 =	vld [tilespmem:s18+$0x4980]  }
0x28f: {  	v60 =	vld [tilespmem:s18+$0x4990]  }
0x290: {  	v61 =	vld [tilespmem:s18+$0x49A0]  }
0x291: {  	v62 =	vld [tilespmem:s18+$0x49B0]  }
0x292: {  	v63 =	vld [tilespmem:s18+$0x49C0]  }
0x293: {  	v48 =	vld [tilespmem:s18+$0x49D0]  }
0x294: {  	v39 =	vld [tilespmem:s18+$0x49E0]  }
0x295: {  	v40 =	vld [tilespmem:s18+$0x49F0]  }
0x296: {  	v41 =	vld [tilespmem:s18+$0xC980]  }
0x297: {  	v42 =	vld [tilespmem:s18+$0xC990]  }
0x298: {  	v43 =	vld [tilespmem:s18+$0xC9A0]  }
0x299: {  	v44 =	vld [tilespmem:s18+$0xC9B0]  }
0x29a: {  	v45 =	vld [tilespmem:s18+$0xC9C0]  }
0x29b: {  	v17 =	vmul.f32 v53, v17;
	v25 =	vmul.f32 v54, v49;
	v46 =	vld [tilespmem:s18+$0xC9D0]  }
0x29c: {  	v23 =	vmul.f32 v55, v29;
	v21 =	vmul.f32 v56, v50;
	v49 =	vld [tilespmem:s18+$0xC9E0]  }
0x29d: {  	v24 =	vmul.f32 v57, v34;
	v22 =	vmul.f32 v59, v51;
	v50 =	vld [tilespmem:s18+$0xC9F0]  }
0x29e: {  	v20 =	vmul.f32 v58, v35;
	v19 =	vmul.f32 v19, v52  }
0x29f: {  	v17 =	vadd.f32 v25, v17;
	v18 =	vmul.f32 v41, v18;
	v51 =	vmul.f32 v42, v60  }
0x2a0: {  	v21 =	vadd.f32 v21, v23;
	v52 =	vmul.f32 v43, v61;
	v53 =	vmul.f32 v44, v62  }
0x2a1: {  	v20 =	vadd.f32 v20, v24;
	v54 =	vmul.f32 v45, v63;
	v55 =	vmul.f32 v46, v48  }
0x2a2: {  	v19 =	vadd.f32 v19, v22;
	v56 =	vmul.f32 v49, v39;
	v57 =	vmul.f32 v50, v40  }
0x2a3: {  	v18 =	vadd.f32 v51, v18;
	v23 =	vadd.f32 v53, v52  }
0x2a4: {  	v24 =	vadd.f32 v55, v54;
	v22 =	vadd.f32 v57, v56  }
0x2a5: {  	v17 =	vadd.f32 v21, v17;
	v19 =	vadd.f32 v19, v20  }
0x2a6: {  	v18 =	vadd.f32 v23, v18;
	v58 =	vadd.f32 v22, v24  }
0x2a7: {  	v17 =	vadd.f32 v19, v17  }
0x2a8: {  	v18 =	vadd.f32 v58, v18  }
0x2a9: {  	[tilespmem:$0x106E0] =	vst v17  }
0x2aa: {  	s6 =	sshll.u32 s17, $0x4;
	[tilespmem:$0x106F0] =	vst v18  }
0x2ab: {  	v17 =	vld [tilespmem:s6+$0x10280]  }
0x2ac: {  	v18 =	vld [tilespmem:s6+$0x10380];
	_ =	sdelay $0x1  }
0x2ad: {  	v19 =	vld.idx.msk [tilespmem:v0+s24+$0x0], $0xffff;
	_ =	sdelay $0x1  }
0x2ae: {  	v59 =	vld.idx.msk [tilespmem:v1+s24+$0x0], $0xffff  }
0x2af: {  	v17 =	vadd.f32 v18, v17  }
0x2b0: {  	v18 =	vld.idx.msk [tilespmem:v2+s24+$0x0], $0xffff  }
0x2b1: {  	v17 =	vadd.f32 v19, v17  }
0x2b2: {  	v19 =	vld.idx.msk [tilespmem:v3+s24+$0x0], $0xffff  }
0x2b3: {  	v17 =	vadd.f32 v59, v17  }
0x2b4: {  	v60 =	vld.idx.msk [tilespmem:v4+s24+$0x0], $0xffff  }
0x2b5: {  	v17 =	vadd.f32 v18, v17  }
0x2b6: {  	v18 =	vld.idx.msk [tilespmem:v5+s24+$0x0], $0xffff  }
0x2b7: {  	v17 =	vadd.f32 v19, v17  }
0x2b8: {  	v19 =	vld.idx.msk [tilespmem:v6+s24+$0x0], $0xffff  }
0x2b9: {  	v17 =	vadd.f32 v60, v17  }
0x2ba: {  	v61 =	vld.idx.msk [tilespmem:v7+s24+$0x0], $0xffff  }
0x2bb: {  	v17 =	vadd.f32 v18, v17  }
0x2bc: {  	v18 =	vld.idx.msk [tilespmem:v8+s24+$0x0], $0xffff  }
0x2bd: {  	v17 =	vadd.f32 v19, v17  }
0x2be: {  	v19 =	vld.idx.msk [tilespmem:v9+s24+$0x0], $0xffff  }
0x2bf: {  	v17 =	vadd.f32 v61, v17  }
0x2c0: {  	v62 =	vld.idx.msk [tilespmem:v10+s24+$0x0], $0xffff  }
0x2c1: {  	v17 =	vadd.f32 v18, v17  }
0x2c2: {  	v18 =	vld.idx.msk [tilespmem:v11+s24+$0x0], $0xffff  }
0x2c3: {  	v17 =	vadd.f32 v19, v17  }
0x2c4: {  	v19 =	vld.idx.msk [tilespmem:v12+s24+$0x0], $0xffff  }
0x2c5: {  	v17 =	vadd.f32 v62, v17  }
0x2c6: {  	v63 =	vld.idx.msk [tilespmem:v13+s24+$0x0], $0xffff  }
0x2c7: {  	v17 =	vadd.f32 v18, v17  }
0x2c8: {  	v18 =	vld.idx.msk [tilespmem:v14+s24+$0x0], $0xffff  }
0x2c9: {  	v17 =	vadd.f32 v19, v17  }
0x2ca: {  	v19 =	vld.idx.msk [tilespmem:v15+s24+$0x0], $0xffff  }
0x2cb: {  	v17 =	vadd.f32 v63, v17  }
0x2cc: {  	p1 =	sne.s32 s17, $0x7  }
.Ltmp1:
0x2cd: {  	v17 =	vadd.f32 v18, v17;
	(pc) =	sbr.rel @p1 .LBB2_5-.Ltmp1, $3  }
0x2ce: {  	_ = 	snop  }
0x2cf: {  	v17 =	vadd.f32 v19, v17;
	_ =	sdelay $0x1  }
0x2d0: {  	s17 =	sadd.s32 $0x1, s17;
	[tilespmem:v16+s6+$0x0 ss:$0x1] =	vst.idx.msk $0xffff, v17  }
.Ltmp2:
0x2d1: {  	(pc) =	sbr.rel @p0 .LBB2_2-.Ltmp2, $2  }
0x2d2: {  	_ =	sdelay $0x2  }
0x2d3: {  	s17 =	simm.s32 $0x400;
	p1 =	por $0x0, $0x0  }
0x2d4: {  	s15 =	simm.s32 $0x0  }
0x2d5: {  	s6 =	rddreg [dreg:$0xb];
	s17 =	simm.s32 $0x10400;
	s18 =	simm.s32 $0xD  }
0x2d6: {  	[hbm4b:s6+s15] =	stream.linear.scatter [tilespmem:s17], [sflag:$0xD], $0x200, $0x38;
	[tilespmem:$0x10700] =	vst v63  }
0x2d7: {  	_ =	swait.ge [sflag:s18], $0x200  }
0x2d8: {  	s16 =	sadd.s32 $0x1, s16;
	s19 =	rddreg [dreg:$0xc]  }
0x2d9: {  	p0 =	sne.s32 s16, s19  }
.Ltmp3:
0x2da: {  	_ = 	snop;
	(pc) =	sbr.rel @p0 .LBB2_1-.Ltmp3, $3  }
0x2db: {  	_ =	sdelay $0x1  }
0x2dc: {  	[sflag:s18] =	ssyncset.done $0x0  }
0x2dd: {  	[sflag:s18] =	ssyncadd.s32 $0xFFFFFE00  }
0x2de: {  	_ =	sfence.sel $0x180000  }
0x2df: {  	[bflag:$0x0] =	sbarrier.arrive $0xFFFF  }
0x2e0: {  	_ =	strace $0x90000047  }
0x2e1: {  	s0 =	stileid.u32;
	[bflag:$0x2] =	sbarrier.arrive $0xFFFF  }
0x2e2: {  	p0 =	sne.s32 s0, $0x0;
	s0 =	rddreg [dreg:$0x6]  }
0x2e3: {  	s0 =	sadd.s32 @!p0 $0x100000, s0  }
0x2e4: {  	[sflag:s0] =	ssyncadd.tile.s32 @!p0 $0x1;
	_ =	shalt  }
.Lfunc_end2:
_tile_overlayer_lowered:
.L_overlay_start_2:
0x2e5: {  	(tag) =	ssettag $0x2  }
0x2e6: {  	s0 =	rddreg [dreg:$0x0];
	s2 =	stileid.u32  }
0x2e7: {  	s1 =	rddreg [dreg:$0x1];
	p0 =	sne.s32 s2, $0x0  }
0x2e8: {  	s3 =	rddreg [dreg:$0x2];
	[bflag:$0x3] =	sbarrier.arrive $0xFFFF;
	s2 =	simm.s32 @!p0 $0x1C0D  }
0x2e9: {  	[timem:s3], [sflag:s2] =	dma.local @!p0 [hbm:s0], s1  }
0x2ea: {  	s0 =	simm.s32 @!p0 $0xD  }
0x2eb: {  	_ =	swait.ge @!p0 [sflag:s0], s1  }
0x2ec: {  	s1 =	ssub.s32 @!p0 $0x0, s1;
	[sflag:s0] =	ssyncset.done @!p0 $0x0  }
0x2ed: {  	[sflag:s0] =	ssyncadd.s32 @!p0 s1  }
0x2ee: {  	[bflag:$0x3] =	sbarrier.arrive $0xFFFF  }
0x2ef: {  	_ =	shalt  }

</sc_bundles>
